<compile_context>
chip_gen: v7x
topology: tpu7x:2x2x1
jax: 0.10.2.dev20260603
libtpu: 0.0.44.dev20260713+nightly
codegen_flags: <defaults>
</compile_context>

<pallas_src>
import functools

import jax
import jax.numpy as jnp
from jax import lax
from jax.experimental import pallas as pl
from jax.experimental.pallas import tpu as pltpu
from jax.experimental.pallas import tpu_sc as plsc

IMG_H, IMG_W = 512, 512
PATCH_H, PATCH_W = 64, 64
PATCH_NUM = 16
B, C = 4, 96

NUM_CORES = 2
NUM_SUBCORES = 16
NUM_WORKERS = NUM_CORES * NUM_SUBCORES
C_PER_WORKER = C // NUM_WORKERS
ITEMS = PATCH_NUM * B * C_PER_WORKER
NBUF = 4

N_ROWS = B * C * IMG_H
BLK_H = PATCH_H + 8
BLK_W = 256


def _patch_body(x_hbm, ys_hbm, xs_hbm, out_hbm, ysv, xsv, *bufs_obs_sems):
    bufs = bufs_obs_sems[0:NBUF]
    obs = bufs_obs_sems[NBUF:2 * NBUF]
    sins = bufs_obs_sems[2 * NBUF:3 * NBUF]
    souts = bufs_obs_sems[3 * NBUF:4 * NBUF]

    wid = lax.axis_index("s") * NUM_CORES + lax.axis_index("c")
    pltpu.sync_copy(ys_hbm, ysv)
    pltpu.sync_copy(xs_hbm, xsv)
    lane = lax.iota(jnp.int32, 16)

    def item_coords(k):
        p = k & 15
        i = k >> 4
        j = i >> 2
        b = i & 3
        mask = lane == p
        y0 = jnp.sum(jnp.where(mask, ysv[...], 0))
        x0 = jnp.sum(jnp.where(mask, xsv[...], 0))
        c = wid * C_PER_WORKER + j
        grow = (b * C + c) * IMG_H + y0
        ra = jnp.minimum(grow & ~7, N_ROWS - BLK_H)
        dy = grow - ra
        xa = jnp.minimum(x0 & ~127, IMG_W - BLK_W)
        dx = x0 - xa
        oidx = (p * B + b) * C + c
        return ra, xa, dy, dx, oidx

    def start_in(k, par):
        ra, xa, _, dx, _ = item_coords(k)
        srcl = x_hbm.at[
            pl.ds(pl.multiple_of(ra, 8), BLK_H),
            pl.ds(pl.multiple_of(xa, 128), 128),
        ]
        pltpu.async_copy(srcl, bufs[par].at[:, pl.ds(0, 128)], sins[par])

        @pl.when(dx > 64)
        def _():
            srcr = x_hbm.at[
                pl.ds(pl.multiple_of(ra, 8), BLK_H),
                pl.ds(pl.multiple_of(xa + 128, 128), 128),
            ]
            pltpu.async_copy(srcr, bufs[par].at[:, pl.ds(128, 128)], sins[par])

    def wait_in(k, par):
        _, _, _, dx, _ = item_coords(k)
        pltpu.make_async_copy(
            x_hbm.at[pl.ds(0, BLK_H), pl.ds(0, 128)],
            bufs[par].at[:, pl.ds(0, 128)],
            sins[par],
        ).wait()

        @pl.when(dx > 64)
        def _():
            pltpu.make_async_copy(
                x_hbm.at[pl.ds(0, BLK_H), pl.ds(0, 128)],
                bufs[par].at[:, pl.ds(128, 128)],
                sins[par],
            ).wait()

    def start_out(oidx, par):
        pltpu.async_copy(obs[par], out_hbm.at[oidx], souts[par])

    def wait_out(par):
        pltpu.make_async_copy(obs[par], out_hbm.at[0], souts[par]).wait()

    def extract(dy, dx, par):
        buf = bufs[par]
        ob = obs[par]
        colvs = [dx + jj * 16 + lane for jj in range(PATCH_W // 16)]

        @plsc.parallel_loop(0, PATCH_H, 1, unroll=8)
        def _(r):
            rowv = lax.full((16,), 0, jnp.int32) + (dy + r)
            for jj in range(PATCH_W // 16):
                v = plsc.load_gather(buf, [rowv, colvs[jj]])
                ob[r, pl.ds(jj * 16, 16)] = v

    for par in range(NBUF):
        start_in(par, par)

    def group_body(kg, carry):
        for par in range(NBUF):
            k = NBUF * kg + par
            _, _, dy, dx, oidx = item_coords(k)
            wait_in(k, par)

            @pl.when(k >= NBUF)
            def _():
                wait_out(par)

            extract(dy, dx, par)
            start_out(oidx, par)

            @pl.when(k + NBUF < ITEMS)
            def _():
                start_in(k + NBUF, par)
        return carry

    lax.fori_loop(0, ITEMS // NBUF, group_body, 0)
    for par in range(NBUF):
        wait_out(par)


@jax.jit
def _run(x2, ys, xs):
    mesh = plsc.VectorSubcoreMesh(core_axis_name="c", subcore_axis_name="s")
    f = functools.partial(
        pl.kernel,
        mesh=mesh,
        out_type=jax.ShapeDtypeStruct(
            (PATCH_NUM * B * C, PATCH_H, PATCH_W), jnp.float32
        ),
        scratch_types=(
            [
                pltpu.VMEM((16,), jnp.int32),
                pltpu.VMEM((16,), jnp.int32),
            ]
            + [pltpu.VMEM((BLK_H, BLK_W), jnp.float32)] * NBUF
            + [pltpu.VMEM((PATCH_H, PATCH_W), jnp.float32)] * NBUF
            + [pltpu.SemaphoreType.DMA] * (2 * NBUF)
        ),
        compiler_params=pltpu.CompilerParams(needs_layout_passes=False),
    )(_patch_body)
    return f(x2, ys, xs)


def kernel(input, patch_indices):
    x2 = input.reshape(B * C * IMG_H, IMG_W)
    pidx = patch_indices.astype(jnp.int32)
    ys = pidx[:, 0]
    xs = pidx[:, 1]
    out3 = _run(x2, ys, xs)
    return out3.reshape(PATCH_NUM * B, C, PATCH_H, PATCH_W)

# --- scband reference (transcript-rebuilt; emitter-appended) ---
"""Pipeline reference for scband-random-patching2-d-48180943127386 (READ-ONLY COPY).

The authoritative reference and input builder live on the scoring server;
editing this copy changes nothing except your own understanding.
"""

import jax, jax.numpy as jnp
import numpy as np

IMG_H, IMG_W = 512, 512
PATCH_H, PATCH_W = 64, 64
PATCH_NUM = 16
B, C = 4, 96


def setup_inputs(seed: int = 0) -> dict:
    key = jax.random.key(seed)
    k1, k2 = jax.random.split(key)
    x = jax.random.normal(k1, (B, C, IMG_H, IMG_W), dtype=jnp.float32)
    # upper-left corners (y, x); valid range so patches fit inside the image
    patch_indices = jax.random.randint(k2, (PATCH_NUM, 2), 0, IMG_H - PATCH_H + 1).astype(jnp.int64)
    return {"input": x, "patch_indices": patch_indices}


def reference(input, patch_indices):
    # RandomPatching2D.apply: extract P patches at stored upper-left corners
    # from every batch element; output shape (P*B, C, Hp, Wp) with patch-major order.
    y_idx = patch_indices[:, 0][:, None] + jnp.arange(PATCH_H)[None, :]  # (P, Hp)
    x_idx = patch_indices[:, 1][:, None] + jnp.arange(PATCH_W)[None, :]  # (P, Wp)
    # advanced-index gather -> (B, C, P, Hp, Wp)
    patches = input[:, :, y_idx[:, :, None], x_idx[:, None, :]]
    # rearrange 'b c p h w -> (p b) c h w'
    patches = jnp.transpose(patches, (2, 0, 1, 3, 4))
    P = patches.shape[0]
    return patches.reshape(P * B, C, PATCH_H, PATCH_W)

if __name__ == "__main__":
    import jax
    _d = setup_inputs()
    print(jax.jit(kernel)(*tuple(_d.values())))

</pallas_src>

<mosaic_0001>
#map = affine_map<(d0, d1) -> (0, 0)>
#map1 = affine_map<(d0, d1) -> (0)>
#map2 = affine_map<(d0, d1) -> (0, 0, 0)>
module attributes {stable_mosaic.version = 14 : i64} {
  func.func @_patch_body(%arg0: i32, %arg1: i32, %arg2: memref<196608x512xf32, #tpu.memory_space<hbm>>, %arg3: memref<16xi32, #tpu.memory_space<hbm>>, %arg4: memref<16xi32, #tpu.memory_space<hbm>>, %arg5: memref<6144x64x64xf32, #tpu.memory_space<hbm>>, %arg6: memref<16xi32, #tpu.memory_space<vmem>>, %arg7: memref<16xi32, #tpu.memory_space<vmem>>, %arg8: memref<72x256xf32, #tpu.memory_space<vmem>>, %arg9: memref<72x256xf32, #tpu.memory_space<vmem>>, %arg10: memref<72x256xf32, #tpu.memory_space<vmem>>, %arg11: memref<72x256xf32, #tpu.memory_space<vmem>>, %arg12: memref<64x64xf32, #tpu.memory_space<vmem>>, %arg13: memref<64x64xf32, #tpu.memory_space<vmem>>, %arg14: memref<64x64xf32, #tpu.memory_space<vmem>>, %arg15: memref<64x64xf32, #tpu.memory_space<vmem>>, %arg16: memref<!tpu.dma_semaphore, #tpu.memory_space<semaphore_mem>>, %arg17: memref<!tpu.dma_semaphore, #tpu.memory_space<semaphore_mem>>, %arg18: memref<!tpu.dma_semaphore, #tpu.memory_space<semaphore_mem>>, %arg19: memref<!tpu.dma_semaphore, #tpu.memory_space<semaphore_mem>>, %arg20: memref<!tpu.dma_semaphore, #tpu.memory_space<semaphore_mem>>, %arg21: memref<!tpu.dma_semaphore, #tpu.memory_space<semaphore_mem>>, %arg22: memref<!tpu.dma_semaphore, #tpu.memory_space<semaphore_mem>>, %arg23: memref<!tpu.dma_semaphore, #tpu.memory_space<semaphore_mem>>) attributes {dimension_semantics = [#tpu.dimension_semantics<core_parallel>, #tpu.dimension_semantics<subcore_parallel>], iteration_bounds = array<i64: 2, 16>, scalar_prefetch = 0 : i64, scratch_operands = 18 : i64, tpu.core_type = #tpu.core_type<sc_vector_subcore>, window_params = [{transform_indices = #map}, {transform_indices = #map1}, {transform_indices = #map1}, {transform_indices = #map2}]} {
    %mul3A = arith.constant 2 : i32
    %mul3A_0 = arith.muli %arg1, %mul3A : i32
    %add3A = arith.addi %mul3A_0, %arg0 : i32
    "tpu.region"() ({
      %run_scoped3A = tpu.sem_alloc : memref<!tpu.dma_semaphore, #tpu.memory_space<semaphore_mem>>
      tpu.enqueue_dma source(%arg3 : memref<16xi32, #tpu.memory_space<hbm>>) target(%arg6 : memref<16xi32, #tpu.memory_space<vmem>>) target_semaphore(%run_scoped3A : memref<!tpu.dma_semaphore, #tpu.memory_space<semaphore_mem>>)
      tpu.wait_dma2 semaphore(%run_scoped3A : memref<!tpu.dma_semaphore, #tpu.memory_space<semaphore_mem>>) src(%arg3 : memref<16xi32, #tpu.memory_space<hbm>>) dst(%arg6 : memref<16xi32, #tpu.memory_space<vmem>>)
      tpu.yield
    }) : () -> ()
    "tpu.region"() ({
      %run_scoped3A = tpu.sem_alloc : memref<!tpu.dma_semaphore, #tpu.memory_space<semaphore_mem>>
      tpu.enqueue_dma source(%arg4 : memref<16xi32, #tpu.memory_space<hbm>>) target(%arg7 : memref<16xi32, #tpu.memory_space<vmem>>) target_semaphore(%run_scoped3A : memref<!tpu.dma_semaphore, #tpu.memory_space<semaphore_mem>>)
      tpu.wait_dma2 semaphore(%run_scoped3A : memref<!tpu.dma_semaphore, #tpu.memory_space<semaphore_mem>>) src(%arg4 : memref<16xi32, #tpu.memory_space<hbm>>) dst(%arg7 : memref<16xi32, #tpu.memory_space<vmem>>)
      tpu.yield
    }) : () -> ()
    %iota3A = tpu.iota {dimensions = array<i32: 0>} : vector<16xi32>
    %eq3A = arith.constant 0 : i32
    %eq3A_1 = vector.broadcast %eq3A : i32 to vector<16xi32>
    %eq3A_2 = arith.cmpi eq, %iota3A, %eq3A_1 : vector<16xi32>
    %get3A = arith.constant 0 : index
    %get3A_3 = tpu.vector_load %arg6[%get3A] {strides = array<i32>} : memref<16xi32, #tpu.memory_space<vmem>>, vector<16xi32>,
    %jit3A = arith.constant 0 : i32
    %broadcast_in_dim3A = vector.broadcast %jit3A : i32 to vector<16xi32>
    %select_n3A = arith.select %eq3A_2, %get3A_3, %broadcast_in_dim3A : vector<16xi1>, vector<16xi32>
    %reduce_sum3A = arith.constant true
    %reduce_sum3A_4 = vector.broadcast %reduce_sum3A : i1 to vector<16xi1>
    %reduce_sum3A_5 = tpu.scan <sum>, %select_n3A masked %reduce_sum3A_4 : vector<16xi32>, vector<16xi1> -> vector<16xi32>
    %reduce_sum3A_6 = vector.extract %reduce_sum3A_5[15] : i32 from vector<16xi32>
    %get3A_7 = arith.constant 0 : index
    %get3A_8 = tpu.vector_load %arg7[%get3A_7] {strides = array<i32>} : memref<16xi32, #tpu.memory_space<vmem>>, vector<16xi32>,
    %jit3A_9 = arith.constant 0 : i32
    %broadcast_in_dim3A_10 = vector.broadcast %jit3A_9 : i32 to vector<16xi32>
    %select_n3A_11 = arith.select %eq3A_2, %get3A_8, %broadcast_in_dim3A_10 : vector<16xi1>, vector<16xi32>
    %reduce_sum3A_12 = arith.constant true
    %reduce_sum3A_13 = vector.broadcast %reduce_sum3A_12 : i1 to vector<16xi1>
    %reduce_sum3A_14 = tpu.scan <sum>, %select_n3A_11 masked %reduce_sum3A_13 : vector<16xi32>, vector<16xi1> -> vector<16xi32>
    %reduce_sum3A_15 = vector.extract %reduce_sum3A_14[15] : i32 from vector<16xi32>
    %mul3A_16 = arith.constant 3 : i32
    %mul3A_17 = arith.muli %add3A, %mul3A_16 : i32
    %add3A_18 = arith.constant 0 : i32
    %add3A_19 = arith.addi %mul3A_17, %add3A_18 : i32
    %add3A_20 = arith.constant 0 : i32
    %add3A_21 = arith.addi %add3A_20, %add3A_19 : i32
    %mul3A_22 = arith.constant 512 : i32
    %mul3A_23 = arith.muli %add3A_21, %mul3A_22 : i32
    %add3A_24 = arith.addi %mul3A_23, %reduce_sum3A_6 : i32
    %and3A = arith.constant -8 : i32
    %and3A_25 = arith.andi %add3A_24, %and3A : i32
    %min3A = arith.constant 196536 : i32
    %min3A_26 = arith.minsi %and3A_25, %min3A : i32
    %sub3A = arith.subi %add3A_24, %min3A_26 : i32
    %and3A_27 = arith.constant -128 : i32
    %and3A_28 = arith.andi %reduce_sum3A_15, %and3A_27 : i32
    %min3A_29 = arith.constant 256 : i32
    %min3A_30 = arith.minsi %and3A_28, %min3A_29 : i32
    %sub3A_31 = arith.subi %reduce_sum3A_15, %min3A_30 : i32
    %add3A_32 = arith.constant 0 : i32
    %add3A_33 = arith.addi %add3A_32, %add3A_19 : i32
    %multiple_of3A = tpu.assume_multiple %min3A_26, 8 : i32
    %multiple_of3A_34 = tpu.assume_multiple %min3A_30, 128 : i32
    %dma_start3A = arith.constant 0 : i32
    %dma_start3A_35 = arith.constant 0 : i32
    %dma_start3A_36 = tpu.memref_slice %arg8[%dma_start3A, %dma_start3A_35] : memref<72x256xf32, #tpu.memory_space<vmem>> -> memref<72x128xf32, #tpu.memory_space<vmem>>
    %dma_start3A_37 = tpu.memref_slice %arg2[%multiple_of3A, %multiple_of3A_34] : memref<196608x512xf32, #tpu.memory_space<hbm>> -> memref<72x128xf32, #tpu.memory_space<hbm>>
    %dma_start3A_38 = arith.constant 0 : i32
    %dma_start3A_39 = arith.constant 0 : i32
    %dma_start3A_40 = tpu.memref_slice %arg8[%dma_start3A_38, %dma_start3A_39] : memref<72x256xf32, #tpu.memory_space<vmem>> -> memref<72x128xf32, #tpu.memory_space<vmem>>
    %dma_start3A_41 = tpu.memref_slice %arg2[%multiple_of3A, %multiple_of3A_34] : memref<196608x512xf32, #tpu.memory_space<hbm>> -> memref<72x128xf32, #tpu.memory_space<hbm>>
    tpu.enqueue_dma source(%dma_start3A_41 : memref<72x128xf32, #tpu.memory_space<hbm>>) target(%dma_start3A_40 : memref<72x128xf32, #tpu.memory_space<vmem>>) target_semaphore(%arg16 : memref<!tpu.dma_semaphore, #tpu.memory_space<semaphore_mem>>)
    %gt3A = arith.constant 64 : i32
    %gt3A_42 = arith.cmpi sgt, %sub3A_31, %gt3A : i32
    %convert_element_type3A = arith.extui %gt3A_42 : i1 to i32
    %cond3A = arith.constant 0 : i32
    %cond3A_43 = arith.cmpi ne, %convert_element_type3A, %cond3A : i32
    scf.if %cond3A_43 {
      %multiple_of3A_255 = tpu.assume_multiple %min3A_26, 8 : i32
      %add3A_256 = arith.constant 128 : i32
      %add3A_257 = arith.addi %min3A_30, %add3A_256 : i32
      %multiple_of3A_258 = tpu.assume_multiple %add3A_257, 128 : i32
      %dma_start3A_259 = arith.constant 0 : i32
      %dma_start3A_260 = arith.constant 128 : i32
      %dma_start3A_261 = tpu.memref_slice %arg8[%dma_start3A_259, %dma_start3A_260] : memref<72x256xf32, #tpu.memory_space<vmem>> -> memref<72x128xf32, #tpu.memory_space<vmem>>
      %dma_start3A_262 = tpu.memref_slice %arg2[%multiple_of3A_255, %multiple_of3A_258] : memref<196608x512xf32, #tpu.memory_space<hbm>> -> memref<72x128xf32, #tpu.memory_space<hbm>>
      %dma_start3A_263 = arith.constant 0 : i32
      %dma_start3A_264 = arith.constant 128 : i32
      %dma_start3A_265 = tpu.memref_slice %arg8[%dma_start3A_263, %dma_start3A_264] : memref<72x256xf32, #tpu.memory_space<vmem>> -> memref<72x128xf32, #tpu.memory_space<vmem>>
      %dma_start3A_266 = tpu.memref_slice %arg2[%multiple_of3A_255, %multiple_of3A_258] : memref<196608x512xf32, #tpu.memory_space<hbm>> -> memref<72x128xf32, #tpu.memory_space<hbm>>
      tpu.enqueue_dma source(%dma_start3A_266 : memref<72x128xf32, #tpu.memory_space<hbm>>) target(%dma_start3A_265 : memref<72x128xf32, #tpu.memory_space<vmem>>) target_semaphore(%arg16 : memref<!tpu.dma_semaphore, #tpu.memory_space<semaphore_mem>>)
    } else {
    }
    %eq3A_44 = arith.constant 1 : i32
    %eq3A_45 = vector.broadcast %eq3A_44 : i32 to vector<16xi32>
    %eq3A_46 = arith.cmpi eq, %iota3A, %eq3A_45 : vector<16xi32>
    %get3A_47 = arith.constant 0 : index
    %get3A_48 = tpu.vector_load %arg6[%get3A_47] {strides = array<i32>} : memref<16xi32, #tpu.memory_space<vmem>>, vector<16xi32>,
    %jit3A_49 = arith.constant 0 : i32
    %broadcast_in_dim3A_50 = vector.broadcast %jit3A_49 : i32 to vector<16xi32>
    %select_n3A_51 = arith.select %eq3A_46, %get3A_48, %broadcast_in_dim3A_50 : vector<16xi1>, vector<16xi32>
    %reduce_sum3A_52 = arith.constant true
    %reduce_sum3A_53 = vector.broadcast %reduce_sum3A_52 : i1 to vector<16xi1>
    %reduce_sum3A_54 = tpu.scan <sum>, %select_n3A_51 masked %reduce_sum3A_53 : vector<16xi32>, vector<16xi1> -> vector<16xi32>
    %reduce_sum3A_55 = vector.extract %reduce_sum3A_54[15] : i32 from vector<16xi32>
    %get3A_56 = arith.constant 0 : index
    %get3A_57 = tpu.vector_load %arg7[%get3A_56] {strides = array<i32>} : memref<16xi32, #tpu.memory_space<vmem>>, vector<16xi32>,
    %jit3A_58 = arith.constant 0 : i32
    %broadcast_in_dim3A_59 = vector.broadcast %jit3A_58 : i32 to vector<16xi32>
    %select_n3A_60 = arith.select %eq3A_46, %get3A_57, %broadcast_in_dim3A_59 : vector<16xi1>, vector<16xi32>
    %reduce_sum3A_61 = arith.constant true
    %reduce_sum3A_62 = vector.broadcast %reduce_sum3A_61 : i1 to vector<16xi1>
    %reduce_sum3A_63 = tpu.scan <sum>, %select_n3A_60 masked %reduce_sum3A_62 : vector<16xi32>, vector<16xi1> -> vector<16xi32>
    %reduce_sum3A_64 = vector.extract %reduce_sum3A_63[15] : i32 from vector<16xi32>
    %mul3A_65 = arith.constant 3 : i32
    %mul3A_66 = arith.muli %add3A, %mul3A_65 : i32
    %add3A_67 = arith.constant 0 : i32
    %add3A_68 = arith.addi %mul3A_66, %add3A_67 : i32
    %add3A_69 = arith.constant 0 : i32
    %add3A_70 = arith.addi %add3A_69, %add3A_68 : i32
    %mul3A_71 = arith.constant 512 : i32
    %mul3A_72 = arith.muli %add3A_70, %mul3A_71 : i32
    %add3A_73 = arith.addi %mul3A_72, %reduce_sum3A_55 : i32
    %and3A_74 = arith.constant -8 : i32
    %and3A_75 = arith.andi %add3A_73, %and3A_74 : i32
    %min3A_76 = arith.constant 196536 : i32
    %min3A_77 = arith.minsi %and3A_75, %min3A_76 : i32
    %sub3A_78 = arith.subi %add3A_73, %min3A_77 : i32
    %and3A_79 = arith.constant -128 : i32
    %and3A_80 = arith.andi %reduce_sum3A_64, %and3A_79 : i32
    %min3A_81 = arith.constant 256 : i32
    %min3A_82 = arith.minsi %and3A_80, %min3A_81 : i32
    %sub3A_83 = arith.subi %reduce_sum3A_64, %min3A_82 : i32
    %add3A_84 = arith.constant 384 : i32
    %add3A_85 = arith.addi %add3A_84, %add3A_68 : i32
    %multiple_of3A_86 = tpu.assume_multiple %min3A_77, 8 : i32
    %multiple_of3A_87 = tpu.assume_multiple %min3A_82, 128 : i32
    %dma_start3A_88 = arith.constant 0 : i32
    %dma_start3A_89 = arith.constant 0 : i32
    %dma_start3A_90 = tpu.memref_slice %arg9[%dma_start3A_88, %dma_start3A_89] : memref<72x256xf32, #tpu.memory_space<vmem>> -> memref<72x128xf32, #tpu.memory_space<vmem>>
    %dma_start3A_91 = tpu.memref_slice %arg2[%multiple_of3A_86, %multiple_of3A_87] : memref<196608x512xf32, #tpu.memory_space<hbm>> -> memref<72x128xf32, #tpu.memory_space<hbm>>
    %dma_start3A_92 = arith.constant 0 : i32
    %dma_start3A_93 = arith.constant 0 : i32
    %dma_start3A_94 = tpu.memref_slice %arg9[%dma_start3A_92, %dma_start3A_93] : memref<72x256xf32, #tpu.memory_space<vmem>> -> memref<72x128xf32, #tpu.memory_space<vmem>>
    %dma_start3A_95 = tpu.memref_slice %arg2[%multiple_of3A_86, %multiple_of3A_87] : memref<196608x512xf32, #tpu.memory_space<hbm>> -> memref<72x128xf32, #tpu.memory_space<hbm>>
    tpu.enqueue_dma source(%dma_start3A_95 : memref<72x128xf32, #tpu.memory_space<hbm>>) target(%dma_start3A_94 : memref<72x128xf32, #tpu.memory_space<vmem>>) target_semaphore(%arg17 : memref<!tpu.dma_semaphore, #tpu.memory_space<semaphore_mem>>)
    %gt3A_96 = arith.constant 64 : i32
    %gt3A_97 = arith.cmpi sgt, %sub3A_83, %gt3A_96 : i32
    %convert_element_type3A_98 = arith.extui %gt3A_97 : i1 to i32
    %cond3A_99 = arith.constant 0 : i32
    %cond3A_100 = arith.cmpi ne, %convert_element_type3A_98, %cond3A_99 : i32
    scf.if %cond3A_100 {
      %multiple_of3A_255 = tpu.assume_multiple %min3A_77, 8 : i32
      %add3A_256 = arith.constant 128 : i32
      %add3A_257 = arith.addi %min3A_82, %add3A_256 : i32
      %multiple_of3A_258 = tpu.assume_multiple %add3A_257, 128 : i32
      %dma_start3A_259 = arith.constant 0 : i32
      %dma_start3A_260 = arith.constant 128 : i32
      %dma_start3A_261 = tpu.memref_slice %arg9[%dma_start3A_259, %dma_start3A_260] : memref<72x256xf32, #tpu.memory_space<vmem>> -> memref<72x128xf32, #tpu.memory_space<vmem>>
      %dma_start3A_262 = tpu.memref_slice %arg2[%multiple_of3A_255, %multiple_of3A_258] : memref<196608x512xf32, #tpu.memory_space<hbm>> -> memref<72x128xf32, #tpu.memory_space<hbm>>
      %dma_start3A_263 = arith.constant 0 : i32
      %dma_start3A_264 = arith.constant 128 : i32
      %dma_start3A_265 = tpu.memref_slice %arg9[%dma_start3A_263, %dma_start3A_264] : memref<72x256xf32, #tpu.memory_space<vmem>> -> memref<72x128xf32, #tpu.memory_space<vmem>>
      %dma_start3A_266 = tpu.memref_slice %arg2[%multiple_of3A_255, %multiple_of3A_258] : memref<196608x512xf32, #tpu.memory_space<hbm>> -> memref<72x128xf32, #tpu.memory_space<hbm>>
      tpu.enqueue_dma source(%dma_start3A_266 : memref<72x128xf32, #tpu.memory_space<hbm>>) target(%dma_start3A_265 : memref<72x128xf32, #tpu.memory_space<vmem>>) target_semaphore(%arg17 : memref<!tpu.dma_semaphore, #tpu.memory_space<semaphore_mem>>)
    } else {
    }
    %eq3A_101 = arith.constant 2 : i32
    %eq3A_102 = vector.broadcast %eq3A_101 : i32 to vector<16xi32>
    %eq3A_103 = arith.cmpi eq, %iota3A, %eq3A_102 : vector<16xi32>
    %get3A_104 = arith.constant 0 : index
    %get3A_105 = tpu.vector_load %arg6[%get3A_104] {strides = array<i32>} : memref<16xi32, #tpu.memory_space<vmem>>, vector<16xi32>,
    %jit3A_106 = arith.constant 0 : i32
    %broadcast_in_dim3A_107 = vector.broadcast %jit3A_106 : i32 to vector<16xi32>
    %select_n3A_108 = arith.select %eq3A_103, %get3A_105, %broadcast_in_dim3A_107 : vector<16xi1>, vector<16xi32>
    %reduce_sum3A_109 = arith.constant true
    %reduce_sum3A_110 = vector.broadcast %reduce_sum3A_109 : i1 to vector<16xi1>
    %reduce_sum3A_111 = tpu.scan <sum>, %select_n3A_108 masked %reduce_sum3A_110 : vector<16xi32>, vector<16xi1> -> vector<16xi32>
    %reduce_sum3A_112 = vector.extract %reduce_sum3A_111[15] : i32 from vector<16xi32>
    %get3A_113 = arith.constant 0 : index
    %get3A_114 = tpu.vector_load %arg7[%get3A_113] {strides = array<i32>} : memref<16xi32, #tpu.memory_space<vmem>>, vector<16xi32>,
    %jit3A_115 = arith.constant 0 : i32
    %broadcast_in_dim3A_116 = vector.broadcast %jit3A_115 : i32 to vector<16xi32>
    %select_n3A_117 = arith.select %eq3A_103, %get3A_114, %broadcast_in_dim3A_116 : vector<16xi1>, vector<16xi32>
    %reduce_sum3A_118 = arith.constant true
    %reduce_sum3A_119 = vector.broadcast %reduce_sum3A_118 : i1 to vector<16xi1>
    %reduce_sum3A_120 = tpu.scan <sum>, %select_n3A_117 masked %reduce_sum3A_119 : vector<16xi32>, vector<16xi1> -> vector<16xi32>
    %reduce_sum3A_121 = vector.extract %reduce_sum3A_120[15] : i32 from vector<16xi32>
    %mul3A_122 = arith.constant 3 : i32
    %mul3A_123 = arith.muli %add3A, %mul3A_122 : i32
    %add3A_124 = arith.constant 0 : i32
    %add3A_125 = arith.addi %mul3A_123, %add3A_124 : i32
    %add3A_126 = arith.constant 0 : i32
    %add3A_127 = arith.addi %add3A_126, %add3A_125 : i32
    %mul3A_128 = arith.constant 512 : i32
    %mul3A_129 = arith.muli %add3A_127, %mul3A_128 : i32
    %add3A_130 = arith.addi %mul3A_129, %reduce_sum3A_112 : i32
    %and3A_131 = arith.constant -8 : i32
    %and3A_132 = arith.andi %add3A_130, %and3A_131 : i32
    %min3A_133 = arith.constant 196536 : i32
    %min3A_134 = arith.minsi %and3A_132, %min3A_133 : i32
    %sub3A_135 = arith.subi %add3A_130, %min3A_134 : i32
    %and3A_136 = arith.constant -128 : i32
    %and3A_137 = arith.andi %reduce_sum3A_121, %and3A_136 : i32
    %min3A_138 = arith.constant 256 : i32
    %min3A_139 = arith.minsi %and3A_137, %min3A_138 : i32
    %sub3A_140 = arith.subi %reduce_sum3A_121, %min3A_139 : i32
    %add3A_141 = arith.constant 768 : i32
    %add3A_142 = arith.addi %add3A_141, %add3A_125 : i32
    %multiple_of3A_143 = tpu.assume_multiple %min3A_134, 8 : i32
    %multiple_of3A_144 = tpu.assume_multiple %min3A_139, 128 : i32
    %dma_start3A_145 = arith.constant 0 : i32
    %dma_start3A_146 = arith.constant 0 : i32
    %dma_start3A_147 = tpu.memref_slice %arg10[%dma_start3A_145, %dma_start3A_146] : memref<72x256xf32, #tpu.memory_space<vmem>> -> memref<72x128xf32, #tpu.memory_space<vmem>>
    %dma_start3A_148 = tpu.memref_slice %arg2[%multiple_of3A_143, %multiple_of3A_144] : memref<196608x512xf32, #tpu.memory_space<hbm>> -> memref<72x128xf32, #tpu.memory_space<hbm>>
    %dma_start3A_149 = arith.constant 0 : i32
    %dma_start3A_150 = arith.constant 0 : i32
    %dma_start3A_151 = tpu.memref_slice %arg10[%dma_start3A_149, %dma_start3A_150] : memref<72x256xf32, #tpu.memory_space<vmem>> -> memref<72x128xf32, #tpu.memory_space<vmem>>
    %dma_start3A_152 = tpu.memref_slice %arg2[%multiple_of3A_143, %multiple_of3A_144] : memref<196608x512xf32, #tpu.memory_space<hbm>> -> memref<72x128xf32, #tpu.memory_space<hbm>>
    tpu.enqueue_dma source(%dma_start3A_152 : memref<72x128xf32, #tpu.memory_space<hbm>>) target(%dma_start3A_151 : memref<72x128xf32, #tpu.memory_space<vmem>>) target_semaphore(%arg18 : memref<!tpu.dma_semaphore, #tpu.memory_space<semaphore_mem>>)
    %gt3A_153 = arith.constant 64 : i32
    %gt3A_154 = arith.cmpi sgt, %sub3A_140, %gt3A_153 : i32
    %convert_element_type3A_155 = arith.extui %gt3A_154 : i1 to i32
    %cond3A_156 = arith.constant 0 : i32
    %cond3A_157 = arith.cmpi ne, %convert_element_type3A_155, %cond3A_156 : i32
    scf.if %cond3A_157 {
      %multiple_of3A_255 = tpu.assume_multiple %min3A_134, 8 : i32
      %add3A_256 = arith.constant 128 : i32
      %add3A_257 = arith.addi %min3A_139, %add3A_256 : i32
      %multiple_of3A_258 = tpu.assume_multiple %add3A_257, 128 : i32
      %dma_start3A_259 = arith.constant 0 : i32
      %dma_start3A_260 = arith.constant 128 : i32
      %dma_start3A_261 = tpu.memref_slice %arg10[%dma_start3A_259, %dma_start3A_260] : memref<72x256xf32, #tpu.memory_space<vmem>> -> memref<72x128xf32, #tpu.memory_space<vmem>>
      %dma_start3A_262 = tpu.memref_slice %arg2[%multiple_of3A_255, %multiple_of3A_258] : memref<196608x512xf32, #tpu.memory_space<hbm>> -> memref<72x128xf32, #tpu.memory_space<hbm>>
      %dma_start3A_263 = arith.constant 0 : i32
      %dma_start3A_264 = arith.constant 128 : i32
      %dma_start3A_265 = tpu.memref_slice %arg10[%dma_start3A_263, %dma_start3A_264] : memref<72x256xf32, #tpu.memory_space<vmem>> -> memref<72x128xf32, #tpu.memory_space<vmem>>
      %dma_start3A_266 = tpu.memref_slice %arg2[%multiple_of3A_255, %multiple_of3A_258] : memref<196608x512xf32, #tpu.memory_space<hbm>> -> memref<72x128xf32, #tpu.memory_space<hbm>>
      tpu.enqueue_dma source(%dma_start3A_266 : memref<72x128xf32, #tpu.memory_space<hbm>>) target(%dma_start3A_265 : memref<72x128xf32, #tpu.memory_space<vmem>>) target_semaphore(%arg18 : memref<!tpu.dma_semaphore, #tpu.memory_space<semaphore_mem>>)
    } else {
    }
    %eq3A_158 = arith.constant 3 : i32
    %eq3A_159 = vector.broadcast %eq3A_158 : i32 to vector<16xi32>
    %eq3A_160 = arith.cmpi eq, %iota3A, %eq3A_159 : vector<16xi32>
    %get3A_161 = arith.constant 0 : index
    %get3A_162 = tpu.vector_load %arg6[%get3A_161] {strides = array<i32>} : memref<16xi32, #tpu.memory_space<vmem>>, vector<16xi32>,
    %jit3A_163 = arith.constant 0 : i32
    %broadcast_in_dim3A_164 = vector.broadcast %jit3A_163 : i32 to vector<16xi32>
    %select_n3A_165 = arith.select %eq3A_160, %get3A_162, %broadcast_in_dim3A_164 : vector<16xi1>, vector<16xi32>
    %reduce_sum3A_166 = arith.constant true
    %reduce_sum3A_167 = vector.broadcast %reduce_sum3A_166 : i1 to vector<16xi1>
    %reduce_sum3A_168 = tpu.scan <sum>, %select_n3A_165 masked %reduce_sum3A_167 : vector<16xi32>, vector<16xi1> -> vector<16xi32>
    %reduce_sum3A_169 = vector.extract %reduce_sum3A_168[15] : i32 from vector<16xi32>
    %get3A_170 = arith.constant 0 : index
    %get3A_171 = tpu.vector_load %arg7[%get3A_170] {strides = array<i32>} : memref<16xi32, #tpu.memory_space<vmem>>, vector<16xi32>,
    %jit3A_172 = arith.constant 0 : i32
    %broadcast_in_dim3A_173 = vector.broadcast %jit3A_172 : i32 to vector<16xi32>
    %select_n3A_174 = arith.select %eq3A_160, %get3A_171, %broadcast_in_dim3A_173 : vector<16xi1>, vector<16xi32>
    %reduce_sum3A_175 = arith.constant true
    %reduce_sum3A_176 = vector.broadcast %reduce_sum3A_175 : i1 to vector<16xi1>
    %reduce_sum3A_177 = tpu.scan <sum>, %select_n3A_174 masked %reduce_sum3A_176 : vector<16xi32>, vector<16xi1> -> vector<16xi32>
    %reduce_sum3A_178 = vector.extract %reduce_sum3A_177[15] : i32 from vector<16xi32>
    %mul3A_179 = arith.constant 3 : i32
    %mul3A_180 = arith.muli %add3A, %mul3A_179 : i32
    %add3A_181 = arith.constant 0 : i32
    %add3A_182 = arith.addi %mul3A_180, %add3A_181 : i32
    %add3A_183 = arith.constant 0 : i32
    %add3A_184 = arith.addi %add3A_183, %add3A_182 : i32
    %mul3A_185 = arith.constant 512 : i32
    %mul3A_186 = arith.muli %add3A_184, %mul3A_185 : i32
    %add3A_187 = arith.addi %mul3A_186, %reduce_sum3A_169 : i32
    %and3A_188 = arith.constant -8 : i32
    %and3A_189 = arith.andi %add3A_187, %and3A_188 : i32
    %min3A_190 = arith.constant 196536 : i32
    %min3A_191 = arith.minsi %and3A_189, %min3A_190 : i32
    %sub3A_192 = arith.subi %add3A_187, %min3A_191 : i32
    %and3A_193 = arith.constant -128 : i32
    %and3A_194 = arith.andi %reduce_sum3A_178, %and3A_193 : i32
    %min3A_195 = arith.constant 256 : i32
    %min3A_196 = arith.minsi %and3A_194, %min3A_195 : i32
    %sub3A_197 = arith.subi %reduce_sum3A_178, %min3A_196 : i32
    %add3A_198 = arith.constant 1152 : i32
    %add3A_199 = arith.addi %add3A_198, %add3A_182 : i32
    %multiple_of3A_200 = tpu.assume_multiple %min3A_191, 8 : i32
    %multiple_of3A_201 = tpu.assume_multiple %min3A_196, 128 : i32
    %dma_start3A_202 = arith.constant 0 : i32
    %dma_start3A_203 = arith.constant 0 : i32
    %dma_start3A_204 = tpu.memref_slice %arg11[%dma_start3A_202, %dma_start3A_203] : memref<72x256xf32, #tpu.memory_space<vmem>> -> memref<72x128xf32, #tpu.memory_space<vmem>>
    %dma_start3A_205 = tpu.memref_slice %arg2[%multiple_of3A_200, %multiple_of3A_201] : memref<196608x512xf32, #tpu.memory_space<hbm>> -> memref<72x128xf32, #tpu.memory_space<hbm>>
    %dma_start3A_206 = arith.constant 0 : i32
    %dma_start3A_207 = arith.constant 0 : i32
    %dma_start3A_208 = tpu.memref_slice %arg11[%dma_start3A_206, %dma_start3A_207] : memref<72x256xf32, #tpu.memory_space<vmem>> -> memref<72x128xf32, #tpu.memory_space<vmem>>
    %dma_start3A_209 = tpu.memref_slice %arg2[%multiple_of3A_200, %multiple_of3A_201] : memref<196608x512xf32, #tpu.memory_space<hbm>> -> memref<72x128xf32, #tpu.memory_space<hbm>>
    tpu.enqueue_dma source(%dma_start3A_209 : memref<72x128xf32, #tpu.memory_space<hbm>>) target(%dma_start3A_208 : memref<72x128xf32, #tpu.memory_space<vmem>>) target_semaphore(%arg19 : memref<!tpu.dma_semaphore, #tpu.memory_space<semaphore_mem>>)
    %gt3A_210 = arith.constant 64 : i32
    %gt3A_211 = arith.cmpi sgt, %sub3A_197, %gt3A_210 : i32
    %convert_element_type3A_212 = arith.extui %gt3A_211 : i1 to i32
    %cond3A_213 = arith.constant 0 : i32
    %cond3A_214 = arith.cmpi ne, %convert_element_type3A_212, %cond3A_213 : i32
    scf.if %cond3A_214 {
      %multiple_of3A_255 = tpu.assume_multiple %min3A_191, 8 : i32
      %add3A_256 = arith.constant 128 : i32
      %add3A_257 = arith.addi %min3A_196, %add3A_256 : i32
      %multiple_of3A_258 = tpu.assume_multiple %add3A_257, 128 : i32
      %dma_start3A_259 = arith.constant 0 : i32
      %dma_start3A_260 = arith.constant 128 : i32
      %dma_start3A_261 = tpu.memref_slice %arg11[%dma_start3A_259, %dma_start3A_260] : memref<72x256xf32, #tpu.memory_space<vmem>> -> memref<72x128xf32, #tpu.memory_space<vmem>>
      %dma_start3A_262 = tpu.memref_slice %arg2[%multiple_of3A_255, %multiple_of3A_258] : memref<196608x512xf32, #tpu.memory_space<hbm>> -> memref<72x128xf32, #tpu.memory_space<hbm>>
      %dma_start3A_263 = arith.constant 0 : i32
      %dma_start3A_264 = arith.constant 128 : i32
      %dma_start3A_265 = tpu.memref_slice %arg11[%dma_start3A_263, %dma_start3A_264] : memref<72x256xf32, #tpu.memory_space<vmem>> -> memref<72x128xf32, #tpu.memory_space<vmem>>
      %dma_start3A_266 = tpu.memref_slice %arg2[%multiple_of3A_255, %multiple_of3A_258] : memref<196608x512xf32, #tpu.memory_space<hbm>> -> memref<72x128xf32, #tpu.memory_space<hbm>>
      tpu.enqueue_dma source(%dma_start3A_266 : memref<72x128xf32, #tpu.memory_space<hbm>>) target(%dma_start3A_265 : memref<72x128xf32, #tpu.memory_space<vmem>>) target_semaphore(%arg19 : memref<!tpu.dma_semaphore, #tpu.memory_space<semaphore_mem>>)
    } else {
    }
    %scan3A = arith.constant 0 : i32
    %scan3A_215 = arith.constant 0 : i32
    %scan3A_216 = arith.constant 48 : i32
    %scan3A_217 = arith.addi %scan3A_215, %scan3A_216 : i32
    %scan3A_218 = arith.constant 1 : i32
    scf.for %scan3A_255 = %scan3A_215 to %scan3A_217 step %scan3A_218  : i32 {
      %mul3A_256 = arith.constant 4 : i32
      %mul3A_257 = arith.muli %mul3A_256, %scan3A_255 : i32
      %add3A_258 = arith.constant 0 : i32
      %add3A_259 = arith.addi %mul3A_257, %add3A_258 : i32
      %and3A_260 = arith.constant 15 : i32
      %and3A_261 = arith.andi %add3A_259, %and3A_260 : i32
      %shift_right_arithmetic3A = arith.constant 4 : i32
      %shift_right_arithmetic3A_262 = arith.shrsi %add3A_259, %shift_right_arithmetic3A : i32
      %shift_right_arithmetic3A_263 = arith.constant 2 : i32
      %shift_right_arithmetic3A_264 = arith.shrsi %shift_right_arithmetic3A_262, %shift_right_arithmetic3A_263 : i32
      %and3A_265 = arith.constant 3 : i32
      %and3A_266 = arith.andi %shift_right_arithmetic3A_262, %and3A_265 : i32
      %eq3A_267 = vector.broadcast %and3A_261 : i32 to vector<16xi32>
      %eq3A_268 = arith.cmpi eq, %iota3A, %eq3A_267 : vector<16xi32>
      %get3A_269 = arith.constant 0 : index
      %get3A_270 = tpu.vector_load %arg6[%get3A_269] {strides = array<i32>} : memref<16xi32, #tpu.memory_space<vmem>>, vector<16xi32>,
      %jit3A_271 = arith.constant 0 : i32
      %broadcast_in_dim3A_272 = vector.broadcast %jit3A_271 : i32 to vector<16xi32>
      %select_n3A_273 = arith.select %eq3A_268, %get3A_270, %broadcast_in_dim3A_272 : vector<16xi1>, vector<16xi32>
      %reduce_sum3A_274 = arith.constant true
      %reduce_sum3A_275 = vector.broadcast %reduce_sum3A_274 : i1 to vector<16xi1>
      %reduce_sum3A_276 = tpu.scan <sum>, %select_n3A_273 masked %reduce_sum3A_275 : vector<16xi32>, vector<16xi1> -> vector<16xi32>
      %reduce_sum3A_277 = vector.extract %reduce_sum3A_276[15] : i32 from vector<16xi32>
      %get3A_278 = arith.constant 0 : index
      %get3A_279 = tpu.vector_load %arg7[%get3A_278] {strides = array<i32>} : memref<16xi32, #tpu.memory_space<vmem>>, vector<16xi32>,
      %jit3A_280 = arith.constant 0 : i32
      %broadcast_in_dim3A_281 = vector.broadcast %jit3A_280 : i32 to vector<16xi32>
      %select_n3A_282 = arith.select %eq3A_268, %get3A_279, %broadcast_in_dim3A_281 : vector<16xi1>, vector<16xi32>
      %reduce_sum3A_283 = arith.constant true
      %reduce_sum3A_284 = vector.broadcast %reduce_sum3A_283 : i1 to vector<16xi1>
      %reduce_sum3A_285 = tpu.scan <sum>, %select_n3A_282 masked %reduce_sum3A_284 : vector<16xi32>, vector<16xi1> -> vector<16xi32>
      %reduce_sum3A_286 = vector.extract %reduce_sum3A_285[15] : i32 from vector<16xi32>
      %mul3A_287 = arith.constant 3 : i32
      %mul3A_288 = arith.muli %add3A, %mul3A_287 : i32
      %add3A_289 = arith.addi %mul3A_288, %shift_right_arithmetic3A_264 : i32
      %mul3A_290 = arith.constant 96 : i32
      %mul3A_291 = arith.muli %and3A_266, %mul3A_290 : i32
      %add3A_292 = arith.addi %mul3A_291, %add3A_289 : i32
      %mul3A_293 = arith.constant 512 : i32
      %mul3A_294 = arith.muli %add3A_292, %mul3A_293 : i32
      %add3A_295 = arith.addi %mul3A_294, %reduce_sum3A_277 : i32
      %and3A_296 = arith.constant -8 : i32
      %and3A_297 = arith.andi %add3A_295, %and3A_296 : i32
      %min3A_298 = arith.constant 196536 : i32
      %min3A_299 = arith.minsi %and3A_297, %min3A_298 : i32
      %sub3A_300 = arith.subi %add3A_295, %min3A_299 : i32
      %and3A_301 = arith.constant -128 : i32
      %and3A_302 = arith.andi %reduce_sum3A_286, %and3A_301 : i32
      %min3A_303 = arith.constant 256 : i32
      %min3A_304 = arith.minsi %and3A_302, %min3A_303 : i32
      %sub3A_305 = arith.subi %reduce_sum3A_286, %min3A_304 : i32
      %mul3A_306 = arith.constant 4 : i32
      %mul3A_307 = arith.muli %and3A_261, %mul3A_306 : i32
      %add3A_308 = arith.addi %mul3A_307, %and3A_266 : i32
      %mul3A_309 = arith.constant 96 : i32
      %mul3A_310 = arith.muli %add3A_308, %mul3A_309 : i32
      %add3A_311 = arith.addi %mul3A_310, %add3A_289 : i32
      %and3A_312 = arith.constant 15 : i32
      %and3A_313 = arith.andi %add3A_259, %and3A_312 : i32
      %shift_right_arithmetic3A_314 = arith.constant 4 : i32
      %shift_right_arithmetic3A_315 = arith.shrsi %add3A_259, %shift_right_arithmetic3A_314 : i32
      %shift_right_arithmetic3A_316 = arith.constant 2 : i32
      %shift_right_arithmetic3A_317 = arith.shrsi %shift_right_arithmetic3A_315, %shift_right_arithmetic3A_316 : i32
      %and3A_318 = arith.constant 3 : i32
      %and3A_319 = arith.andi %shift_right_arithmetic3A_315, %and3A_318 : i32
      %eq3A_320 = vector.broadcast %and3A_313 : i32 to vector<16xi32>
      %eq3A_321 = arith.cmpi eq, %iota3A, %eq3A_320 : vector<16xi32>
      %get3A_322 = arith.constant 0 : index
      %get3A_323 = tpu.vector_load %arg6[%get3A_322] {strides = array<i32>} : memref<16xi32, #tpu.memory_space<vmem>>, vector<16xi32>,
      %jit3A_324 = arith.constant 0 : i32
      %broadcast_in_dim3A_325 = vector.broadcast %jit3A_324 : i32 to vector<16xi32>
      %select_n3A_326 = arith.select %eq3A_321, %get3A_323, %broadcast_in_dim3A_325 : vector<16xi1>, vector<16xi32>
      %reduce_sum3A_327 = arith.constant true
      %reduce_sum3A_328 = vector.broadcast %reduce_sum3A_327 : i1 to vector<16xi1>
      %reduce_sum3A_329 = tpu.scan <sum>, %select_n3A_326 masked %reduce_sum3A_328 : vector<16xi32>, vector<16xi1> -> vector<16xi32>
      %reduce_sum3A_330 = vector.extract %reduce_sum3A_329[15] : i32 from vector<16xi32>
      %get3A_331 = arith.constant 0 : index
      %get3A_332 = tpu.vector_load %arg7[%get3A_331] {strides = array<i32>} : memref<16xi32, #tpu.memory_space<vmem>>, vector<16xi32>,
      %jit3A_333 = arith.constant 0 : i32
      %broadcast_in_dim3A_334 = vector.broadcast %jit3A_333 : i32 to vector<16xi32>
      %select_n3A_335 = arith.select %eq3A_321, %get3A_332, %broadcast_in_dim3A_334 : vector<16xi1>, vector<16xi32>
      %reduce_sum3A_336 = arith.constant true
      %reduce_sum3A_337 = vector.broadcast %reduce_sum3A_336 : i1 to vector<16xi1>
      %reduce_sum3A_338 = tpu.scan <sum>, %select_n3A_335 masked %reduce_sum3A_337 : vector<16xi32>, vector<16xi1> -> vector<16xi32>
      %reduce_sum3A_339 = vector.extract %reduce_sum3A_338[15] : i32 from vector<16xi32>
      %mul3A_340 = arith.constant 3 : i32
      %mul3A_341 = arith.muli %add3A, %mul3A_340 : i32
      %add3A_342 = arith.addi %mul3A_341, %shift_right_arithmetic3A_317 : i32
      %mul3A_343 = arith.constant 96 : i32
      %mul3A_344 = arith.muli %and3A_319, %mul3A_343 : i32
      %add3A_345 = arith.addi %mul3A_344, %add3A_342 : i32
      %mul3A_346 = arith.constant 512 : i32
      %mul3A_347 = arith.muli %add3A_345, %mul3A_346 : i32
      %add3A_348 = arith.addi %mul3A_347, %reduce_sum3A_330 : i32
      %and3A_349 = arith.constant -8 : i32
      %and3A_350 = arith.andi %add3A_348, %and3A_349 : i32
      %min3A_351 = arith.constant 196536 : i32
      %min3A_352 = arith.minsi %and3A_350, %min3A_351 : i32
      %sub3A_353 = arith.subi %add3A_348, %min3A_352 : i32
      %and3A_354 = arith.constant -128 : i32
      %and3A_355 = arith.andi %reduce_sum3A_339, %and3A_354 : i32
      %min3A_356 = arith.constant 256 : i32
      %min3A_357 = arith.minsi %and3A_355, %min3A_356 : i32
      %sub3A_358 = arith.subi %reduce_sum3A_339, %min3A_357 : i32
      %mul3A_359 = arith.constant 4 : i32
      %mul3A_360 = arith.muli %and3A_313, %mul3A_359 : i32
      %add3A_361 = arith.addi %mul3A_360, %and3A_319 : i32
      %mul3A_362 = arith.constant 96 : i32
      %mul3A_363 = arith.muli %add3A_361, %mul3A_362 : i32
      %add3A_364 = arith.addi %mul3A_363, %add3A_342 : i32
      %dma_wait3A_365 = arith.constant 0 : i32
      %dma_wait3A_366 = arith.constant 0 : i32
      %dma_wait3A_367 = tpu.memref_slice %arg8[%dma_wait3A_365, %dma_wait3A_366] : memref<72x256xf32, #tpu.memory_space<vmem>> -> memref<72x128xf32, #tpu.memory_space<vmem>>
      %dma_wait3A_368 = arith.constant 0 : i32
      %dma_wait3A_369 = arith.constant 0 : i32
      %dma_wait3A_370 = tpu.memref_slice %arg2[%dma_wait3A_368, %dma_wait3A_369] : memref<196608x512xf32, #tpu.memory_space<hbm>> -> memref<72x128xf32, #tpu.memory_space<hbm>>
      %dma_wait3A_371 = arith.constant 0 : i32
      %dma_wait3A_372 = arith.constant 0 : i32
      %dma_wait3A_373 = tpu.memref_slice %arg8[%dma_wait3A_371, %dma_wait3A_372] : memref<72x256xf32, #tpu.memory_space<vmem>> -> memref<72x128xf32, #tpu.memory_space<vmem>>
      %dma_wait3A_374 = arith.constant 0 : i32
      %dma_wait3A_375 = arith.constant 0 : i32
      %dma_wait3A_376 = tpu.memref_slice %arg2[%dma_wait3A_374, %dma_wait3A_375] : memref<196608x512xf32, #tpu.memory_space<hbm>> -> memref<72x128xf32, #tpu.memory_space<hbm>>
      tpu.wait_dma2 semaphore(%arg16 : memref<!tpu.dma_semaphore, #tpu.memory_space<semaphore_mem>>) src(%dma_wait3A_376 : memref<72x128xf32, #tpu.memory_space<hbm>>) dst(%dma_wait3A_373 : memref<72x128xf32, #tpu.memory_space<vmem>>)
      %gt3A_377 = arith.constant 64 : i32
      %gt3A_378 = arith.cmpi sgt, %sub3A_358, %gt3A_377 : i32
      %convert_element_type3A_379 = arith.extui %gt3A_378 : i1 to i32
      %cond3A_380 = arith.constant 0 : i32
      %cond3A_381 = arith.cmpi ne, %convert_element_type3A_379, %cond3A_380 : i32
      scf.if %cond3A_381 {
        %dma_wait3A_916 = arith.constant 0 : i32
        %dma_wait3A_917 = arith.constant 128 : i32
        %dma_wait3A_918 = tpu.memref_slice %arg8[%dma_wait3A_916, %dma_wait3A_917] : memref<72x256xf32, #tpu.memory_space<vmem>> -> memref<72x128xf32, #tpu.memory_space<vmem>>
        %dma_wait3A_919 = arith.constant 0 : i32
        %dma_wait3A_920 = arith.constant 0 : i32
        %dma_wait3A_921 = tpu.memref_slice %arg2[%dma_wait3A_919, %dma_wait3A_920] : memref<196608x512xf32, #tpu.memory_space<hbm>> -> memref<72x128xf32, #tpu.memory_space<hbm>>
        %dma_wait3A_922 = arith.constant 0 : i32
        %dma_wait3A_923 = arith.constant 128 : i32
        %dma_wait3A_924 = tpu.memref_slice %arg8[%dma_wait3A_922, %dma_wait3A_923] : memref<72x256xf32, #tpu.memory_space<vmem>> -> memref<72x128xf32, #tpu.memory_space<vmem>>
        %dma_wait3A_925 = arith.constant 0 : i32
        %dma_wait3A_926 = arith.constant 0 : i32
        %dma_wait3A_927 = tpu.memref_slice %arg2[%dma_wait3A_925, %dma_wait3A_926] : memref<196608x512xf32, #tpu.memory_space<hbm>> -> memref<72x128xf32, #tpu.memory_space<hbm>>
        tpu.wait_dma2 semaphore(%arg16 : memref<!tpu.dma_semaphore, #tpu.memory_space<semaphore_mem>>) src(%dma_wait3A_927 : memref<72x128xf32, #tpu.memory_space<hbm>>) dst(%dma_wait3A_924 : memref<72x128xf32, #tpu.memory_space<vmem>>)
      } else {
      }
      %ge3A = arith.constant 4 : i32
      %ge3A_382 = arith.cmpi sge, %add3A_259, %ge3A : i32
      %convert_element_type3A_383 = arith.extui %ge3A_382 : i1 to i32
      %cond3A_384 = arith.constant 0 : i32
      %cond3A_385 = arith.cmpi ne, %convert_element_type3A_383, %cond3A_384 : i32
      scf.if %cond3A_385 {
        %dma_wait3A_916 = arith.constant 0 : i32
        %dma_wait3A_917 = arith.constant 0 : i32
        %dma_wait3A_918 = arith.constant 0 : i32
        %dma_wait3A_919 = tpu.memref_slice %arg5[%dma_wait3A_916, %dma_wait3A_917, %dma_wait3A_918] : memref<6144x64x64xf32, #tpu.memory_space<hbm>> -> memref<1x64x64xf32, #tpu.memory_space<hbm>>
        %dma_wait3A_920 = tpu.memref_squeeze %dma_wait3A_919 : memref<1x64x64xf32, #tpu.memory_space<hbm>> -> memref<64x64xf32, #tpu.memory_space<hbm>>
        %dma_wait3A_921 = arith.constant 0 : i32
        %dma_wait3A_922 = arith.constant 0 : i32
        %dma_wait3A_923 = tpu.memref_slice %arg5[%dma_wait3A_916, %dma_wait3A_921, %dma_wait3A_922] : memref<6144x64x64xf32, #tpu.memory_space<hbm>> -> memref<1x64x64xf32, #tpu.memory_space<hbm>>
        %dma_wait3A_924 = tpu.memref_squeeze %dma_wait3A_923 : memref<1x64x64xf32, #tpu.memory_space<hbm>> -> memref<64x64xf32, #tpu.memory_space<hbm>>
        tpu.wait_dma2 semaphore(%arg20 : memref<!tpu.dma_semaphore, #tpu.memory_space<semaphore_mem>>) src(%arg12 : memref<64x64xf32, #tpu.memory_space<vmem>>) dst(%dma_wait3A_924 : memref<64x64xf32, #tpu.memory_space<hbm>>)
      } else {
      }
      %add3A_386 = arith.constant 0 : i32
      %add3A_387 = arith.addi %sub3A_305, %add3A_386 : i32
      %add3A_388 = vector.broadcast %add3A_387 : i32 to vector<16xi32>
      %add3A_389 = arith.addi %add3A_388, %iota3A : vector<16xi32>
      %add3A_390 = arith.constant 16 : i32
      %add3A_391 = arith.addi %sub3A_305, %add3A_390 : i32
      %add3A_392 = vector.broadcast %add3A_391 : i32 to vector<16xi32>
      %add3A_393 = arith.addi %add3A_392, %iota3A : vector<16xi32>
      %add3A_394 = arith.constant 32 : i32
      %add3A_395 = arith.addi %sub3A_305, %add3A_394 : i32
      %add3A_396 = vector.broadcast %add3A_395 : i32 to vector<16xi32>
      %add3A_397 = arith.addi %add3A_396, %iota3A : vector<16xi32>
      %add3A_398 = arith.constant 48 : i32
      %add3A_399 = arith.addi %sub3A_305, %add3A_398 : i32
      %add3A_400 = vector.broadcast %add3A_399 : i32 to vector<16xi32>
      %add3A_401 = arith.addi %add3A_400, %iota3A : vector<16xi32>
      %parallel_loop3A = arith.constant 0 : i32
      %parallel_loop3A_402 = arith.constant 64 : i32
      %parallel_loop3A_403 = arith.constant 1 : i32
      scf.for %parallel_loop3A_916 = %parallel_loop3A to %parallel_loop3A_402 step %parallel_loop3A_403  : i32 {
        %parallel_loop3A_917 = arith.constant 0 : i32
        %parallel_loop3A_918 = vector.broadcast %parallel_loop3A_917 : i32 to vector<16xi32>
        %parallel_loop3A_919 = arith.addi %sub3A_300, %parallel_loop3A_916 : i32
        %parallel_loop3A_920 = vector.broadcast %parallel_loop3A_919 : i32 to vector<16xi32>
        %parallel_loop3A_921 = arith.addi %parallel_loop3A_918, %parallel_loop3A_920 : vector<16xi32>
        %parallel_loop3A_922 = tpu.vector_load_idx %arg8[%parallel_loop3A_921, %add3A_389] : memref<72x256xf32, #tpu.memory_space<vmem>>[vector<16xi32>, vector<16xi32>], vector<16xf32>,
        %parallel_loop3A_923 = arith.index_cast %parallel_loop3A_916 : i32 to index
        %parallel_loop3A_924 = arith.constant 0 : index
        %parallel_loop3A_925 = tpu.vector_load %arg12[%parallel_loop3A_923, %parallel_loop3A_924] {strides = array<i32>} : memref<64x64xf32, #tpu.memory_space<vmem>>, vector<16xf32>,
        tpu.vector_store %arg12[%parallel_loop3A_923, %parallel_loop3A_924], %parallel_loop3A_922 {strides = array<i32>} : memref<64x64xf32, #tpu.memory_space<vmem>>, vector<16xf32>,
        %parallel_loop3A_926 = tpu.vector_load_idx %arg8[%parallel_loop3A_921, %add3A_393] : memref<72x256xf32, #tpu.memory_space<vmem>>[vector<16xi32>, vector<16xi32>], vector<16xf32>,
        %parallel_loop3A_927 = arith.index_cast %parallel_loop3A_916 : i32 to index
        %parallel_loop3A_928 = arith.constant 16 : index
        %parallel_loop3A_929 = tpu.vector_load %arg12[%parallel_loop3A_927, %parallel_loop3A_928] {strides = array<i32>} : memref<64x64xf32, #tpu.memory_space<vmem>>, vector<16xf32>,
        tpu.vector_store %arg12[%parallel_loop3A_927, %parallel_loop3A_928], %parallel_loop3A_926 {strides = array<i32>} : memref<64x64xf32, #tpu.memory_space<vmem>>, vector<16xf32>,
        %parallel_loop3A_930 = tpu.vector_load_idx %arg8[%parallel_loop3A_921, %add3A_397] : memref<72x256xf32, #tpu.memory_space<vmem>>[vector<16xi32>, vector<16xi32>], vector<16xf32>,
        %parallel_loop3A_931 = arith.index_cast %parallel_loop3A_916 : i32 to index
        %parallel_loop3A_932 = arith.constant 32 : index
        %parallel_loop3A_933 = tpu.vector_load %arg12[%parallel_loop3A_931, %parallel_loop3A_932] {strides = array<i32>} : memref<64x64xf32, #tpu.memory_space<vmem>>, vector<16xf32>,
        tpu.vector_store %arg12[%parallel_loop3A_931, %parallel_loop3A_932], %parallel_loop3A_930 {strides = array<i32>} : memref<64x64xf32, #tpu.memory_space<vmem>>, vector<16xf32>,
        %parallel_loop3A_934 = tpu.vector_load_idx %arg8[%parallel_loop3A_921, %add3A_401] : memref<72x256xf32, #tpu.memory_space<vmem>>[vector<16xi32>, vector<16xi32>], vector<16xf32>,
        %parallel_loop3A_935 = arith.index_cast %parallel_loop3A_916 : i32 to index
        %parallel_loop3A_936 = arith.constant 48 : index
        %parallel_loop3A_937 = tpu.vector_load %arg12[%parallel_loop3A_935, %parallel_loop3A_936] {strides = array<i32>} : memref<64x64xf32, #tpu.memory_space<vmem>>, vector<16xf32>,
        tpu.vector_store %arg12[%parallel_loop3A_935, %parallel_loop3A_936], %parallel_loop3A_934 {strides = array<i32>} : memref<64x64xf32, #tpu.memory_space<vmem>>, vector<16xf32>,
      } {sc.loop_unroll_factor = 8 : i64, sc.parallel_access}
      %dma_start3A_404 = arith.constant 0 : i32
      %dma_start3A_405 = arith.constant 0 : i32
      %dma_start3A_406 = tpu.memref_slice %arg5[%add3A_311, %dma_start3A_404, %dma_start3A_405] : memref<6144x64x64xf32, #tpu.memory_space<hbm>> -> memref<1x64x64xf32, #tpu.memory_space<hbm>>
      %dma_start3A_407 = tpu.memref_squeeze %dma_start3A_406 : memref<1x64x64xf32, #tpu.memory_space<hbm>> -> memref<64x64xf32, #tpu.memory_space<hbm>>
      %dma_start3A_408 = arith.constant 0 : i32
      %dma_start3A_409 = arith.constant 0 : i32
      %dma_start3A_410 = tpu.memref_slice %arg5[%add3A_311, %dma_start3A_408, %dma_start3A_409] : memref<6144x64x64xf32, #tpu.memory_space<hbm>> -> memref<1x64x64xf32, #tpu.memory_space<hbm>>
      %dma_start3A_411 = tpu.memref_squeeze %dma_start3A_410 : memref<1x64x64xf32, #tpu.memory_space<hbm>> -> memref<64x64xf32, #tpu.memory_space<hbm>>
      tpu.enqueue_dma source(%arg12 : memref<64x64xf32, #tpu.memory_space<vmem>>) target(%dma_start3A_411 : memref<64x64xf32, #tpu.memory_space<hbm>>) target_semaphore(%arg20 : memref<!tpu.dma_semaphore, #tpu.memory_space<semaphore_mem>>)
      %add3A_412 = arith.constant 4 : i32
      %add3A_413 = arith.addi %add3A_259, %add3A_412 : i32
      %lt3A = arith.constant 192 : i32
      %lt3A_414 = arith.cmpi slt, %add3A_413, %lt3A : i32
      %convert_element_type3A_415 = arith.extui %lt3A_414 : i1 to i32
      %cond3A_416 = arith.constant 0 : i32
      %cond3A_417 = arith.cmpi ne, %convert_element_type3A_415, %cond3A_416 : i32
      scf.if %cond3A_417 {
        %add3A_916 = arith.constant 4 : i32
        %add3A_917 = arith.addi %add3A_259, %add3A_916 : i32
        %and3A_918 = arith.constant 15 : i32
        %and3A_919 = arith.andi %add3A_917, %and3A_918 : i32
        %shift_right_arithmetic3A_920 = arith.constant 4 : i32
        %shift_right_arithmetic3A_921 = arith.shrsi %add3A_917, %shift_right_arithmetic3A_920 : i32
        %shift_right_arithmetic3A_922 = arith.constant 2 : i32
        %shift_right_arithmetic3A_923 = arith.shrsi %shift_right_arithmetic3A_921, %shift_right_arithmetic3A_922 : i32
        %and3A_924 = arith.constant 3 : i32
        %and3A_925 = arith.andi %shift_right_arithmetic3A_921, %and3A_924 : i32
        %eq3A_926 = vector.broadcast %and3A_919 : i32 to vector<16xi32>
        %eq3A_927 = arith.cmpi eq, %iota3A, %eq3A_926 : vector<16xi32>
        %get3A_928 = arith.constant 0 : index
        %get3A_929 = tpu.vector_load %arg6[%get3A_928] {strides = array<i32>} : memref<16xi32, #tpu.memory_space<vmem>>, vector<16xi32>,
        %jit3A_930 = arith.constant 0 : i32
        %broadcast_in_dim3A_931 = vector.broadcast %jit3A_930 : i32 to vector<16xi32>
        %select_n3A_932 = arith.select %eq3A_927, %get3A_929, %broadcast_in_dim3A_931 : vector<16xi1>, vector<16xi32>
        %reduce_sum3A_933 = arith.constant true
        %reduce_sum3A_934 = vector.broadcast %reduce_sum3A_933 : i1 to vector<16xi1>
        %reduce_sum3A_935 = tpu.scan <sum>, %select_n3A_932 masked %reduce_sum3A_934 : vector<16xi32>, vector<16xi1> -> vector<16xi32>
        %reduce_sum3A_936 = vector.extract %reduce_sum3A_935[15] : i32 from vector<16xi32>
        %get3A_937 = arith.constant 0 : index
        %get3A_938 = tpu.vector_load %arg7[%get3A_937] {strides = array<i32>} : memref<16xi32, #tpu.memory_space<vmem>>, vector<16xi32>,
        %jit3A_939 = arith.constant 0 : i32
        %broadcast_in_dim3A_940 = vector.broadcast %jit3A_939 : i32 to vector<16xi32>
        %select_n3A_941 = arith.select %eq3A_927, %get3A_938, %broadcast_in_dim3A_940 : vector<16xi1>, vector<16xi32>
        %reduce_sum3A_942 = arith.constant true
        %reduce_sum3A_943 = vector.broadcast %reduce_sum3A_942 : i1 to vector<16xi1>
        %reduce_sum3A_944 = tpu.scan <sum>, %select_n3A_941 masked %reduce_sum3A_943 : vector<16xi32>, vector<16xi1> -> vector<16xi32>
        %reduce_sum3A_945 = vector.extract %reduce_sum3A_944[15] : i32 from vector<16xi32>
        %mul3A_946 = arith.constant 3 : i32
        %mul3A_947 = arith.muli %add3A, %mul3A_946 : i32
        %add3A_948 = arith.addi %mul3A_947, %shift_right_arithmetic3A_923 : i32
        %mul3A_949 = arith.constant 96 : i32
        %mul3A_950 = arith.muli %and3A_925, %mul3A_949 : i32
        %add3A_951 = arith.addi %mul3A_950, %add3A_948 : i32
        %mul3A_952 = arith.constant 512 : i32
        %mul3A_953 = arith.muli %add3A_951, %mul3A_952 : i32
        %add3A_954 = arith.addi %mul3A_953, %reduce_sum3A_936 : i32
        %and3A_955 = arith.constant -8 : i32
        %and3A_956 = arith.andi %add3A_954, %and3A_955 : i32
        %min3A_957 = arith.constant 196536 : i32
        %min3A_958 = arith.minsi %and3A_956, %min3A_957 : i32
        %sub3A_959 = arith.subi %add3A_954, %min3A_958 : i32
        %and3A_960 = arith.constant -128 : i32
        %and3A_961 = arith.andi %reduce_sum3A_945, %and3A_960 : i32
        %min3A_962 = arith.constant 256 : i32
        %min3A_963 = arith.minsi %and3A_961, %min3A_962 : i32
        %sub3A_964 = arith.subi %reduce_sum3A_945, %min3A_963 : i32
        %mul3A_965 = arith.constant 4 : i32
        %mul3A_966 = arith.muli %and3A_919, %mul3A_965 : i32
        %add3A_967 = arith.addi %mul3A_966, %and3A_925 : i32
        %mul3A_968 = arith.constant 96 : i32
        %mul3A_969 = arith.muli %add3A_967, %mul3A_968 : i32
        %add3A_970 = arith.addi %mul3A_969, %add3A_948 : i32
        %multiple_of3A_971 = tpu.assume_multiple %min3A_958, 8 : i32
        %multiple_of3A_972 = tpu.assume_multiple %min3A_963, 128 : i32
        %dma_start3A_973 = arith.constant 0 : i32
        %dma_start3A_974 = arith.constant 0 : i32
        %dma_start3A_975 = tpu.memref_slice %arg8[%dma_start3A_973, %dma_start3A_974] : memref<72x256xf32, #tpu.memory_space<vmem>> -> memref<72x128xf32, #tpu.memory_space<vmem>>
        %dma_start3A_976 = tpu.memref_slice %arg2[%multiple_of3A_971, %multiple_of3A_972] : memref<196608x512xf32, #tpu.memory_space<hbm>> -> memref<72x128xf32, #tpu.memory_space<hbm>>
        %dma_start3A_977 = arith.constant 0 : i32
        %dma_start3A_978 = arith.constant 0 : i32
        %dma_start3A_979 = tpu.memref_slice %arg8[%dma_start3A_977, %dma_start3A_978] : memref<72x256xf32, #tpu.memory_space<vmem>> -> memref<72x128xf32, #tpu.memory_space<vmem>>
        %dma_start3A_980 = tpu.memref_slice %arg2[%multiple_of3A_971, %multiple_of3A_972] : memref<196608x512xf32, #tpu.memory_space<hbm>> -> memref<72x128xf32, #tpu.memory_space<hbm>>
        tpu.enqueue_dma source(%dma_start3A_980 : memref<72x128xf32, #tpu.memory_space<hbm>>) target(%dma_start3A_979 : memref<72x128xf32, #tpu.memory_space<vmem>>) target_semaphore(%arg16 : memref<!tpu.dma_semaphore, #tpu.memory_space<semaphore_mem>>)
        %gt3A_981 = arith.constant 64 : i32
        %gt3A_982 = arith.cmpi sgt, %sub3A_964, %gt3A_981 : i32
        %convert_element_type3A_983 = arith.extui %gt3A_982 : i1 to i32
        %cond3A_984 = arith.constant 0 : i32
        %cond3A_985 = arith.cmpi ne, %convert_element_type3A_983, %cond3A_984 : i32
        scf.if %cond3A_985 {
          %multiple_of3A_986 = tpu.assume_multiple %min3A_958, 8 : i32
          %add3A_987 = arith.constant 128 : i32
          %add3A_988 = arith.addi %min3A_963, %add3A_987 : i32
          %multiple_of3A_989 = tpu.assume_multiple %add3A_988, 128 : i32
          %dma_start3A_990 = arith.constant 0 : i32
          %dma_start3A_991 = arith.constant 128 : i32
          %dma_start3A_992 = tpu.memref_slice %arg8[%dma_start3A_990, %dma_start3A_991] : memref<72x256xf32, #tpu.memory_space<vmem>> -> memref<72x128xf32, #tpu.memory_space<vmem>>
          %dma_start3A_993 = tpu.memref_slice %arg2[%multiple_of3A_986, %multiple_of3A_989] : memref<196608x512xf32, #tpu.memory_space<hbm>> -> memref<72x128xf32, #tpu.memory_space<hbm>>
          %dma_start3A_994 = arith.constant 0 : i32
          %dma_start3A_995 = arith.constant 128 : i32
          %dma_start3A_996 = tpu.memref_slice %arg8[%dma_start3A_994, %dma_start3A_995] : memref<72x256xf32, #tpu.memory_space<vmem>> -> memref<72x128xf32, #tpu.memory_space<vmem>>
          %dma_start3A_997 = tpu.memref_slice %arg2[%multiple_of3A_986, %multiple_of3A_989] : memref<196608x512xf32, #tpu.memory_space<hbm>> -> memref<72x128xf32, #tpu.memory_space<hbm>>
          tpu.enqueue_dma source(%dma_start3A_997 : memref<72x128xf32, #tpu.memory_space<hbm>>) target(%dma_start3A_996 : memref<72x128xf32, #tpu.memory_space<vmem>>) target_semaphore(%arg16 : memref<!tpu.dma_semaphore, #tpu.memory_space<semaphore_mem>>)
        } else {
        }
      } else {
      }
      %mul3A_418 = arith.constant 4 : i32
      %mul3A_419 = arith.muli %mul3A_418, %scan3A_255 : i32
      %add3A_420 = arith.constant 1 : i32
      %add3A_421 = arith.addi %mul3A_419, %add3A_420 : i32
      %and3A_422 = arith.constant 15 : i32
      %and3A_423 = arith.andi %add3A_421, %and3A_422 : i32
      %shift_right_arithmetic3A_424 = arith.constant 4 : i32
      %shift_right_arithmetic3A_425 = arith.shrsi %add3A_421, %shift_right_arithmetic3A_424 : i32
      %shift_right_arithmetic3A_426 = arith.constant 2 : i32
      %shift_right_arithmetic3A_427 = arith.shrsi %shift_right_arithmetic3A_425, %shift_right_arithmetic3A_426 : i32
      %and3A_428 = arith.constant 3 : i32
      %and3A_429 = arith.andi %shift_right_arithmetic3A_425, %and3A_428 : i32
      %eq3A_430 = vector.broadcast %and3A_423 : i32 to vector<16xi32>
      %eq3A_431 = arith.cmpi eq, %iota3A, %eq3A_430 : vector<16xi32>
      %get3A_432 = arith.constant 0 : index
      %get3A_433 = tpu.vector_load %arg6[%get3A_432] {strides = array<i32>} : memref<16xi32, #tpu.memory_space<vmem>>, vector<16xi32>,
      %jit3A_434 = arith.constant 0 : i32
      %broadcast_in_dim3A_435 = vector.broadcast %jit3A_434 : i32 to vector<16xi32>
      %select_n3A_436 = arith.select %eq3A_431, %get3A_433, %broadcast_in_dim3A_435 : vector<16xi1>, vector<16xi32>
      %reduce_sum3A_437 = arith.constant true
      %reduce_sum3A_438 = vector.broadcast %reduce_sum3A_437 : i1 to vector<16xi1>
      %reduce_sum3A_439 = tpu.scan <sum>, %select_n3A_436 masked %reduce_sum3A_438 : vector<16xi32>, vector<16xi1> -> vector<16xi32>
      %reduce_sum3A_440 = vector.extract %reduce_sum3A_439[15] : i32 from vector<16xi32>
      %get3A_441 = arith.constant 0 : index
      %get3A_442 = tpu.vector_load %arg7[%get3A_441] {strides = array<i32>} : memref<16xi32, #tpu.memory_space<vmem>>, vector<16xi32>,
      %jit3A_443 = arith.constant 0 : i32
      %broadcast_in_dim3A_444 = vector.broadcast %jit3A_443 : i32 to vector<16xi32>
      %select_n3A_445 = arith.select %eq3A_431, %get3A_442, %broadcast_in_dim3A_444 : vector<16xi1>, vector<16xi32>
      %reduce_sum3A_446 = arith.constant true
      %reduce_sum3A_447 = vector.broadcast %reduce_sum3A_446 : i1 to vector<16xi1>
      %reduce_sum3A_448 = tpu.scan <sum>, %select_n3A_445 masked %reduce_sum3A_447 : vector<16xi32>, vector<16xi1> -> vector<16xi32>
      %reduce_sum3A_449 = vector.extract %reduce_sum3A_448[15] : i32 from vector<16xi32>
      %mul3A_450 = arith.constant 3 : i32
      %mul3A_451 = arith.muli %add3A, %mul3A_450 : i32
      %add3A_452 = arith.addi %mul3A_451, %shift_right_arithmetic3A_427 : i32
      %mul3A_453 = arith.constant 96 : i32
      %mul3A_454 = arith.muli %and3A_429, %mul3A_453 : i32
      %add3A_455 = arith.addi %mul3A_454, %add3A_452 : i32
      %mul3A_456 = arith.constant 512 : i32
      %mul3A_457 = arith.muli %add3A_455, %mul3A_456 : i32
      %add3A_458 = arith.addi %mul3A_457, %reduce_sum3A_440 : i32
      %and3A_459 = arith.constant -8 : i32
      %and3A_460 = arith.andi %add3A_458, %and3A_459 : i32
      %min3A_461 = arith.constant 196536 : i32
      %min3A_462 = arith.minsi %and3A_460, %min3A_461 : i32
      %sub3A_463 = arith.subi %add3A_458, %min3A_462 : i32
      %and3A_464 = arith.constant -128 : i32
      %and3A_465 = arith.andi %reduce_sum3A_449, %and3A_464 : i32
      %min3A_466 = arith.constant 256 : i32
      %min3A_467 = arith.minsi %and3A_465, %min3A_466 : i32
      %sub3A_468 = arith.subi %reduce_sum3A_449, %min3A_467 : i32
      %mul3A_469 = arith.constant 4 : i32
      %mul3A_470 = arith.muli %and3A_423, %mul3A_469 : i32
      %add3A_471 = arith.addi %mul3A_470, %and3A_429 : i32
      %mul3A_472 = arith.constant 96 : i32
      %mul3A_473 = arith.muli %add3A_471, %mul3A_472 : i32
      %add3A_474 = arith.addi %mul3A_473, %add3A_452 : i32
      %and3A_475 = arith.constant 15 : i32
      %and3A_476 = arith.andi %add3A_421, %and3A_475 : i32
      %shift_right_arithmetic3A_477 = arith.constant 4 : i32
      %shift_right_arithmetic3A_478 = arith.shrsi %add3A_421, %shift_right_arithmetic3A_477 : i32
      %shift_right_arithmetic3A_479 = arith.constant 2 : i32
      %shift_right_arithmetic3A_480 = arith.shrsi %shift_right_arithmetic3A_478, %shift_right_arithmetic3A_479 : i32
      %and3A_481 = arith.constant 3 : i32
      %and3A_482 = arith.andi %shift_right_arithmetic3A_478, %and3A_481 : i32
      %eq3A_483 = vector.broadcast %and3A_476 : i32 to vector<16xi32>
      %eq3A_484 = arith.cmpi eq, %iota3A, %eq3A_483 : vector<16xi32>
      %get3A_485 = arith.constant 0 : index
      %get3A_486 = tpu.vector_load %arg6[%get3A_485] {strides = array<i32>} : memref<16xi32, #tpu.memory_space<vmem>>, vector<16xi32>,
      %jit3A_487 = arith.constant 0 : i32
      %broadcast_in_dim3A_488 = vector.broadcast %jit3A_487 : i32 to vector<16xi32>
      %select_n3A_489 = arith.select %eq3A_484, %get3A_486, %broadcast_in_dim3A_488 : vector<16xi1>, vector<16xi32>
      %reduce_sum3A_490 = arith.constant true
      %reduce_sum3A_491 = vector.broadcast %reduce_sum3A_490 : i1 to vector<16xi1>
      %reduce_sum3A_492 = tpu.scan <sum>, %select_n3A_489 masked %reduce_sum3A_491 : vector<16xi32>, vector<16xi1> -> vector<16xi32>
      %reduce_sum3A_493 = vector.extract %reduce_sum3A_492[15] : i32 from vector<16xi32>
      %get3A_494 = arith.constant 0 : index
      %get3A_495 = tpu.vector_load %arg7[%get3A_494] {strides = array<i32>} : memref<16xi32, #tpu.memory_space<vmem>>, vector<16xi32>,
      %jit3A_496 = arith.constant 0 : i32
      %broadcast_in_dim3A_497 = vector.broadcast %jit3A_496 : i32 to vector<16xi32>
      %select_n3A_498 = arith.select %eq3A_484, %get3A_495, %broadcast_in_dim3A_497 : vector<16xi1>, vector<16xi32>
      %reduce_sum3A_499 = arith.constant true
      %reduce_sum3A_500 = vector.broadcast %reduce_sum3A_499 : i1 to vector<16xi1>
      %reduce_sum3A_501 = tpu.scan <sum>, %select_n3A_498 masked %reduce_sum3A_500 : vector<16xi32>, vector<16xi1> -> vector<16xi32>
      %reduce_sum3A_502 = vector.extract %reduce_sum3A_501[15] : i32 from vector<16xi32>
      %mul3A_503 = arith.constant 3 : i32
      %mul3A_504 = arith.muli %add3A, %mul3A_503 : i32
      %add3A_505 = arith.addi %mul3A_504, %shift_right_arithmetic3A_480 : i32
      %mul3A_506 = arith.constant 96 : i32
      %mul3A_507 = arith.muli %and3A_482, %mul3A_506 : i32
      %add3A_508 = arith.addi %mul3A_507, %add3A_505 : i32
      %mul3A_509 = arith.constant 512 : i32
      %mul3A_510 = arith.muli %add3A_508, %mul3A_509 : i32
      %add3A_511 = arith.addi %mul3A_510, %reduce_sum3A_493 : i32
      %and3A_512 = arith.constant -8 : i32
      %and3A_513 = arith.andi %add3A_511, %and3A_512 : i32
      %min3A_514 = arith.constant 196536 : i32
      %min3A_515 = arith.minsi %and3A_513, %min3A_514 : i32
      %sub3A_516 = arith.subi %add3A_511, %min3A_515 : i32
      %and3A_517 = arith.constant -128 : i32
      %and3A_518 = arith.andi %reduce_sum3A_502, %and3A_517 : i32
      %min3A_519 = arith.constant 256 : i32
      %min3A_520 = arith.minsi %and3A_518, %min3A_519 : i32
      %sub3A_521 = arith.subi %reduce_sum3A_502, %min3A_520 : i32
      %mul3A_522 = arith.constant 4 : i32
      %mul3A_523 = arith.muli %and3A_476, %mul3A_522 : i32
      %add3A_524 = arith.addi %mul3A_523, %and3A_482 : i32
      %mul3A_525 = arith.constant 96 : i32
      %mul3A_526 = arith.muli %add3A_524, %mul3A_525 : i32
      %add3A_527 = arith.addi %mul3A_526, %add3A_505 : i32
      %dma_wait3A_528 = arith.constant 0 : i32
      %dma_wait3A_529 = arith.constant 0 : i32
      %dma_wait3A_530 = tpu.memref_slice %arg9[%dma_wait3A_528, %dma_wait3A_529] : memref<72x256xf32, #tpu.memory_space<vmem>> -> memref<72x128xf32, #tpu.memory_space<vmem>>
      %dma_wait3A_531 = arith.constant 0 : i32
      %dma_wait3A_532 = arith.constant 0 : i32
      %dma_wait3A_533 = tpu.memref_slice %arg2[%dma_wait3A_531, %dma_wait3A_532] : memref<196608x512xf32, #tpu.memory_space<hbm>> -> memref<72x128xf32, #tpu.memory_space<hbm>>
      %dma_wait3A_534 = arith.constant 0 : i32
      %dma_wait3A_535 = arith.constant 0 : i32
      %dma_wait3A_536 = tpu.memref_slice %arg9[%dma_wait3A_534, %dma_wait3A_535] : memref<72x256xf32, #tpu.memory_space<vmem>> -> memref<72x128xf32, #tpu.memory_space<vmem>>
      %dma_wait3A_537 = arith.constant 0 : i32
      %dma_wait3A_538 = arith.constant 0 : i32
      %dma_wait3A_539 = tpu.memref_slice %arg2[%dma_wait3A_537, %dma_wait3A_538] : memref<196608x512xf32, #tpu.memory_space<hbm>> -> memref<72x128xf32, #tpu.memory_space<hbm>>
      tpu.wait_dma2 semaphore(%arg17 : memref<!tpu.dma_semaphore, #tpu.memory_space<semaphore_mem>>) src(%dma_wait3A_539 : memref<72x128xf32, #tpu.memory_space<hbm>>) dst(%dma_wait3A_536 : memref<72x128xf32, #tpu.memory_space<vmem>>)
      %gt3A_540 = arith.constant 64 : i32
      %gt3A_541 = arith.cmpi sgt, %sub3A_521, %gt3A_540 : i32
      %convert_element_type3A_542 = arith.extui %gt3A_541 : i1 to i32
      %cond3A_543 = arith.constant 0 : i32
      %cond3A_544 = arith.cmpi ne, %convert_element_type3A_542, %cond3A_543 : i32
      scf.if %cond3A_544 {
        %dma_wait3A_916 = arith.constant 0 : i32
        %dma_wait3A_917 = arith.constant 128 : i32
        %dma_wait3A_918 = tpu.memref_slice %arg9[%dma_wait3A_916, %dma_wait3A_917] : memref<72x256xf32, #tpu.memory_space<vmem>> -> memref<72x128xf32, #tpu.memory_space<vmem>>
        %dma_wait3A_919 = arith.constant 0 : i32
        %dma_wait3A_920 = arith.constant 0 : i32
        %dma_wait3A_921 = tpu.memref_slice %arg2[%dma_wait3A_919, %dma_wait3A_920] : memref<196608x512xf32, #tpu.memory_space<hbm>> -> memref<72x128xf32, #tpu.memory_space<hbm>>
        %dma_wait3A_922 = arith.constant 0 : i32
        %dma_wait3A_923 = arith.constant 128 : i32
        %dma_wait3A_924 = tpu.memref_slice %arg9[%dma_wait3A_922, %dma_wait3A_923] : memref<72x256xf32, #tpu.memory_space<vmem>> -> memref<72x128xf32, #tpu.memory_space<vmem>>
        %dma_wait3A_925 = arith.constant 0 : i32
        %dma_wait3A_926 = arith.constant 0 : i32
        %dma_wait3A_927 = tpu.memref_slice %arg2[%dma_wait3A_925, %dma_wait3A_926] : memref<196608x512xf32, #tpu.memory_space<hbm>> -> memref<72x128xf32, #tpu.memory_space<hbm>>
        tpu.wait_dma2 semaphore(%arg17 : memref<!tpu.dma_semaphore, #tpu.memory_space<semaphore_mem>>) src(%dma_wait3A_927 : memref<72x128xf32, #tpu.memory_space<hbm>>) dst(%dma_wait3A_924 : memref<72x128xf32, #tpu.memory_space<vmem>>)
      } else {
      }
      %ge3A_545 = arith.constant 4 : i32
      %ge3A_546 = arith.cmpi sge, %add3A_421, %ge3A_545 : i32
      %convert_element_type3A_547 = arith.extui %ge3A_546 : i1 to i32
      %cond3A_548 = arith.constant 0 : i32
      %cond3A_549 = arith.cmpi ne, %convert_element_type3A_547, %cond3A_548 : i32
      scf.if %cond3A_549 {
        %dma_wait3A_916 = arith.constant 0 : i32
        %dma_wait3A_917 = arith.constant 0 : i32
        %dma_wait3A_918 = arith.constant 0 : i32
        %dma_wait3A_919 = tpu.memref_slice %arg5[%dma_wait3A_916, %dma_wait3A_917, %dma_wait3A_918] : memref<6144x64x64xf32, #tpu.memory_space<hbm>> -> memref<1x64x64xf32, #tpu.memory_space<hbm>>
        %dma_wait3A_920 = tpu.memref_squeeze %dma_wait3A_919 : memref<1x64x64xf32, #tpu.memory_space<hbm>> -> memref<64x64xf32, #tpu.memory_space<hbm>>
        %dma_wait3A_921 = arith.constant 0 : i32
        %dma_wait3A_922 = arith.constant 0 : i32
        %dma_wait3A_923 = tpu.memref_slice %arg5[%dma_wait3A_916, %dma_wait3A_921, %dma_wait3A_922] : memref<6144x64x64xf32, #tpu.memory_space<hbm>> -> memref<1x64x64xf32, #tpu.memory_space<hbm>>
        %dma_wait3A_924 = tpu.memref_squeeze %dma_wait3A_923 : memref<1x64x64xf32, #tpu.memory_space<hbm>> -> memref<64x64xf32, #tpu.memory_space<hbm>>
        tpu.wait_dma2 semaphore(%arg21 : memref<!tpu.dma_semaphore, #tpu.memory_space<semaphore_mem>>) src(%arg13 : memref<64x64xf32, #tpu.memory_space<vmem>>) dst(%dma_wait3A_924 : memref<64x64xf32, #tpu.memory_space<hbm>>)
      } else {
      }
      %add3A_550 = arith.constant 0 : i32
      %add3A_551 = arith.addi %sub3A_468, %add3A_550 : i32
      %add3A_552 = vector.broadcast %add3A_551 : i32 to vector<16xi32>
      %add3A_553 = arith.addi %add3A_552, %iota3A : vector<16xi32>
      %add3A_554 = arith.constant 16 : i32
      %add3A_555 = arith.addi %sub3A_468, %add3A_554 : i32
      %add3A_556 = vector.broadcast %add3A_555 : i32 to vector<16xi32>
      %add3A_557 = arith.addi %add3A_556, %iota3A : vector<16xi32>
      %add3A_558 = arith.constant 32 : i32
      %add3A_559 = arith.addi %sub3A_468, %add3A_558 : i32
      %add3A_560 = vector.broadcast %add3A_559 : i32 to vector<16xi32>
      %add3A_561 = arith.addi %add3A_560, %iota3A : vector<16xi32>
      %add3A_562 = arith.constant 48 : i32
      %add3A_563 = arith.addi %sub3A_468, %add3A_562 : i32
      %add3A_564 = vector.broadcast %add3A_563 : i32 to vector<16xi32>
      %add3A_565 = arith.addi %add3A_564, %iota3A : vector<16xi32>
      %parallel_loop3A_566 = arith.constant 0 : i32
      %parallel_loop3A_567 = arith.constant 64 : i32
      %parallel_loop3A_568 = arith.constant 1 : i32
      scf.for %parallel_loop3A_916 = %parallel_loop3A_566 to %parallel_loop3A_567 step %parallel_loop3A_568  : i32 {
        %parallel_loop3A_917 = arith.constant 0 : i32
        %parallel_loop3A_918 = vector.broadcast %parallel_loop3A_917 : i32 to vector<16xi32>
        %parallel_loop3A_919 = arith.addi %sub3A_463, %parallel_loop3A_916 : i32
        %parallel_loop3A_920 = vector.broadcast %parallel_loop3A_919 : i32 to vector<16xi32>
        %parallel_loop3A_921 = arith.addi %parallel_loop3A_918, %parallel_loop3A_920 : vector<16xi32>
        %parallel_loop3A_922 = tpu.vector_load_idx %arg9[%parallel_loop3A_921, %add3A_553] : memref<72x256xf32, #tpu.memory_space<vmem>>[vector<16xi32>, vector<16xi32>], vector<16xf32>,
        %parallel_loop3A_923 = arith.index_cast %parallel_loop3A_916 : i32 to index
        %parallel_loop3A_924 = arith.constant 0 : index
        %parallel_loop3A_925 = tpu.vector_load %arg13[%parallel_loop3A_923, %parallel_loop3A_924] {strides = array<i32>} : memref<64x64xf32, #tpu.memory_space<vmem>>, vector<16xf32>,
        tpu.vector_store %arg13[%parallel_loop3A_923, %parallel_loop3A_924], %parallel_loop3A_922 {strides = array<i32>} : memref<64x64xf32, #tpu.memory_space<vmem>>, vector<16xf32>,
        %parallel_loop3A_926 = tpu.vector_load_idx %arg9[%parallel_loop3A_921, %add3A_557] : memref<72x256xf32, #tpu.memory_space<vmem>>[vector<16xi32>, vector<16xi32>], vector<16xf32>,
        %parallel_loop3A_927 = arith.index_cast %parallel_loop3A_916 : i32 to index
        %parallel_loop3A_928 = arith.constant 16 : index
        %parallel_loop3A_929 = tpu.vector_load %arg13[%parallel_loop3A_927, %parallel_loop3A_928] {strides = array<i32>} : memref<64x64xf32, #tpu.memory_space<vmem>>, vector<16xf32>,
        tpu.vector_store %arg13[%parallel_loop3A_927, %parallel_loop3A_928], %parallel_loop3A_926 {strides = array<i32>} : memref<64x64xf32, #tpu.memory_space<vmem>>, vector<16xf32>,
        %parallel_loop3A_930 = tpu.vector_load_idx %arg9[%parallel_loop3A_921, %add3A_561] : memref<72x256xf32, #tpu.memory_space<vmem>>[vector<16xi32>, vector<16xi32>], vector<16xf32>,
        %parallel_loop3A_931 = arith.index_cast %parallel_loop3A_916 : i32 to index
        %parallel_loop3A_932 = arith.constant 32 : index
        %parallel_loop3A_933 = tpu.vector_load %arg13[%parallel_loop3A_931, %parallel_loop3A_932] {strides = array<i32>} : memref<64x64xf32, #tpu.memory_space<vmem>>, vector<16xf32>,
        tpu.vector_store %arg13[%parallel_loop3A_931, %parallel_loop3A_932], %parallel_loop3A_930 {strides = array<i32>} : memref<64x64xf32, #tpu.memory_space<vmem>>, vector<16xf32>,
        %parallel_loop3A_934 = tpu.vector_load_idx %arg9[%parallel_loop3A_921, %add3A_565] : memref<72x256xf32, #tpu.memory_space<vmem>>[vector<16xi32>, vector<16xi32>], vector<16xf32>,
        %parallel_loop3A_935 = arith.index_cast %parallel_loop3A_916 : i32 to index
        %parallel_loop3A_936 = arith.constant 48 : index
        %parallel_loop3A_937 = tpu.vector_load %arg13[%parallel_loop3A_935, %parallel_loop3A_936] {strides = array<i32>} : memref<64x64xf32, #tpu.memory_space<vmem>>, vector<16xf32>,
        tpu.vector_store %arg13[%parallel_loop3A_935, %parallel_loop3A_936], %parallel_loop3A_934 {strides = array<i32>} : memref<64x64xf32, #tpu.memory_space<vmem>>, vector<16xf32>,
      } {sc.loop_unroll_factor = 8 : i64, sc.parallel_access}
      %dma_start3A_569 = arith.constant 0 : i32
      %dma_start3A_570 = arith.constant 0 : i32
      %dma_start3A_571 = tpu.memref_slice %arg5[%add3A_474, %dma_start3A_569, %dma_start3A_570] : memref<6144x64x64xf32, #tpu.memory_space<hbm>> -> memref<1x64x64xf32, #tpu.memory_space<hbm>>
      %dma_start3A_572 = tpu.memref_squeeze %dma_start3A_571 : memref<1x64x64xf32, #tpu.memory_space<hbm>> -> memref<64x64xf32, #tpu.memory_space<hbm>>
      %dma_start3A_573 = arith.constant 0 : i32
      %dma_start3A_574 = arith.constant 0 : i32
      %dma_start3A_575 = tpu.memref_slice %arg5[%add3A_474, %dma_start3A_573, %dma_start3A_574] : memref<6144x64x64xf32, #tpu.memory_space<hbm>> -> memref<1x64x64xf32, #tpu.memory_space<hbm>>
      %dma_start3A_576 = tpu.memref_squeeze %dma_start3A_575 : memref<1x64x64xf32, #tpu.memory_space<hbm>> -> memref<64x64xf32, #tpu.memory_space<hbm>>
      tpu.enqueue_dma source(%arg13 : memref<64x64xf32, #tpu.memory_space<vmem>>) target(%dma_start3A_576 : memref<64x64xf32, #tpu.memory_space<hbm>>) target_semaphore(%arg21 : memref<!tpu.dma_semaphore, #tpu.memory_space<semaphore_mem>>)
      %add3A_577 = arith.constant 4 : i32
      %add3A_578 = arith.addi %add3A_421, %add3A_577 : i32
      %lt3A_579 = arith.constant 192 : i32
      %lt3A_580 = arith.cmpi slt, %add3A_578, %lt3A_579 : i32
      %convert_element_type3A_581 = arith.extui %lt3A_580 : i1 to i32
      %cond3A_582 = arith.constant 0 : i32
      %cond3A_583 = arith.cmpi ne, %convert_element_type3A_581, %cond3A_582 : i32
      scf.if %cond3A_583 {
        %add3A_916 = arith.constant 4 : i32
        %add3A_917 = arith.addi %add3A_421, %add3A_916 : i32
        %and3A_918 = arith.constant 15 : i32
        %and3A_919 = arith.andi %add3A_917, %and3A_918 : i32
        %shift_right_arithmetic3A_920 = arith.constant 4 : i32
        %shift_right_arithmetic3A_921 = arith.shrsi %add3A_917, %shift_right_arithmetic3A_920 : i32
        %shift_right_arithmetic3A_922 = arith.constant 2 : i32
        %shift_right_arithmetic3A_923 = arith.shrsi %shift_right_arithmetic3A_921, %shift_right_arithmetic3A_922 : i32
        %and3A_924 = arith.constant 3 : i32
        %and3A_925 = arith.andi %shift_right_arithmetic3A_921, %and3A_924 : i32
        %eq3A_926 = vector.broadcast %and3A_919 : i32 to vector<16xi32>
        %eq3A_927 = arith.cmpi eq, %iota3A, %eq3A_926 : vector<16xi32>
        %get3A_928 = arith.constant 0 : index
        %get3A_929 = tpu.vector_load %arg6[%get3A_928] {strides = array<i32>} : memref<16xi32, #tpu.memory_space<vmem>>, vector<16xi32>,
        %jit3A_930 = arith.constant 0 : i32
        %broadcast_in_dim3A_931 = vector.broadcast %jit3A_930 : i32 to vector<16xi32>
        %select_n3A_932 = arith.select %eq3A_927, %get3A_929, %broadcast_in_dim3A_931 : vector<16xi1>, vector<16xi32>
        %reduce_sum3A_933 = arith.constant true
        %reduce_sum3A_934 = vector.broadcast %reduce_sum3A_933 : i1 to vector<16xi1>
        %reduce_sum3A_935 = tpu.scan <sum>, %select_n3A_932 masked %reduce_sum3A_934 : vector<16xi32>, vector<16xi1> -> vector<16xi32>
        %reduce_sum3A_936 = vector.extract %reduce_sum3A_935[15] : i32 from vector<16xi32>
        %get3A_937 = arith.constant 0 : index
        %get3A_938 = tpu.vector_load %arg7[%get3A_937] {strides = array<i32>} : memref<16xi32, #tpu.memory_space<vmem>>, vector<16xi32>,
        %jit3A_939 = arith.constant 0 : i32
        %broadcast_in_dim3A_940 = vector.broadcast %jit3A_939 : i32 to vector<16xi32>
        %select_n3A_941 = arith.select %eq3A_927, %get3A_938, %broadcast_in_dim3A_940 : vector<16xi1>, vector<16xi32>
        %reduce_sum3A_942 = arith.constant true
        %reduce_sum3A_943 = vector.broadcast %reduce_sum3A_942 : i1 to vector<16xi1>
        %reduce_sum3A_944 = tpu.scan <sum>, %select_n3A_941 masked %reduce_sum3A_943 : vector<16xi32>, vector<16xi1> -> vector<16xi32>
        %reduce_sum3A_945 = vector.extract %reduce_sum3A_944[15] : i32 from vector<16xi32>
        %mul3A_946 = arith.constant 3 : i32
        %mul3A_947 = arith.muli %add3A, %mul3A_946 : i32
        %add3A_948 = arith.addi %mul3A_947, %shift_right_arithmetic3A_923 : i32
        %mul3A_949 = arith.constant 96 : i32
        %mul3A_950 = arith.muli %and3A_925, %mul3A_949 : i32
        %add3A_951 = arith.addi %mul3A_950, %add3A_948 : i32
        %mul3A_952 = arith.constant 512 : i32
        %mul3A_953 = arith.muli %add3A_951, %mul3A_952 : i32
        %add3A_954 = arith.addi %mul3A_953, %reduce_sum3A_936 : i32
        %and3A_955 = arith.constant -8 : i32
        %and3A_956 = arith.andi %add3A_954, %and3A_955 : i32
        %min3A_957 = arith.constant 196536 : i32
        %min3A_958 = arith.minsi %and3A_956, %min3A_957 : i32
        %sub3A_959 = arith.subi %add3A_954, %min3A_958 : i32
        %and3A_960 = arith.constant -128 : i32
        %and3A_961 = arith.andi %reduce_sum3A_945, %and3A_960 : i32
        %min3A_962 = arith.constant 256 : i32
        %min3A_963 = arith.minsi %and3A_961, %min3A_962 : i32
        %sub3A_964 = arith.subi %reduce_sum3A_945, %min3A_963 : i32
        %mul3A_965 = arith.constant 4 : i32
        %mul3A_966 = arith.muli %and3A_919, %mul3A_965 : i32
        %add3A_967 = arith.addi %mul3A_966, %and3A_925 : i32
        %mul3A_968 = arith.constant 96 : i32
        %mul3A_969 = arith.muli %add3A_967, %mul3A_968 : i32
        %add3A_970 = arith.addi %mul3A_969, %add3A_948 : i32
        %multiple_of3A_971 = tpu.assume_multiple %min3A_958, 8 : i32
        %multiple_of3A_972 = tpu.assume_multiple %min3A_963, 128 : i32
        %dma_start3A_973 = arith.constant 0 : i32
        %dma_start3A_974 = arith.constant 0 : i32
        %dma_start3A_975 = tpu.memref_slice %arg9[%dma_start3A_973, %dma_start3A_974] : memref<72x256xf32, #tpu.memory_space<vmem>> -> memref<72x128xf32, #tpu.memory_space<vmem>>
        %dma_start3A_976 = tpu.memref_slice %arg2[%multiple_of3A_971, %multiple_of3A_972] : memref<196608x512xf32, #tpu.memory_space<hbm>> -> memref<72x128xf32, #tpu.memory_space<hbm>>
        %dma_start3A_977 = arith.constant 0 : i32
        %dma_start3A_978 = arith.constant 0 : i32
        %dma_start3A_979 = tpu.memref_slice %arg9[%dma_start3A_977, %dma_start3A_978] : memref<72x256xf32, #tpu.memory_space<vmem>> -> memref<72x128xf32, #tpu.memory_space<vmem>>
        %dma_start3A_980 = tpu.memref_slice %arg2[%multiple_of3A_971, %multiple_of3A_972] : memref<196608x512xf32, #tpu.memory_space<hbm>> -> memref<72x128xf32, #tpu.memory_space<hbm>>
        tpu.enqueue_dma source(%dma_start3A_980 : memref<72x128xf32, #tpu.memory_space<hbm>>) target(%dma_start3A_979 : memref<72x128xf32, #tpu.memory_space<vmem>>) target_semaphore(%arg17 : memref<!tpu.dma_semaphore, #tpu.memory_space<semaphore_mem>>)
        %gt3A_981 = arith.constant 64 : i32
        %gt3A_982 = arith.cmpi sgt, %sub3A_964, %gt3A_981 : i32
        %convert_element_type3A_983 = arith.extui %gt3A_982 : i1 to i32
        %cond3A_984 = arith.constant 0 : i32
        %cond3A_985 = arith.cmpi ne, %convert_element_type3A_983, %cond3A_984 : i32
        scf.if %cond3A_985 {
          %multiple_of3A_986 = tpu.assume_multiple %min3A_958, 8 : i32
          %add3A_987 = arith.constant 128 : i32
          %add3A_988 = arith.addi %min3A_963, %add3A_987 : i32
          %multiple_of3A_989 = tpu.assume_multiple %add3A_988, 128 : i32
          %dma_start3A_990 = arith.constant 0 : i32
          %dma_start3A_991 = arith.constant 128 : i32
          %dma_start3A_992 = tpu.memref_slice %arg9[%dma_start3A_990, %dma_start3A_991] : memref<72x256xf32, #tpu.memory_space<vmem>> -> memref<72x128xf32, #tpu.memory_space<vmem>>
          %dma_start3A_993 = tpu.memref_slice %arg2[%multiple_of3A_986, %multiple_of3A_989] : memref<196608x512xf32, #tpu.memory_space<hbm>> -> memref<72x128xf32, #tpu.memory_space<hbm>>
          %dma_start3A_994 = arith.constant 0 : i32
          %dma_start3A_995 = arith.constant 128 : i32
          %dma_start3A_996 = tpu.memref_slice %arg9[%dma_start3A_994, %dma_start3A_995] : memref<72x256xf32, #tpu.memory_space<vmem>> -> memref<72x128xf32, #tpu.memory_space<vmem>>
          %dma_start3A_997 = tpu.memref_slice %arg2[%multiple_of3A_986, %multiple_of3A_989] : memref<196608x512xf32, #tpu.memory_space<hbm>> -> memref<72x128xf32, #tpu.memory_space<hbm>>
          tpu.enqueue_dma source(%dma_start3A_997 : memref<72x128xf32, #tpu.memory_space<hbm>>) target(%dma_start3A_996 : memref<72x128xf32, #tpu.memory_space<vmem>>) target_semaphore(%arg17 : memref<!tpu.dma_semaphore, #tpu.memory_space<semaphore_mem>>)
        } else {
        }
      } else {
      }
      %mul3A_584 = arith.constant 4 : i32
      %mul3A_585 = arith.muli %mul3A_584, %scan3A_255 : i32
      %add3A_586 = arith.constant 2 : i32
      %add3A_587 = arith.addi %mul3A_585, %add3A_586 : i32
      %and3A_588 = arith.constant 15 : i32
      %and3A_589 = arith.andi %add3A_587, %and3A_588 : i32
      %shift_right_arithmetic3A_590 = arith.constant 4 : i32
      %shift_right_arithmetic3A_591 = arith.shrsi %add3A_587, %shift_right_arithmetic3A_590 : i32
      %shift_right_arithmetic3A_592 = arith.constant 2 : i32
      %shift_right_arithmetic3A_593 = arith.shrsi %shift_right_arithmetic3A_591, %shift_right_arithmetic3A_592 : i32
      %and3A_594 = arith.constant 3 : i32
      %and3A_595 = arith.andi %shift_right_arithmetic3A_591, %and3A_594 : i32
      %eq3A_596 = vector.broadcast %and3A_589 : i32 to vector<16xi32>
      %eq3A_597 = arith.cmpi eq, %iota3A, %eq3A_596 : vector<16xi32>
      %get3A_598 = arith.constant 0 : index
      %get3A_599 = tpu.vector_load %arg6[%get3A_598] {strides = array<i32>} : memref<16xi32, #tpu.memory_space<vmem>>, vector<16xi32>,
      %jit3A_600 = arith.constant 0 : i32
      %broadcast_in_dim3A_601 = vector.broadcast %jit3A_600 : i32 to vector<16xi32>
      %select_n3A_602 = arith.select %eq3A_597, %get3A_599, %broadcast_in_dim3A_601 : vector<16xi1>, vector<16xi32>
      %reduce_sum3A_603 = arith.constant true
      %reduce_sum3A_604 = vector.broadcast %reduce_sum3A_603 : i1 to vector<16xi1>
      %reduce_sum3A_605 = tpu.scan <sum>, %select_n3A_602 masked %reduce_sum3A_604 : vector<16xi32>, vector<16xi1> -> vector<16xi32>
      %reduce_sum3A_606 = vector.extract %reduce_sum3A_605[15] : i32 from vector<16xi32>
      %get3A_607 = arith.constant 0 : index
      %get3A_608 = tpu.vector_load %arg7[%get3A_607] {strides = array<i32>} : memref<16xi32, #tpu.memory_space<vmem>>, vector<16xi32>,
      %jit3A_609 = arith.constant 0 : i32
      %broadcast_in_dim3A_610 = vector.broadcast %jit3A_609 : i32 to vector<16xi32>
      %select_n3A_611 = arith.select %eq3A_597, %get3A_608, %broadcast_in_dim3A_610 : vector<16xi1>, vector<16xi32>
      %reduce_sum3A_612 = arith.constant true
      %reduce_sum3A_613 = vector.broadcast %reduce_sum3A_612 : i1 to vector<16xi1>
      %reduce_sum3A_614 = tpu.scan <sum>, %select_n3A_611 masked %reduce_sum3A_613 : vector<16xi32>, vector<16xi1> -> vector<16xi32>
      %reduce_sum3A_615 = vector.extract %reduce_sum3A_614[15] : i32 from vector<16xi32>
      %mul3A_616 = arith.constant 3 : i32
      %mul3A_617 = arith.muli %add3A, %mul3A_616 : i32
      %add3A_618 = arith.addi %mul3A_617, %shift_right_arithmetic3A_593 : i32
      %mul3A_619 = arith.constant 96 : i32
      %mul3A_620 = arith.muli %and3A_595, %mul3A_619 : i32
      %add3A_621 = arith.addi %mul3A_620, %add3A_618 : i32
      %mul3A_622 = arith.constant 512 : i32
      %mul3A_623 = arith.muli %add3A_621, %mul3A_622 : i32
      %add3A_624 = arith.addi %mul3A_623, %reduce_sum3A_606 : i32
      %and3A_625 = arith.constant -8 : i32
      %and3A_626 = arith.andi %add3A_624, %and3A_625 : i32
      %min3A_627 = arith.constant 196536 : i32
      %min3A_628 = arith.minsi %and3A_626, %min3A_627 : i32
      %sub3A_629 = arith.subi %add3A_624, %min3A_628 : i32
      %and3A_630 = arith.constant -128 : i32
      %and3A_631 = arith.andi %reduce_sum3A_615, %and3A_630 : i32
      %min3A_632 = arith.constant 256 : i32
      %min3A_633 = arith.minsi %and3A_631, %min3A_632 : i32
      %sub3A_634 = arith.subi %reduce_sum3A_615, %min3A_633 : i32
      %mul3A_635 = arith.constant 4 : i32
      %mul3A_636 = arith.muli %and3A_589, %mul3A_635 : i32
      %add3A_637 = arith.addi %mul3A_636, %and3A_595 : i32
      %mul3A_638 = arith.constant 96 : i32
      %mul3A_639 = arith.muli %add3A_637, %mul3A_638 : i32
      %add3A_640 = arith.addi %mul3A_639, %add3A_618 : i32
      %and3A_641 = arith.constant 15 : i32
      %and3A_642 = arith.andi %add3A_587, %and3A_641 : i32
      %shift_right_arithmetic3A_643 = arith.constant 4 : i32
      %shift_right_arithmetic3A_644 = arith.shrsi %add3A_587, %shift_right_arithmetic3A_643 : i32
      %shift_right_arithmetic3A_645 = arith.constant 2 : i32
      %shift_right_arithmetic3A_646 = arith.shrsi %shift_right_arithmetic3A_644, %shift_right_arithmetic3A_645 : i32
      %and3A_647 = arith.constant 3 : i32
      %and3A_648 = arith.andi %shift_right_arithmetic3A_644, %and3A_647 : i32
      %eq3A_649 = vector.broadcast %and3A_642 : i32 to vector<16xi32>
      %eq3A_650 = arith.cmpi eq, %iota3A, %eq3A_649 : vector<16xi32>
      %get3A_651 = arith.constant 0 : index
      %get3A_652 = tpu.vector_load %arg6[%get3A_651] {strides = array<i32>} : memref<16xi32, #tpu.memory_space<vmem>>, vector<16xi32>,
      %jit3A_653 = arith.constant 0 : i32
      %broadcast_in_dim3A_654 = vector.broadcast %jit3A_653 : i32 to vector<16xi32>
      %select_n3A_655 = arith.select %eq3A_650, %get3A_652, %broadcast_in_dim3A_654 : vector<16xi1>, vector<16xi32>
      %reduce_sum3A_656 = arith.constant true
      %reduce_sum3A_657 = vector.broadcast %reduce_sum3A_656 : i1 to vector<16xi1>
      %reduce_sum3A_658 = tpu.scan <sum>, %select_n3A_655 masked %reduce_sum3A_657 : vector<16xi32>, vector<16xi1> -> vector<16xi32>
      %reduce_sum3A_659 = vector.extract %reduce_sum3A_658[15] : i32 from vector<16xi32>
      %get3A_660 = arith.constant 0 : index
      %get3A_661 = tpu.vector_load %arg7[%get3A_660] {strides = array<i32>} : memref<16xi32, #tpu.memory_space<vmem>>, vector<16xi32>,
      %jit3A_662 = arith.constant 0 : i32
      %broadcast_in_dim3A_663 = vector.broadcast %jit3A_662 : i32 to vector<16xi32>
      %select_n3A_664 = arith.select %eq3A_650, %get3A_661, %broadcast_in_dim3A_663 : vector<16xi1>, vector<16xi32>
      %reduce_sum3A_665 = arith.constant true
      %reduce_sum3A_666 = vector.broadcast %reduce_sum3A_665 : i1 to vector<16xi1>
      %reduce_sum3A_667 = tpu.scan <sum>, %select_n3A_664 masked %reduce_sum3A_666 : vector<16xi32>, vector<16xi1> -> vector<16xi32>
      %reduce_sum3A_668 = vector.extract %reduce_sum3A_667[15] : i32 from vector<16xi32>
      %mul3A_669 = arith.constant 3 : i32
      %mul3A_670 = arith.muli %add3A, %mul3A_669 : i32
      %add3A_671 = arith.addi %mul3A_670, %shift_right_arithmetic3A_646 : i32
      %mul3A_672 = arith.constant 96 : i32
      %mul3A_673 = arith.muli %and3A_648, %mul3A_672 : i32
      %add3A_674 = arith.addi %mul3A_673, %add3A_671 : i32
      %mul3A_675 = arith.constant 512 : i32
      %mul3A_676 = arith.muli %add3A_674, %mul3A_675 : i32
      %add3A_677 = arith.addi %mul3A_676, %reduce_sum3A_659 : i32
      %and3A_678 = arith.constant -8 : i32
      %and3A_679 = arith.andi %add3A_677, %and3A_678 : i32
      %min3A_680 = arith.constant 196536 : i32
      %min3A_681 = arith.minsi %and3A_679, %min3A_680 : i32
      %sub3A_682 = arith.subi %add3A_677, %min3A_681 : i32
      %and3A_683 = arith.constant -128 : i32
      %and3A_684 = arith.andi %reduce_sum3A_668, %and3A_683 : i32
      %min3A_685 = arith.constant 256 : i32
      %min3A_686 = arith.minsi %and3A_684, %min3A_685 : i32
      %sub3A_687 = arith.subi %reduce_sum3A_668, %min3A_686 : i32
      %mul3A_688 = arith.constant 4 : i32
      %mul3A_689 = arith.muli %and3A_642, %mul3A_688 : i32
      %add3A_690 = arith.addi %mul3A_689, %and3A_648 : i32
      %mul3A_691 = arith.constant 96 : i32
      %mul3A_692 = arith.muli %add3A_690, %mul3A_691 : i32
      %add3A_693 = arith.addi %mul3A_692, %add3A_671 : i32
      %dma_wait3A_694 = arith.constant 0 : i32
      %dma_wait3A_695 = arith.constant 0 : i32
      %dma_wait3A_696 = tpu.memref_slice %arg10[%dma_wait3A_694, %dma_wait3A_695] : memref<72x256xf32, #tpu.memory_space<vmem>> -> memref<72x128xf32, #tpu.memory_space<vmem>>
      %dma_wait3A_697 = arith.constant 0 : i32
      %dma_wait3A_698 = arith.constant 0 : i32
      %dma_wait3A_699 = tpu.memref_slice %arg2[%dma_wait3A_697, %dma_wait3A_698] : memref<196608x512xf32, #tpu.memory_space<hbm>> -> memref<72x128xf32, #tpu.memory_space<hbm>>
      %dma_wait3A_700 = arith.constant 0 : i32
      %dma_wait3A_701 = arith.constant 0 : i32
      %dma_wait3A_702 = tpu.memref_slice %arg10[%dma_wait3A_700, %dma_wait3A_701] : memref<72x256xf32, #tpu.memory_space<vmem>> -> memref<72x128xf32, #tpu.memory_space<vmem>>
      %dma_wait3A_703 = arith.constant 0 : i32
      %dma_wait3A_704 = arith.constant 0 : i32
      %dma_wait3A_705 = tpu.memref_slice %arg2[%dma_wait3A_703, %dma_wait3A_704] : memref<196608x512xf32, #tpu.memory_space<hbm>> -> memref<72x128xf32, #tpu.memory_space<hbm>>
      tpu.wait_dma2 semaphore(%arg18 : memref<!tpu.dma_semaphore, #tpu.memory_space<semaphore_mem>>) src(%dma_wait3A_705 : memref<72x128xf32, #tpu.memory_space<hbm>>) dst(%dma_wait3A_702 : memref<72x128xf32, #tpu.memory_space<vmem>>)
      %gt3A_706 = arith.constant 64 : i32
      %gt3A_707 = arith.cmpi sgt, %sub3A_687, %gt3A_706 : i32
      %convert_element_type3A_708 = arith.extui %gt3A_707 : i1 to i32
      %cond3A_709 = arith.constant 0 : i32
      %cond3A_710 = arith.cmpi ne, %convert_element_type3A_708, %cond3A_709 : i32
      scf.if %cond3A_710 {
        %dma_wait3A_916 = arith.constant 0 : i32
        %dma_wait3A_917 = arith.constant 128 : i32
        %dma_wait3A_918 = tpu.memref_slice %arg10[%dma_wait3A_916, %dma_wait3A_917] : memref<72x256xf32, #tpu.memory_space<vmem>> -> memref<72x128xf32, #tpu.memory_space<vmem>>
        %dma_wait3A_919 = arith.constant 0 : i32
        %dma_wait3A_920 = arith.constant 0 : i32
        %dma_wait3A_921 = tpu.memref_slice %arg2[%dma_wait3A_919, %dma_wait3A_920] : memref<196608x512xf32, #tpu.memory_space<hbm>> -> memref<72x128xf32, #tpu.memory_space<hbm>>
        %dma_wait3A_922 = arith.constant 0 : i32
        %dma_wait3A_923 = arith.constant 128 : i32
        %dma_wait3A_924 = tpu.memref_slice %arg10[%dma_wait3A_922, %dma_wait3A_923] : memref<72x256xf32, #tpu.memory_space<vmem>> -> memref<72x128xf32, #tpu.memory_space<vmem>>
        %dma_wait3A_925 = arith.constant 0 : i32
        %dma_wait3A_926 = arith.constant 0 : i32
        %dma_wait3A_927 = tpu.memref_slice %arg2[%dma_wait3A_925, %dma_wait3A_926] : memref<196608x512xf32, #tpu.memory_space<hbm>> -> memref<72x128xf32, #tpu.memory_space<hbm>>
        tpu.wait_dma2 semaphore(%arg18 : memref<!tpu.dma_semaphore, #tpu.memory_space<semaphore_mem>>) src(%dma_wait3A_927 : memref<72x128xf32, #tpu.memory_space<hbm>>) dst(%dma_wait3A_924 : memref<72x128xf32, #tpu.memory_space<vmem>>)
      } else {
      }
      %ge3A_711 = arith.constant 4 : i32
      %ge3A_712 = arith.cmpi sge, %add3A_587, %ge3A_711 : i32
      %convert_element_type3A_713 = arith.extui %ge3A_712 : i1 to i32
      %cond3A_714 = arith.constant 0 : i32
      %cond3A_715 = arith.cmpi ne, %convert_element_type3A_713, %cond3A_714 : i32
      scf.if %cond3A_715 {
        %dma_wait3A_916 = arith.constant 0 : i32
        %dma_wait3A_917 = arith.constant 0 : i32
        %dma_wait3A_918 = arith.constant 0 : i32
        %dma_wait3A_919 = tpu.memref_slice %arg5[%dma_wait3A_916, %dma_wait3A_917, %dma_wait3A_918] : memref<6144x64x64xf32, #tpu.memory_space<hbm>> -> memref<1x64x64xf32, #tpu.memory_space<hbm>>
        %dma_wait3A_920 = tpu.memref_squeeze %dma_wait3A_919 : memref<1x64x64xf32, #tpu.memory_space<hbm>> -> memref<64x64xf32, #tpu.memory_space<hbm>>
        %dma_wait3A_921 = arith.constant 0 : i32
        %dma_wait3A_922 = arith.constant 0 : i32
        %dma_wait3A_923 = tpu.memref_slice %arg5[%dma_wait3A_916, %dma_wait3A_921, %dma_wait3A_922] : memref<6144x64x64xf32, #tpu.memory_space<hbm>> -> memref<1x64x64xf32, #tpu.memory_space<hbm>>
        %dma_wait3A_924 = tpu.memref_squeeze %dma_wait3A_923 : memref<1x64x64xf32, #tpu.memory_space<hbm>> -> memref<64x64xf32, #tpu.memory_space<hbm>>
        tpu.wait_dma2 semaphore(%arg22 : memref<!tpu.dma_semaphore, #tpu.memory_space<semaphore_mem>>) src(%arg14 : memref<64x64xf32, #tpu.memory_space<vmem>>) dst(%dma_wait3A_924 : memref<64x64xf32, #tpu.memory_space<hbm>>)
      } else {
      }
      %add3A_716 = arith.constant 0 : i32
      %add3A_717 = arith.addi %sub3A_634, %add3A_716 : i32
      %add3A_718 = vector.broadcast %add3A_717 : i32 to vector<16xi32>
      %add3A_719 = arith.addi %add3A_718, %iota3A : vector<16xi32>
      %add3A_720 = arith.constant 16 : i32
      %add3A_721 = arith.addi %sub3A_634, %add3A_720 : i32
      %add3A_722 = vector.broadcast %add3A_721 : i32 to vector<16xi32>
      %add3A_723 = arith.addi %add3A_722, %iota3A : vector<16xi32>
      %add3A_724 = arith.constant 32 : i32
      %add3A_725 = arith.addi %sub3A_634, %add3A_724 : i32
      %add3A_726 = vector.broadcast %add3A_725 : i32 to vector<16xi32>
      %add3A_727 = arith.addi %add3A_726, %iota3A : vector<16xi32>
      %add3A_728 = arith.constant 48 : i32
      %add3A_729 = arith.addi %sub3A_634, %add3A_728 : i32
      %add3A_730 = vector.broadcast %add3A_729 : i32 to vector<16xi32>
      %add3A_731 = arith.addi %add3A_730, %iota3A : vector<16xi32>
      %parallel_loop3A_732 = arith.constant 0 : i32
      %parallel_loop3A_733 = arith.constant 64 : i32
      %parallel_loop3A_734 = arith.constant 1 : i32
      scf.for %parallel_loop3A_916 = %parallel_loop3A_732 to %parallel_loop3A_733 step %parallel_loop3A_734  : i32 {
        %parallel_loop3A_917 = arith.constant 0 : i32
        %parallel_loop3A_918 = vector.broadcast %parallel_loop3A_917 : i32 to vector<16xi32>
        %parallel_loop3A_919 = arith.addi %sub3A_629, %parallel_loop3A_916 : i32
        %parallel_loop3A_920 = vector.broadcast %parallel_loop3A_919 : i32 to vector<16xi32>
        %parallel_loop3A_921 = arith.addi %parallel_loop3A_918, %parallel_loop3A_920 : vector<16xi32>
        %parallel_loop3A_922 = tpu.vector_load_idx %arg10[%parallel_loop3A_921, %add3A_719] : memref<72x256xf32, #tpu.memory_space<vmem>>[vector<16xi32>, vector<16xi32>], vector<16xf32>,
        %parallel_loop3A_923 = arith.index_cast %parallel_loop3A_916 : i32 to index
        %parallel_loop3A_924 = arith.constant 0 : index
        %parallel_loop3A_925 = tpu.vector_load %arg14[%parallel_loop3A_923, %parallel_loop3A_924] {strides = array<i32>} : memref<64x64xf32, #tpu.memory_space<vmem>>, vector<16xf32>,
        tpu.vector_store %arg14[%parallel_loop3A_923, %parallel_loop3A_924], %parallel_loop3A_922 {strides = array<i32>} : memref<64x64xf32, #tpu.memory_space<vmem>>, vector<16xf32>,
        %parallel_loop3A_926 = tpu.vector_load_idx %arg10[%parallel_loop3A_921, %add3A_723] : memref<72x256xf32, #tpu.memory_space<vmem>>[vector<16xi32>, vector<16xi32>], vector<16xf32>,
        %parallel_loop3A_927 = arith.index_cast %parallel_loop3A_916 : i32 to index
        %parallel_loop3A_928 = arith.constant 16 : index
        %parallel_loop3A_929 = tpu.vector_load %arg14[%parallel_loop3A_927, %parallel_loop3A_928] {strides = array<i32>} : memref<64x64xf32, #tpu.memory_space<vmem>>, vector<16xf32>,
        tpu.vector_store %arg14[%parallel_loop3A_927, %parallel_loop3A_928], %parallel_loop3A_926 {strides = array<i32>} : memref<64x64xf32, #tpu.memory_space<vmem>>, vector<16xf32>,
        %parallel_loop3A_930 = tpu.vector_load_idx %arg10[%parallel_loop3A_921, %add3A_727] : memref<72x256xf32, #tpu.memory_space<vmem>>[vector<16xi32>, vector<16xi32>], vector<16xf32>,
        %parallel_loop3A_931 = arith.index_cast %parallel_loop3A_916 : i32 to index
        %parallel_loop3A_932 = arith.constant 32 : index
        %parallel_loop3A_933 = tpu.vector_load %arg14[%parallel_loop3A_931, %parallel_loop3A_932] {strides = array<i32>} : memref<64x64xf32, #tpu.memory_space<vmem>>, vector<16xf32>,
        tpu.vector_store %arg14[%parallel_loop3A_931, %parallel_loop3A_932], %parallel_loop3A_930 {strides = array<i32>} : memref<64x64xf32, #tpu.memory_space<vmem>>, vector<16xf32>,
        %parallel_loop3A_934 = tpu.vector_load_idx %arg10[%parallel_loop3A_921, %add3A_731] : memref<72x256xf32, #tpu.memory_space<vmem>>[vector<16xi32>, vector<16xi32>], vector<16xf32>,
        %parallel_loop3A_935 = arith.index_cast %parallel_loop3A_916 : i32 to index
        %parallel_loop3A_936 = arith.constant 48 : index
        %parallel_loop3A_937 = tpu.vector_load %arg14[%parallel_loop3A_935, %parallel_loop3A_936] {strides = array<i32>} : memref<64x64xf32, #tpu.memory_space<vmem>>, vector<16xf32>,
        tpu.vector_store %arg14[%parallel_loop3A_935, %parallel_loop3A_936], %parallel_loop3A_934 {strides = array<i32>} : memref<64x64xf32, #tpu.memory_space<vmem>>, vector<16xf32>,
      } {sc.loop_unroll_factor = 8 : i64, sc.parallel_access}
      %dma_start3A_735 = arith.constant 0 : i32
      %dma_start3A_736 = arith.constant 0 : i32
      %dma_start3A_737 = tpu.memref_slice %arg5[%add3A_640, %dma_start3A_735, %dma_start3A_736] : memref<6144x64x64xf32, #tpu.memory_space<hbm>> -> memref<1x64x64xf32, #tpu.memory_space<hbm>>
      %dma_start3A_738 = tpu.memref_squeeze %dma_start3A_737 : memref<1x64x64xf32, #tpu.memory_space<hbm>> -> memref<64x64xf32, #tpu.memory_space<hbm>>
      %dma_start3A_739 = arith.constant 0 : i32
      %dma_start3A_740 = arith.constant 0 : i32
      %dma_start3A_741 = tpu.memref_slice %arg5[%add3A_640, %dma_start3A_739, %dma_start3A_740] : memref<6144x64x64xf32, #tpu.memory_space<hbm>> -> memref<1x64x64xf32, #tpu.memory_space<hbm>>
      %dma_start3A_742 = tpu.memref_squeeze %dma_start3A_741 : memref<1x64x64xf32, #tpu.memory_space<hbm>> -> memref<64x64xf32, #tpu.memory_space<hbm>>
      tpu.enqueue_dma source(%arg14 : memref<64x64xf32, #tpu.memory_space<vmem>>) target(%dma_start3A_742 : memref<64x64xf32, #tpu.memory_space<hbm>>) target_semaphore(%arg22 : memref<!tpu.dma_semaphore, #tpu.memory_space<semaphore_mem>>)
      %add3A_743 = arith.constant 4 : i32
      %add3A_744 = arith.addi %add3A_587, %add3A_743 : i32
      %lt3A_745 = arith.constant 192 : i32
      %lt3A_746 = arith.cmpi slt, %add3A_744, %lt3A_745 : i32
      %convert_element_type3A_747 = arith.extui %lt3A_746 : i1 to i32
      %cond3A_748 = arith.constant 0 : i32
      %cond3A_749 = arith.cmpi ne, %convert_element_type3A_747, %cond3A_748 : i32
      scf.if %cond3A_749 {
        %add3A_916 = arith.constant 4 : i32
        %add3A_917 = arith.addi %add3A_587, %add3A_916 : i32
        %and3A_918 = arith.constant 15 : i32
        %and3A_919 = arith.andi %add3A_917, %and3A_918 : i32
        %shift_right_arithmetic3A_920 = arith.constant 4 : i32
        %shift_right_arithmetic3A_921 = arith.shrsi %add3A_917, %shift_right_arithmetic3A_920 : i32
        %shift_right_arithmetic3A_922 = arith.constant 2 : i32
        %shift_right_arithmetic3A_923 = arith.shrsi %shift_right_arithmetic3A_921, %shift_right_arithmetic3A_922 : i32
        %and3A_924 = arith.constant 3 : i32
        %and3A_925 = arith.andi %shift_right_arithmetic3A_921, %and3A_924 : i32
        %eq3A_926 = vector.broadcast %and3A_919 : i32 to vector<16xi32>
        %eq3A_927 = arith.cmpi eq, %iota3A, %eq3A_926 : vector<16xi32>
        %get3A_928 = arith.constant 0 : index
        %get3A_929 = tpu.vector_load %arg6[%get3A_928] {strides = array<i32>} : memref<16xi32, #tpu.memory_space<vmem>>, vector<16xi32>,
        %jit3A_930 = arith.constant 0 : i32
        %broadcast_in_dim3A_931 = vector.broadcast %jit3A_930 : i32 to vector<16xi32>
        %select_n3A_932 = arith.select %eq3A_927, %get3A_929, %broadcast_in_dim3A_931 : vector<16xi1>, vector<16xi32>
        %reduce_sum3A_933 = arith.constant true
        %reduce_sum3A_934 = vector.broadcast %reduce_sum3A_933 : i1 to vector<16xi1>
        %reduce_sum3A_935 = tpu.scan <sum>, %select_n3A_932 masked %reduce_sum3A_934 : vector<16xi32>, vector<16xi1> -> vector<16xi32>
        %reduce_sum3A_936 = vector.extract %reduce_sum3A_935[15] : i32 from vector<16xi32>
        %get3A_937 = arith.constant 0 : index
        %get3A_938 = tpu.vector_load %arg7[%get3A_937] {strides = array<i32>} : memref<16xi32, #tpu.memory_space<vmem>>, vector<16xi32>,
        %jit3A_939 = arith.constant 0 : i32
        %broadcast_in_dim3A_940 = vector.broadcast %jit3A_939 : i32 to vector<16xi32>
        %select_n3A_941 = arith.select %eq3A_927, %get3A_938, %broadcast_in_dim3A_940 : vector<16xi1>, vector<16xi32>
        %reduce_sum3A_942 = arith.constant true
        %reduce_sum3A_943 = vector.broadcast %reduce_sum3A_942 : i1 to vector<16xi1>
        %reduce_sum3A_944 = tpu.scan <sum>, %select_n3A_941 masked %reduce_sum3A_943 : vector<16xi32>, vector<16xi1> -> vector<16xi32>
        %reduce_sum3A_945 = vector.extract %reduce_sum3A_944[15] : i32 from vector<16xi32>
        %mul3A_946 = arith.constant 3 : i32
        %mul3A_947 = arith.muli %add3A, %mul3A_946 : i32
        %add3A_948 = arith.addi %mul3A_947, %shift_right_arithmetic3A_923 : i32
        %mul3A_949 = arith.constant 96 : i32
        %mul3A_950 = arith.muli %and3A_925, %mul3A_949 : i32
        %add3A_951 = arith.addi %mul3A_950, %add3A_948 : i32
        %mul3A_952 = arith.constant 512 : i32
        %mul3A_953 = arith.muli %add3A_951, %mul3A_952 : i32
        %add3A_954 = arith.addi %mul3A_953, %reduce_sum3A_936 : i32
        %and3A_955 = arith.constant -8 : i32
        %and3A_956 = arith.andi %add3A_954, %and3A_955 : i32
        %min3A_957 = arith.constant 196536 : i32
        %min3A_958 = arith.minsi %and3A_956, %min3A_957 : i32
        %sub3A_959 = arith.subi %add3A_954, %min3A_958 : i32
        %and3A_960 = arith.constant -128 : i32
        %and3A_961 = arith.andi %reduce_sum3A_945, %and3A_960 : i32
        %min3A_962 = arith.constant 256 : i32
        %min3A_963 = arith.minsi %and3A_961, %min3A_962 : i32
        %sub3A_964 = arith.subi %reduce_sum3A_945, %min3A_963 : i32
        %mul3A_965 = arith.constant 4 : i32
        %mul3A_966 = arith.muli %and3A_919, %mul3A_965 : i32
        %add3A_967 = arith.addi %mul3A_966, %and3A_925 : i32
        %mul3A_968 = arith.constant 96 : i32
        %mul3A_969 = arith.muli %add3A_967, %mul3A_968 : i32
        %add3A_970 = arith.addi %mul3A_969, %add3A_948 : i32
        %multiple_of3A_971 = tpu.assume_multiple %min3A_958, 8 : i32
        %multiple_of3A_972 = tpu.assume_multiple %min3A_963, 128 : i32
        %dma_start3A_973 = arith.constant 0 : i32
        %dma_start3A_974 = arith.constant 0 : i32
        %dma_start3A_975 = tpu.memref_slice %arg10[%dma_start3A_973, %dma_start3A_974] : memref<72x256xf32, #tpu.memory_space<vmem>> -> memref<72x128xf32, #tpu.memory_space<vmem>>
        %dma_start3A_976 = tpu.memref_slice %arg2[%multiple_of3A_971, %multiple_of3A_972] : memref<196608x512xf32, #tpu.memory_space<hbm>> -> memref<72x128xf32, #tpu.memory_space<hbm>>
        %dma_start3A_977 = arith.constant 0 : i32
        %dma_start3A_978 = arith.constant 0 : i32
        %dma_start3A_979 = tpu.memref_slice %arg10[%dma_start3A_977, %dma_start3A_978] : memref<72x256xf32, #tpu.memory_space<vmem>> -> memref<72x128xf32, #tpu.memory_space<vmem>>
        %dma_start3A_980 = tpu.memref_slice %arg2[%multiple_of3A_971, %multiple_of3A_972] : memref<196608x512xf32, #tpu.memory_space<hbm>> -> memref<72x128xf32, #tpu.memory_space<hbm>>
        tpu.enqueue_dma source(%dma_start3A_980 : memref<72x128xf32, #tpu.memory_space<hbm>>) target(%dma_start3A_979 : memref<72x128xf32, #tpu.memory_space<vmem>>) target_semaphore(%arg18 : memref<!tpu.dma_semaphore, #tpu.memory_space<semaphore_mem>>)
        %gt3A_981 = arith.constant 64 : i32
        %gt3A_982 = arith.cmpi sgt, %sub3A_964, %gt3A_981 : i32
        %convert_element_type3A_983 = arith.extui %gt3A_982 : i1 to i32
        %cond3A_984 = arith.constant 0 : i32
        %cond3A_985 = arith.cmpi ne, %convert_element_type3A_983, %cond3A_984 : i32
        scf.if %cond3A_985 {
          %multiple_of3A_986 = tpu.assume_multiple %min3A_958, 8 : i32
          %add3A_987 = arith.constant 128 : i32
          %add3A_988 = arith.addi %min3A_963, %add3A_987 : i32
          %multiple_of3A_989 = tpu.assume_multiple %add3A_988, 128 : i32
          %dma_start3A_990 = arith.constant 0 : i32
          %dma_start3A_991 = arith.constant 128 : i32
          %dma_start3A_992 = tpu.memref_slice %arg10[%dma_start3A_990, %dma_start3A_991] : memref<72x256xf32, #tpu.memory_space<vmem>> -> memref<72x128xf32, #tpu.memory_space<vmem>>
          %dma_start3A_993 = tpu.memref_slice %arg2[%multiple_of3A_986, %multiple_of3A_989] : memref<196608x512xf32, #tpu.memory_space<hbm>> -> memref<72x128xf32, #tpu.memory_space<hbm>>
          %dma_start3A_994 = arith.constant 0 : i32
          %dma_start3A_995 = arith.constant 128 : i32
          %dma_start3A_996 = tpu.memref_slice %arg10[%dma_start3A_994, %dma_start3A_995] : memref<72x256xf32, #tpu.memory_space<vmem>> -> memref<72x128xf32, #tpu.memory_space<vmem>>
          %dma_start3A_997 = tpu.memref_slice %arg2[%multiple_of3A_986, %multiple_of3A_989] : memref<196608x512xf32, #tpu.memory_space<hbm>> -> memref<72x128xf32, #tpu.memory_space<hbm>>
          tpu.enqueue_dma source(%dma_start3A_997 : memref<72x128xf32, #tpu.memory_space<hbm>>) target(%dma_start3A_996 : memref<72x128xf32, #tpu.memory_space<vmem>>) target_semaphore(%arg18 : memref<!tpu.dma_semaphore, #tpu.memory_space<semaphore_mem>>)
        } else {
        }
      } else {
      }
      %mul3A_750 = arith.constant 4 : i32
      %mul3A_751 = arith.muli %mul3A_750, %scan3A_255 : i32
      %add3A_752 = arith.constant 3 : i32
      %add3A_753 = arith.addi %mul3A_751, %add3A_752 : i32
      %and3A_754 = arith.constant 15 : i32
      %and3A_755 = arith.andi %add3A_753, %and3A_754 : i32
      %shift_right_arithmetic3A_756 = arith.constant 4 : i32
      %shift_right_arithmetic3A_757 = arith.shrsi %add3A_753, %shift_right_arithmetic3A_756 : i32
      %shift_right_arithmetic3A_758 = arith.constant 2 : i32
      %shift_right_arithmetic3A_759 = arith.shrsi %shift_right_arithmetic3A_757, %shift_right_arithmetic3A_758 : i32
      %and3A_760 = arith.constant 3 : i32
      %and3A_761 = arith.andi %shift_right_arithmetic3A_757, %and3A_760 : i32
      %eq3A_762 = vector.broadcast %and3A_755 : i32 to vector<16xi32>
      %eq3A_763 = arith.cmpi eq, %iota3A, %eq3A_762 : vector<16xi32>
      %get3A_764 = arith.constant 0 : index
      %get3A_765 = tpu.vector_load %arg6[%get3A_764] {strides = array<i32>} : memref<16xi32, #tpu.memory_space<vmem>>, vector<16xi32>,
      %jit3A_766 = arith.constant 0 : i32
      %broadcast_in_dim3A_767 = vector.broadcast %jit3A_766 : i32 to vector<16xi32>
      %select_n3A_768 = arith.select %eq3A_763, %get3A_765, %broadcast_in_dim3A_767 : vector<16xi1>, vector<16xi32>
      %reduce_sum3A_769 = arith.constant true
      %reduce_sum3A_770 = vector.broadcast %reduce_sum3A_769 : i1 to vector<16xi1>
      %reduce_sum3A_771 = tpu.scan <sum>, %select_n3A_768 masked %reduce_sum3A_770 : vector<16xi32>, vector<16xi1> -> vector<16xi32>
      %reduce_sum3A_772 = vector.extract %reduce_sum3A_771[15] : i32 from vector<16xi32>
      %get3A_773 = arith.constant 0 : index
      %get3A_774 = tpu.vector_load %arg7[%get3A_773] {strides = array<i32>} : memref<16xi32, #tpu.memory_space<vmem>>, vector<16xi32>,
      %jit3A_775 = arith.constant 0 : i32
      %broadcast_in_dim3A_776 = vector.broadcast %jit3A_775 : i32 to vector<16xi32>
      %select_n3A_777 = arith.select %eq3A_763, %get3A_774, %broadcast_in_dim3A_776 : vector<16xi1>, vector<16xi32>
      %reduce_sum3A_778 = arith.constant true
      %reduce_sum3A_779 = vector.broadcast %reduce_sum3A_778 : i1 to vector<16xi1>
      %reduce_sum3A_780 = tpu.scan <sum>, %select_n3A_777 masked %reduce_sum3A_779 : vector<16xi32>, vector<16xi1> -> vector<16xi32>
      %reduce_sum3A_781 = vector.extract %reduce_sum3A_780[15] : i32 from vector<16xi32>
      %mul3A_782 = arith.constant 3 : i32
      %mul3A_783 = arith.muli %add3A, %mul3A_782 : i32
      %add3A_784 = arith.addi %mul3A_783, %shift_right_arithmetic3A_759 : i32
      %mul3A_785 = arith.constant 96 : i32
      %mul3A_786 = arith.muli %and3A_761, %mul3A_785 : i32
      %add3A_787 = arith.addi %mul3A_786, %add3A_784 : i32
      %mul3A_788 = arith.constant 512 : i32
      %mul3A_789 = arith.muli %add3A_787, %mul3A_788 : i32
      %add3A_790 = arith.addi %mul3A_789, %reduce_sum3A_772 : i32
      %and3A_791 = arith.constant -8 : i32
      %and3A_792 = arith.andi %add3A_790, %and3A_791 : i32
      %min3A_793 = arith.constant 196536 : i32
      %min3A_794 = arith.minsi %and3A_792, %min3A_793 : i32
      %sub3A_795 = arith.subi %add3A_790, %min3A_794 : i32
      %and3A_796 = arith.constant -128 : i32
      %and3A_797 = arith.andi %reduce_sum3A_781, %and3A_796 : i32
      %min3A_798 = arith.constant 256 : i32
      %min3A_799 = arith.minsi %and3A_797, %min3A_798 : i32
      %sub3A_800 = arith.subi %reduce_sum3A_781, %min3A_799 : i32
      %mul3A_801 = arith.constant 4 : i32
      %mul3A_802 = arith.muli %and3A_755, %mul3A_801 : i32
      %add3A_803 = arith.addi %mul3A_802, %and3A_761 : i32
      %mul3A_804 = arith.constant 96 : i32
      %mul3A_805 = arith.muli %add3A_803, %mul3A_804 : i32
      %add3A_806 = arith.addi %mul3A_805, %add3A_784 : i32
      %and3A_807 = arith.constant 15 : i32
      %and3A_808 = arith.andi %add3A_753, %and3A_807 : i32
      %shift_right_arithmetic3A_809 = arith.constant 4 : i32
      %shift_right_arithmetic3A_810 = arith.shrsi %add3A_753, %shift_right_arithmetic3A_809 : i32
      %shift_right_arithmetic3A_811 = arith.constant 2 : i32
      %shift_right_arithmetic3A_812 = arith.shrsi %shift_right_arithmetic3A_810, %shift_right_arithmetic3A_811 : i32
      %and3A_813 = arith.constant 3 : i32
      %and3A_814 = arith.andi %shift_right_arithmetic3A_810, %and3A_813 : i32
      %eq3A_815 = vector.broadcast %and3A_808 : i32 to vector<16xi32>
      %eq3A_816 = arith.cmpi eq, %iota3A, %eq3A_815 : vector<16xi32>
      %get3A_817 = arith.constant 0 : index
      %get3A_818 = tpu.vector_load %arg6[%get3A_817] {strides = array<i32>} : memref<16xi32, #tpu.memory_space<vmem>>, vector<16xi32>,
      %jit3A_819 = arith.constant 0 : i32
      %broadcast_in_dim3A_820 = vector.broadcast %jit3A_819 : i32 to vector<16xi32>
      %select_n3A_821 = arith.select %eq3A_816, %get3A_818, %broadcast_in_dim3A_820 : vector<16xi1>, vector<16xi32>
      %reduce_sum3A_822 = arith.constant true
      %reduce_sum3A_823 = vector.broadcast %reduce_sum3A_822 : i1 to vector<16xi1>
      %reduce_sum3A_824 = tpu.scan <sum>, %select_n3A_821 masked %reduce_sum3A_823 : vector<16xi32>, vector<16xi1> -> vector<16xi32>
      %reduce_sum3A_825 = vector.extract %reduce_sum3A_824[15] : i32 from vector<16xi32>
      %get3A_826 = arith.constant 0 : index
      %get3A_827 = tpu.vector_load %arg7[%get3A_826] {strides = array<i32>} : memref<16xi32, #tpu.memory_space<vmem>>, vector<16xi32>,
      %jit3A_828 = arith.constant 0 : i32
      %broadcast_in_dim3A_829 = vector.broadcast %jit3A_828 : i32 to vector<16xi32>
      %select_n3A_830 = arith.select %eq3A_816, %get3A_827, %broadcast_in_dim3A_829 : vector<16xi1>, vector<16xi32>
      %reduce_sum3A_831 = arith.constant true
      %reduce_sum3A_832 = vector.broadcast %reduce_sum3A_831 : i1 to vector<16xi1>
      %reduce_sum3A_833 = tpu.scan <sum>, %select_n3A_830 masked %reduce_sum3A_832 : vector<16xi32>, vector<16xi1> -> vector<16xi32>
      %reduce_sum3A_834 = vector.extract %reduce_sum3A_833[15] : i32 from vector<16xi32>
      %mul3A_835 = arith.constant 3 : i32
      %mul3A_836 = arith.muli %add3A, %mul3A_835 : i32
      %add3A_837 = arith.addi %mul3A_836, %shift_right_arithmetic3A_812 : i32
      %mul3A_838 = arith.constant 96 : i32
      %mul3A_839 = arith.muli %and3A_814, %mul3A_838 : i32
      %add3A_840 = arith.addi %mul3A_839, %add3A_837 : i32
      %mul3A_841 = arith.constant 512 : i32
      %mul3A_842 = arith.muli %add3A_840, %mul3A_841 : i32
      %add3A_843 = arith.addi %mul3A_842, %reduce_sum3A_825 : i32
      %and3A_844 = arith.constant -8 : i32
      %and3A_845 = arith.andi %add3A_843, %and3A_844 : i32
      %min3A_846 = arith.constant 196536 : i32
      %min3A_847 = arith.minsi %and3A_845, %min3A_846 : i32
      %sub3A_848 = arith.subi %add3A_843, %min3A_847 : i32
      %and3A_849 = arith.constant -128 : i32
      %and3A_850 = arith.andi %reduce_sum3A_834, %and3A_849 : i32
      %min3A_851 = arith.constant 256 : i32
      %min3A_852 = arith.minsi %and3A_850, %min3A_851 : i32
      %sub3A_853 = arith.subi %reduce_sum3A_834, %min3A_852 : i32
      %mul3A_854 = arith.constant 4 : i32
      %mul3A_855 = arith.muli %and3A_808, %mul3A_854 : i32
      %add3A_856 = arith.addi %mul3A_855, %and3A_814 : i32
      %mul3A_857 = arith.constant 96 : i32
      %mul3A_858 = arith.muli %add3A_856, %mul3A_857 : i32
      %add3A_859 = arith.addi %mul3A_858, %add3A_837 : i32
      %dma_wait3A_860 = arith.constant 0 : i32
      %dma_wait3A_861 = arith.constant 0 : i32
      %dma_wait3A_862 = tpu.memref_slice %arg11[%dma_wait3A_860, %dma_wait3A_861] : memref<72x256xf32, #tpu.memory_space<vmem>> -> memref<72x128xf32, #tpu.memory_space<vmem>>
      %dma_wait3A_863 = arith.constant 0 : i32
      %dma_wait3A_864 = arith.constant 0 : i32
      %dma_wait3A_865 = tpu.memref_slice %arg2[%dma_wait3A_863, %dma_wait3A_864] : memref<196608x512xf32, #tpu.memory_space<hbm>> -> memref<72x128xf32, #tpu.memory_space<hbm>>
      %dma_wait3A_866 = arith.constant 0 : i32
      %dma_wait3A_867 = arith.constant 0 : i32
      %dma_wait3A_868 = tpu.memref_slice %arg11[%dma_wait3A_866, %dma_wait3A_867] : memref<72x256xf32, #tpu.memory_space<vmem>> -> memref<72x128xf32, #tpu.memory_space<vmem>>
      %dma_wait3A_869 = arith.constant 0 : i32
      %dma_wait3A_870 = arith.constant 0 : i32
      %dma_wait3A_871 = tpu.memref_slice %arg2[%dma_wait3A_869, %dma_wait3A_870] : memref<196608x512xf32, #tpu.memory_space<hbm>> -> memref<72x128xf32, #tpu.memory_space<hbm>>
      tpu.wait_dma2 semaphore(%arg19 : memref<!tpu.dma_semaphore, #tpu.memory_space<semaphore_mem>>) src(%dma_wait3A_871 : memref<72x128xf32, #tpu.memory_space<hbm>>) dst(%dma_wait3A_868 : memref<72x128xf32, #tpu.memory_space<vmem>>)
      %gt3A_872 = arith.constant 64 : i32
      %gt3A_873 = arith.cmpi sgt, %sub3A_853, %gt3A_872 : i32
      %convert_element_type3A_874 = arith.extui %gt3A_873 : i1 to i32
      %cond3A_875 = arith.constant 0 : i32
      %cond3A_876 = arith.cmpi ne, %convert_element_type3A_874, %cond3A_875 : i32
      scf.if %cond3A_876 {
        %dma_wait3A_916 = arith.constant 0 : i32
        %dma_wait3A_917 = arith.constant 128 : i32
        %dma_wait3A_918 = tpu.memref_slice %arg11[%dma_wait3A_916, %dma_wait3A_917] : memref<72x256xf32, #tpu.memory_space<vmem>> -> memref<72x128xf32, #tpu.memory_space<vmem>>
        %dma_wait3A_919 = arith.constant 0 : i32
        %dma_wait3A_920 = arith.constant 0 : i32
        %dma_wait3A_921 = tpu.memref_slice %arg2[%dma_wait3A_919, %dma_wait3A_920] : memref<196608x512xf32, #tpu.memory_space<hbm>> -> memref<72x128xf32, #tpu.memory_space<hbm>>
        %dma_wait3A_922 = arith.constant 0 : i32
        %dma_wait3A_923 = arith.constant 128 : i32
        %dma_wait3A_924 = tpu.memref_slice %arg11[%dma_wait3A_922, %dma_wait3A_923] : memref<72x256xf32, #tpu.memory_space<vmem>> -> memref<72x128xf32, #tpu.memory_space<vmem>>
        %dma_wait3A_925 = arith.constant 0 : i32
        %dma_wait3A_926 = arith.constant 0 : i32
        %dma_wait3A_927 = tpu.memref_slice %arg2[%dma_wait3A_925, %dma_wait3A_926] : memref<196608x512xf32, #tpu.memory_space<hbm>> -> memref<72x128xf32, #tpu.memory_space<hbm>>
        tpu.wait_dma2 semaphore(%arg19 : memref<!tpu.dma_semaphore, #tpu.memory_space<semaphore_mem>>) src(%dma_wait3A_927 : memref<72x128xf32, #tpu.memory_space<hbm>>) dst(%dma_wait3A_924 : memref<72x128xf32, #tpu.memory_space<vmem>>)
      } else {
      }
      %ge3A_877 = arith.constant 4 : i32
      %ge3A_878 = arith.cmpi sge, %add3A_753, %ge3A_877 : i32
      %convert_element_type3A_879 = arith.extui %ge3A_878 : i1 to i32
      %cond3A_880 = arith.constant 0 : i32
      %cond3A_881 = arith.cmpi ne, %convert_element_type3A_879, %cond3A_880 : i32
      scf.if %cond3A_881 {
        %dma_wait3A_916 = arith.constant 0 : i32
        %dma_wait3A_917 = arith.constant 0 : i32
        %dma_wait3A_918 = arith.constant 0 : i32
        %dma_wait3A_919 = tpu.memref_slice %arg5[%dma_wait3A_916, %dma_wait3A_917, %dma_wait3A_918] : memref<6144x64x64xf32, #tpu.memory_space<hbm>> -> memref<1x64x64xf32, #tpu.memory_space<hbm>>
        %dma_wait3A_920 = tpu.memref_squeeze %dma_wait3A_919 : memref<1x64x64xf32, #tpu.memory_space<hbm>> -> memref<64x64xf32, #tpu.memory_space<hbm>>
        %dma_wait3A_921 = arith.constant 0 : i32
        %dma_wait3A_922 = arith.constant 0 : i32
        %dma_wait3A_923 = tpu.memref_slice %arg5[%dma_wait3A_916, %dma_wait3A_921, %dma_wait3A_922] : memref<6144x64x64xf32, #tpu.memory_space<hbm>> -> memref<1x64x64xf32, #tpu.memory_space<hbm>>
        %dma_wait3A_924 = tpu.memref_squeeze %dma_wait3A_923 : memref<1x64x64xf32, #tpu.memory_space<hbm>> -> memref<64x64xf32, #tpu.memory_space<hbm>>
        tpu.wait_dma2 semaphore(%arg23 : memref<!tpu.dma_semaphore, #tpu.memory_space<semaphore_mem>>) src(%arg15 : memref<64x64xf32, #tpu.memory_space<vmem>>) dst(%dma_wait3A_924 : memref<64x64xf32, #tpu.memory_space<hbm>>)
      } else {
      }
      %add3A_882 = arith.constant 0 : i32
      %add3A_883 = arith.addi %sub3A_800, %add3A_882 : i32
      %add3A_884 = vector.broadcast %add3A_883 : i32 to vector<16xi32>
      %add3A_885 = arith.addi %add3A_884, %iota3A : vector<16xi32>
      %add3A_886 = arith.constant 16 : i32
      %add3A_887 = arith.addi %sub3A_800, %add3A_886 : i32
      %add3A_888 = vector.broadcast %add3A_887 : i32 to vector<16xi32>
      %add3A_889 = arith.addi %add3A_888, %iota3A : vector<16xi32>
      %add3A_890 = arith.constant 32 : i32
      %add3A_891 = arith.addi %sub3A_800, %add3A_890 : i32
      %add3A_892 = vector.broadcast %add3A_891 : i32 to vector<16xi32>
      %add3A_893 = arith.addi %add3A_892, %iota3A : vector<16xi32>
      %add3A_894 = arith.constant 48 : i32
      %add3A_895 = arith.addi %sub3A_800, %add3A_894 : i32
      %add3A_896 = vector.broadcast %add3A_895 : i32 to vector<16xi32>
      %add3A_897 = arith.addi %add3A_896, %iota3A : vector<16xi32>
      %parallel_loop3A_898 = arith.constant 0 : i32
      %parallel_loop3A_899 = arith.constant 64 : i32
      %parallel_loop3A_900 = arith.constant 1 : i32
      scf.for %parallel_loop3A_916 = %parallel_loop3A_898 to %parallel_loop3A_899 step %parallel_loop3A_900  : i32 {
        %parallel_loop3A_917 = arith.constant 0 : i32
        %parallel_loop3A_918 = vector.broadcast %parallel_loop3A_917 : i32 to vector<16xi32>
        %parallel_loop3A_919 = arith.addi %sub3A_795, %parallel_loop3A_916 : i32
        %parallel_loop3A_920 = vector.broadcast %parallel_loop3A_919 : i32 to vector<16xi32>
        %parallel_loop3A_921 = arith.addi %parallel_loop3A_918, %parallel_loop3A_920 : vector<16xi32>
        %parallel_loop3A_922 = tpu.vector_load_idx %arg11[%parallel_loop3A_921, %add3A_885] : memref<72x256xf32, #tpu.memory_space<vmem>>[vector<16xi32>, vector<16xi32>], vector<16xf32>,
        %parallel_loop3A_923 = arith.index_cast %parallel_loop3A_916 : i32 to index
        %parallel_loop3A_924 = arith.constant 0 : index
        %parallel_loop3A_925 = tpu.vector_load %arg15[%parallel_loop3A_923, %parallel_loop3A_924] {strides = array<i32>} : memref<64x64xf32, #tpu.memory_space<vmem>>, vector<16xf32>,
        tpu.vector_store %arg15[%parallel_loop3A_923, %parallel_loop3A_924], %parallel_loop3A_922 {strides = array<i32>} : memref<64x64xf32, #tpu.memory_space<vmem>>, vector<16xf32>,
        %parallel_loop3A_926 = tpu.vector_load_idx %arg11[%parallel_loop3A_921, %add3A_889] : memref<72x256xf32, #tpu.memory_space<vmem>>[vector<16xi32>, vector<16xi32>], vector<16xf32>,
        %parallel_loop3A_927 = arith.index_cast %parallel_loop3A_916 : i32 to index
        %parallel_loop3A_928 = arith.constant 16 : index
        %parallel_loop3A_929 = tpu.vector_load %arg15[%parallel_loop3A_927, %parallel_loop3A_928] {strides = array<i32>} : memref<64x64xf32, #tpu.memory_space<vmem>>, vector<16xf32>,
        tpu.vector_store %arg15[%parallel_loop3A_927, %parallel_loop3A_928], %parallel_loop3A_926 {strides = array<i32>} : memref<64x64xf32, #tpu.memory_space<vmem>>, vector<16xf32>,
        %parallel_loop3A_930 = tpu.vector_load_idx %arg11[%parallel_loop3A_921, %add3A_893] : memref<72x256xf32, #tpu.memory_space<vmem>>[vector<16xi32>, vector<16xi32>], vector<16xf32>,
        %parallel_loop3A_931 = arith.index_cast %parallel_loop3A_916 : i32 to index
        %parallel_loop3A_932 = arith.constant 32 : index
        %parallel_loop3A_933 = tpu.vector_load %arg15[%parallel_loop3A_931, %parallel_loop3A_932] {strides = array<i32>} : memref<64x64xf32, #tpu.memory_space<vmem>>, vector<16xf32>,
        tpu.vector_store %arg15[%parallel_loop3A_931, %parallel_loop3A_932], %parallel_loop3A_930 {strides = array<i32>} : memref<64x64xf32, #tpu.memory_space<vmem>>, vector<16xf32>,
        %parallel_loop3A_934 = tpu.vector_load_idx %arg11[%parallel_loop3A_921, %add3A_897] : memref<72x256xf32, #tpu.memory_space<vmem>>[vector<16xi32>, vector<16xi32>], vector<16xf32>,
        %parallel_loop3A_935 = arith.index_cast %parallel_loop3A_916 : i32 to index
        %parallel_loop3A_936 = arith.constant 48 : index
        %parallel_loop3A_937 = tpu.vector_load %arg15[%parallel_loop3A_935, %parallel_loop3A_936] {strides = array<i32>} : memref<64x64xf32, #tpu.memory_space<vmem>>, vector<16xf32>,
        tpu.vector_store %arg15[%parallel_loop3A_935, %parallel_loop3A_936], %parallel_loop3A_934 {strides = array<i32>} : memref<64x64xf32, #tpu.memory_space<vmem>>, vector<16xf32>,
      } {sc.loop_unroll_factor = 8 : i64, sc.parallel_access}
      %dma_start3A_901 = arith.constant 0 : i32
      %dma_start3A_902 = arith.constant 0 : i32
      %dma_start3A_903 = tpu.memref_slice %arg5[%add3A_806, %dma_start3A_901, %dma_start3A_902] : memref<6144x64x64xf32, #tpu.memory_space<hbm>> -> memref<1x64x64xf32, #tpu.memory_space<hbm>>
      %dma_start3A_904 = tpu.memref_squeeze %dma_start3A_903 : memref<1x64x64xf32, #tpu.memory_space<hbm>> -> memref<64x64xf32, #tpu.memory_space<hbm>>
      %dma_start3A_905 = arith.constant 0 : i32
      %dma_start3A_906 = arith.constant 0 : i32
      %dma_start3A_907 = tpu.memref_slice %arg5[%add3A_806, %dma_start3A_905, %dma_start3A_906] : memref<6144x64x64xf32, #tpu.memory_space<hbm>> -> memref<1x64x64xf32, #tpu.memory_space<hbm>>
      %dma_start3A_908 = tpu.memref_squeeze %dma_start3A_907 : memref<1x64x64xf32, #tpu.memory_space<hbm>> -> memref<64x64xf32, #tpu.memory_space<hbm>>
      tpu.enqueue_dma source(%arg15 : memref<64x64xf32, #tpu.memory_space<vmem>>) target(%dma_start3A_908 : memref<64x64xf32, #tpu.memory_space<hbm>>) target_semaphore(%arg23 : memref<!tpu.dma_semaphore, #tpu.memory_space<semaphore_mem>>)
      %add3A_909 = arith.constant 4 : i32
      %add3A_910 = arith.addi %add3A_753, %add3A_909 : i32
      %lt3A_911 = arith.constant 192 : i32
      %lt3A_912 = arith.cmpi slt, %add3A_910, %lt3A_911 : i32
      %convert_element_type3A_913 = arith.extui %lt3A_912 : i1 to i32
      %cond3A_914 = arith.constant 0 : i32
      %cond3A_915 = arith.cmpi ne, %convert_element_type3A_913, %cond3A_914 : i32
      scf.if %cond3A_915 {
        %add3A_916 = arith.constant 4 : i32
        %add3A_917 = arith.addi %add3A_753, %add3A_916 : i32
        %and3A_918 = arith.constant 15 : i32
        %and3A_919 = arith.andi %add3A_917, %and3A_918 : i32
        %shift_right_arithmetic3A_920 = arith.constant 4 : i32
        %shift_right_arithmetic3A_921 = arith.shrsi %add3A_917, %shift_right_arithmetic3A_920 : i32
        %shift_right_arithmetic3A_922 = arith.constant 2 : i32
        %shift_right_arithmetic3A_923 = arith.shrsi %shift_right_arithmetic3A_921, %shift_right_arithmetic3A_922 : i32
        %and3A_924 = arith.constant 3 : i32
        %and3A_925 = arith.andi %shift_right_arithmetic3A_921, %and3A_924 : i32
        %eq3A_926 = vector.broadcast %and3A_919 : i32 to vector<16xi32>
        %eq3A_927 = arith.cmpi eq, %iota3A, %eq3A_926 : vector<16xi32>
        %get3A_928 = arith.constant 0 : index
        %get3A_929 = tpu.vector_load %arg6[%get3A_928] {strides = array<i32>} : memref<16xi32, #tpu.memory_space<vmem>>, vector<16xi32>,
        %jit3A_930 = arith.constant 0 : i32
        %broadcast_in_dim3A_931 = vector.broadcast %jit3A_930 : i32 to vector<16xi32>
        %select_n3A_932 = arith.select %eq3A_927, %get3A_929, %broadcast_in_dim3A_931 : vector<16xi1>, vector<16xi32>
        %reduce_sum3A_933 = arith.constant true
        %reduce_sum3A_934 = vector.broadcast %reduce_sum3A_933 : i1 to vector<16xi1>
        %reduce_sum3A_935 = tpu.scan <sum>, %select_n3A_932 masked %reduce_sum3A_934 : vector<16xi32>, vector<16xi1> -> vector<16xi32>
        %reduce_sum3A_936 = vector.extract %reduce_sum3A_935[15] : i32 from vector<16xi32>
        %get3A_937 = arith.constant 0 : index
        %get3A_938 = tpu.vector_load %arg7[%get3A_937] {strides = array<i32>} : memref<16xi32, #tpu.memory_space<vmem>>, vector<16xi32>,
        %jit3A_939 = arith.constant 0 : i32
        %broadcast_in_dim3A_940 = vector.broadcast %jit3A_939 : i32 to vector<16xi32>
        %select_n3A_941 = arith.select %eq3A_927, %get3A_938, %broadcast_in_dim3A_940 : vector<16xi1>, vector<16xi32>
        %reduce_sum3A_942 = arith.constant true
        %reduce_sum3A_943 = vector.broadcast %reduce_sum3A_942 : i1 to vector<16xi1>
        %reduce_sum3A_944 = tpu.scan <sum>, %select_n3A_941 masked %reduce_sum3A_943 : vector<16xi32>, vector<16xi1> -> vector<16xi32>
        %reduce_sum3A_945 = vector.extract %reduce_sum3A_944[15] : i32 from vector<16xi32>
        %mul3A_946 = arith.constant 3 : i32
        %mul3A_947 = arith.muli %add3A, %mul3A_946 : i32
        %add3A_948 = arith.addi %mul3A_947, %shift_right_arithmetic3A_923 : i32
        %mul3A_949 = arith.constant 96 : i32
        %mul3A_950 = arith.muli %and3A_925, %mul3A_949 : i32
        %add3A_951 = arith.addi %mul3A_950, %add3A_948 : i32
        %mul3A_952 = arith.constant 512 : i32
        %mul3A_953 = arith.muli %add3A_951, %mul3A_952 : i32
        %add3A_954 = arith.addi %mul3A_953, %reduce_sum3A_936 : i32
        %and3A_955 = arith.constant -8 : i32
        %and3A_956 = arith.andi %add3A_954, %and3A_955 : i32
        %min3A_957 = arith.constant 196536 : i32
        %min3A_958 = arith.minsi %and3A_956, %min3A_957 : i32
        %sub3A_959 = arith.subi %add3A_954, %min3A_958 : i32
        %and3A_960 = arith.constant -128 : i32
        %and3A_961 = arith.andi %reduce_sum3A_945, %and3A_960 : i32
        %min3A_962 = arith.constant 256 : i32
        %min3A_963 = arith.minsi %and3A_961, %min3A_962 : i32
        %sub3A_964 = arith.subi %reduce_sum3A_945, %min3A_963 : i32
        %mul3A_965 = arith.constant 4 : i32
        %mul3A_966 = arith.muli %and3A_919, %mul3A_965 : i32
        %add3A_967 = arith.addi %mul3A_966, %and3A_925 : i32
        %mul3A_968 = arith.constant 96 : i32
        %mul3A_969 = arith.muli %add3A_967, %mul3A_968 : i32
        %add3A_970 = arith.addi %mul3A_969, %add3A_948 : i32
        %multiple_of3A_971 = tpu.assume_multiple %min3A_958, 8 : i32
        %multiple_of3A_972 = tpu.assume_multiple %min3A_963, 128 : i32
        %dma_start3A_973 = arith.constant 0 : i32
        %dma_start3A_974 = arith.constant 0 : i32
        %dma_start3A_975 = tpu.memref_slice %arg11[%dma_start3A_973, %dma_start3A_974] : memref<72x256xf32, #tpu.memory_space<vmem>> -> memref<72x128xf32, #tpu.memory_space<vmem>>
        %dma_start3A_976 = tpu.memref_slice %arg2[%multiple_of3A_971, %multiple_of3A_972] : memref<196608x512xf32, #tpu.memory_space<hbm>> -> memref<72x128xf32, #tpu.memory_space<hbm>>
        %dma_start3A_977 = arith.constant 0 : i32
        %dma_start3A_978 = arith.constant 0 : i32
        %dma_start3A_979 = tpu.memref_slice %arg11[%dma_start3A_977, %dma_start3A_978] : memref<72x256xf32, #tpu.memory_space<vmem>> -> memref<72x128xf32, #tpu.memory_space<vmem>>
        %dma_start3A_980 = tpu.memref_slice %arg2[%multiple_of3A_971, %multiple_of3A_972] : memref<196608x512xf32, #tpu.memory_space<hbm>> -> memref<72x128xf32, #tpu.memory_space<hbm>>
        tpu.enqueue_dma source(%dma_start3A_980 : memref<72x128xf32, #tpu.memory_space<hbm>>) target(%dma_start3A_979 : memref<72x128xf32, #tpu.memory_space<vmem>>) target_semaphore(%arg19 : memref<!tpu.dma_semaphore, #tpu.memory_space<semaphore_mem>>)
        %gt3A_981 = arith.constant 64 : i32
        %gt3A_982 = arith.cmpi sgt, %sub3A_964, %gt3A_981 : i32
        %convert_element_type3A_983 = arith.extui %gt3A_982 : i1 to i32
        %cond3A_984 = arith.constant 0 : i32
        %cond3A_985 = arith.cmpi ne, %convert_element_type3A_983, %cond3A_984 : i32
        scf.if %cond3A_985 {
          %multiple_of3A_986 = tpu.assume_multiple %min3A_958, 8 : i32
          %add3A_987 = arith.constant 128 : i32
          %add3A_988 = arith.addi %min3A_963, %add3A_987 : i32
          %multiple_of3A_989 = tpu.assume_multiple %add3A_988, 128 : i32
          %dma_start3A_990 = arith.constant 0 : i32
          %dma_start3A_991 = arith.constant 128 : i32
          %dma_start3A_992 = tpu.memref_slice %arg11[%dma_start3A_990, %dma_start3A_991] : memref<72x256xf32, #tpu.memory_space<vmem>> -> memref<72x128xf32, #tpu.memory_space<vmem>>
          %dma_start3A_993 = tpu.memref_slice %arg2[%multiple_of3A_986, %multiple_of3A_989] : memref<196608x512xf32, #tpu.memory_space<hbm>> -> memref<72x128xf32, #tpu.memory_space<hbm>>
          %dma_start3A_994 = arith.constant 0 : i32
          %dma_start3A_995 = arith.constant 128 : i32
          %dma_start3A_996 = tpu.memref_slice %arg11[%dma_start3A_994, %dma_start3A_995] : memref<72x256xf32, #tpu.memory_space<vmem>> -> memref<72x128xf32, #tpu.memory_space<vmem>>
          %dma_start3A_997 = tpu.memref_slice %arg2[%multiple_of3A_986, %multiple_of3A_989] : memref<196608x512xf32, #tpu.memory_space<hbm>> -> memref<72x128xf32, #tpu.memory_space<hbm>>
          tpu.enqueue_dma source(%dma_start3A_997 : memref<72x128xf32, #tpu.memory_space<hbm>>) target(%dma_start3A_996 : memref<72x128xf32, #tpu.memory_space<vmem>>) target_semaphore(%arg19 : memref<!tpu.dma_semaphore, #tpu.memory_space<semaphore_mem>>)
        } else {
        }
      } else {
      }
    }
    %scan3A_219 = arith.constant 48 : i32
    %dma_wait3A = arith.constant 0 : i32
    %dma_wait3A_220 = arith.constant 0 : i32
    %dma_wait3A_221 = arith.constant 0 : i32
    %dma_wait3A_222 = tpu.memref_slice %arg5[%dma_wait3A, %dma_wait3A_220, %dma_wait3A_221] : memref<6144x64x64xf32, #tpu.memory_space<hbm>> -> memref<1x64x64xf32, #tpu.memory_space<hbm>>
    %dma_wait3A_223 = tpu.memref_squeeze %dma_wait3A_222 : memref<1x64x64xf32, #tpu.memory_space<hbm>> -> memref<64x64xf32, #tpu.memory_space<hbm>>
    %dma_wait3A_224 = arith.constant 0 : i32
    %dma_wait3A_225 = arith.constant 0 : i32
    %dma_wait3A_226 = tpu.memref_slice %arg5[%dma_wait3A, %dma_wait3A_224, %dma_wait3A_225] : memref<6144x64x64xf32, #tpu.memory_space<hbm>> -> memref<1x64x64xf32, #tpu.memory_space<hbm>>
    %dma_wait3A_227 = tpu.memref_squeeze %dma_wait3A_226 : memref<1x64x64xf32, #tpu.memory_space<hbm>> -> memref<64x64xf32, #tpu.memory_space<hbm>>
    tpu.wait_dma2 semaphore(%arg20 : memref<!tpu.dma_semaphore, #tpu.memory_space<semaphore_mem>>) src(%arg12 : memref<64x64xf32, #tpu.memory_space<vmem>>) dst(%dma_wait3A_227 : memref<64x64xf32, #tpu.memory_space<hbm>>)
    %dma_wait3A_228 = arith.constant 0 : i32
    %dma_wait3A_229 = arith.constant 0 : i32
    %dma_wait3A_230 = arith.constant 0 : i32
    %dma_wait3A_231 = tpu.memref_slice %arg5[%dma_wait3A_228, %dma_wait3A_229, %dma_wait3A_230] : memref<6144x64x64xf32, #tpu.memory_space<hbm>> -> memref<1x64x64xf32, #tpu.memory_space<hbm>>
    %dma_wait3A_232 = tpu.memref_squeeze %dma_wait3A_231 : memref<1x64x64xf32, #tpu.memory_space<hbm>> -> memref<64x64xf32, #tpu.memory_space<hbm>>
    %dma_wait3A_233 = arith.constant 0 : i32
    %dma_wait3A_234 = arith.constant 0 : i32
    %dma_wait3A_235 = tpu.memref_slice %arg5[%dma_wait3A_228, %dma_wait3A_233, %dma_wait3A_234] : memref<6144x64x64xf32, #tpu.memory_space<hbm>> -> memref<1x64x64xf32, #tpu.memory_space<hbm>>
    %dma_wait3A_236 = tpu.memref_squeeze %dma_wait3A_235 : memref<1x64x64xf32, #tpu.memory_space<hbm>> -> memref<64x64xf32, #tpu.memory_space<hbm>>
    tpu.wait_dma2 semaphore(%arg21 : memref<!tpu.dma_semaphore, #tpu.memory_space<semaphore_mem>>) src(%arg13 : memref<64x64xf32, #tpu.memory_space<vmem>>) dst(%dma_wait3A_236 : memref<64x64xf32, #tpu.memory_space<hbm>>)
    %dma_wait3A_237 = arith.constant 0 : i32
    %dma_wait3A_238 = arith.constant 0 : i32
    %dma_wait3A_239 = arith.constant 0 : i32
    %dma_wait3A_240 = tpu.memref_slice %arg5[%dma_wait3A_237, %dma_wait3A_238, %dma_wait3A_239] : memref<6144x64x64xf32, #tpu.memory_space<hbm>> -> memref<1x64x64xf32, #tpu.memory_space<hbm>>
    %dma_wait3A_241 = tpu.memref_squeeze %dma_wait3A_240 : memref<1x64x64xf32, #tpu.memory_space<hbm>> -> memref<64x64xf32, #tpu.memory_space<hbm>>
    %dma_wait3A_242 = arith.constant 0 : i32
    %dma_wait3A_243 = arith.constant 0 : i32
    %dma_wait3A_244 = tpu.memref_slice %arg5[%dma_wait3A_237, %dma_wait3A_242, %dma_wait3A_243] : memref<6144x64x64xf32, #tpu.memory_space<hbm>> -> memref<1x64x64xf32, #tpu.memory_space<hbm>>
    %dma_wait3A_245 = tpu.memref_squeeze %dma_wait3A_244 : memref<1x64x64xf32, #tpu.memory_space<hbm>> -> memref<64x64xf32, #tpu.memory_space<hbm>>
    tpu.wait_dma2 semaphore(%arg22 : memref<!tpu.dma_semaphore, #tpu.memory_space<semaphore_mem>>) src(%arg14 : memref<64x64xf32, #tpu.memory_space<vmem>>) dst(%dma_wait3A_245 : memref<64x64xf32, #tpu.memory_space<hbm>>)
    %dma_wait3A_246 = arith.constant 0 : i32
    %dma_wait3A_247 = arith.constant 0 : i32
    %dma_wait3A_248 = arith.constant 0 : i32
    %dma_wait3A_249 = tpu.memref_slice %arg5[%dma_wait3A_246, %dma_wait3A_247, %dma_wait3A_248] : memref<6144x64x64xf32, #tpu.memory_space<hbm>> -> memref<1x64x64xf32, #tpu.memory_space<hbm>>
    %dma_wait3A_250 = tpu.memref_squeeze %dma_wait3A_249 : memref<1x64x64xf32, #tpu.memory_space<hbm>> -> memref<64x64xf32, #tpu.memory_space<hbm>>
    %dma_wait3A_251 = arith.constant 0 : i32
    %dma_wait3A_252 = arith.constant 0 : i32
    %dma_wait3A_253 = tpu.memref_slice %arg5[%dma_wait3A_246, %dma_wait3A_251, %dma_wait3A_252] : memref<6144x64x64xf32, #tpu.memory_space<hbm>> -> memref<1x64x64xf32, #tpu.memory_space<hbm>>
    %dma_wait3A_254 = tpu.memref_squeeze %dma_wait3A_253 : memref<1x64x64xf32, #tpu.memory_space<hbm>> -> memref<64x64xf32, #tpu.memory_space<hbm>>
    tpu.wait_dma2 semaphore(%arg23 : memref<!tpu.dma_semaphore, #tpu.memory_space<semaphore_mem>>) src(%arg15 : memref<64x64xf32, #tpu.memory_space<vmem>>) dst(%dma_wait3A_254 : memref<64x64xf32, #tpu.memory_space<hbm>>)
    return
  }
}

</mosaic_0001>

<sc_bundles>
// kernel: _run.3.cloned.1.call-start
scs
__scs_entry_jumppad:
0x0: {  	(pc) =	sbr.rel $0x88, $3  }
0x1: {  	(tag) =	ssettag $0x0;
	lr =	simm.s32 $0x1  }
0x2: {  	[smem:$0x3F9E] =	sst lr;
	_ =	strace $0xD0000000  }
0x3: {  	_ = 	snop  }
0x4: {  	_ = 	snop  }
0x5: {  	_ = 	snop  }
0x6: {  	_ = 	snop  }
0x7: {  	_ = 	snop  }
__scs_overlays_trampoline_lowered:
0x8: {  	[smem:$0x3FAD] =	sst s0  }
0x9: {  	[smem:$0x3FAE] =	sst s1  }
0xa: {  	[smem:$0x3FAF] =	sst s2  }
0xb: {  	[smem:$0x3FB0] =	sst s3  }
0xc: {  	[smem:$0x3FB1] =	sst s4  }
0xd: {  	[smem:$0x3FB2] =	sst s5  }
0xe: {  	[smem:$0x3FB3] =	sst s6  }
0xf: {  	[smem:$0x3FB4] =	sst s7  }
0x10: {  	[smem:$0x3FB5] =	sst s8  }
0x11: {  	[smem:$0x3FB6] =	sst s9;
	s0 =	simm.s32 @!p0 $0x0  }
0x12: {  	s1 =	sld [smem:$0x3F9C];
	s0 =	simm.s32 @p0 $0x1  }
0x13: {  	[smem:$0x3FB7] =	sst s0;
	s0 =	simm.s32 @!p1 $0x0  }
0x14: {  	s2 =	sld [smem:$0x3F9B];
	s0 =	simm.s32 @p1 $0x1  }
0x15: {  	[smem:$0x3FB8] =	sst s0;
	s0 =	simm.s32 @!p2 $0x0  }
0x16: {  	s3 =	sld [smem:$0x3FDB];
	s0 =	simm.s32 @p2 $0x1  }
0x17: {  	s4 =	simm.s32 $0x1BF5;
	[smem:$0x3FBA] =	sst s0  }
0x18: {  	s0 =	sld [smem:$0x3F9D];
	_ =	swait.ge [sflag:s4], $0x0  }
0x19: {  	s7 =	sld [smem:$0x3F9E]  }
0x1a: {  	s8 =	sadd.s32 $0xFFFFE003, lr  }
0x1b: {  	s9 =	sadd.s32 $0xFFFFFEF7, lr;
	s5 =	simm.s32 $0xFFFFFFFF;
	p2 =	slt.u32 s8, $0xFFFFF086  }
0x1c: {  	p1 =	slt.u32 s9, $0xF7A;
	s5 =	simm.s32 @!p2 $0x0  }
0x1d: {  	s5 =	simm.s32 @p1 $0x1;
	p0 =	seq.s32 s7, s2  }
0x1e: {  	s7 =	smul.u32 @!p0 $0xF7A, s2;
	p2 =	seq.s32 @!p0 s5, $0x0  }
0x1f: {  	s9 =	smul.u32 $0xF7A, s1;
	s8 =	simm.s32 @!p0 $0x1BF5;
	p2 =	por !p2, p0  }
0x20: {  	[sflag:s8] =	ssyncset.s32 @!p0 $0xFFFFF086;
	s6 =	sadd.s32 @!p0 s3, s7;
	s7 =	simm.s32 @!p0 $0x108  }
0x21: {  	s3 =	sadd.s32 s3, s9;
	s6 =	sadd.s32 @!p0 $0x88, s6;
	s7 =	simm.s32 @p2 $0x1082  }
0x22: {  	[simem:s7], [sflag:s8] =	dma.local @!p0 [hbm:s6], $0xF7A  }
0x23: {  	s9 =	sor.u32 $0xD0000000, s2;
	s6 =	simm.s32 $0x108;
	_ =	swait.ge @!p0 [sflag:s8], $0x0  }
0x24: {  	s3 =	sadd.s32 $0x88, s3;
	s6 =	simm.s32 @!p1 $0x1082;
	[sflag:s4] =	ssyncset.s32 $0xFFFFF086  }
0x25: {  	[simem:s6], [sflag:s4] =	dma.local [hbm:s3], $0xF7A  }
0x26: {  	[smem:$0x3F9E] =	sst s1;
	(tag) =	ssettag s2;
	_ =	strace s9  }
0x27: {  	s1 =	sld [smem:$0x3FAE]  }
0x28: {  	s2 =	sld [smem:$0x3FAF]  }
0x29: {  	s4 =	sld [smem:$0x3FB1]  }
0x2a: {  	p0 =	seq.s32 s5, $0x0;
	s5 =	sld [smem:$0x3FB2]  }
0x2b: {  	s6 =	sld [smem:$0x3FB3]  }
0x2c: {  	s7 =	sld [smem:$0x3FB4]  }
0x2d: {  	s3 =	simm.s32 $0x108;
	s8 =	sld [smem:$0x3FB5]  }
0x2e: {  	s3 =	simm.s32 @!p0 $0x1082;
	s9 =	sld [smem:$0x3FB6]  }
0x2f: {  	lr =	sadd.s32 s0, s3;
	s0 =	sld [smem:$0x3FAD]  }
0x30: {  	s3 =	sld [smem:$0x3FB0]  }
0x31: {  	[smem:$0x3FB9] =	sst s10  }
0x32: {  	s10 =	sld [smem:$0x3FB7];
	_ =	sdelay $0x3  }
0x33: {  	p0 =	seq.s32 s10, $0x1;
	s10 =	sld [smem:$0x3FB9];
	_ =	sdelay $0x3  }
0x34: {  	[smem:$0x3FB9] =	sst s10  }
0x35: {  	s10 =	sld [smem:$0x3FB8];
	_ =	sdelay $0x3  }
0x36: {  	p1 =	seq.s32 s10, $0x1;
	s10 =	sld [smem:$0x3FB9];
	_ =	sdelay $0x3  }
0x37: {  	[smem:$0x3FB9] =	sst s10  }
0x38: {  	s10 =	sld [smem:$0x3FBA]  }
0x39: {  	_ = 	snop;
	(pc) =	sbr.ind lr, $3  }
0x3a: {  	_ = 	snop  }
0x3b: {  	_ = 	snop  }
0x3c: {  	p2 =	seq.s32 s10, $0x1;
	s10 =	sld [smem:$0x3FB9]  }
0x3d: {  	_ =	shalt  }
0x3e: {  	_ =	shalt  }
0x3f: {  	_ =	shalt  }
0x40: {  	_ =	shalt  }
0x41: {  	_ =	shalt  }
0x42: {  	_ =	shalt  }
0x43: {  	_ =	shalt  }
0x44: {  	_ =	shalt  }
0x45: {  	_ =	shalt  }
0x46: {  	_ =	shalt  }
0x47: {  	_ =	shalt  }
0x48: {  	_ =	shalt  }
0x49: {  	_ =	shalt  }
0x4a: {  	_ =	shalt  }
0x4b: {  	_ =	shalt  }
0x4c: {  	_ =	shalt  }
0x4d: {  	_ =	shalt  }
0x4e: {  	_ =	shalt  }
0x4f: {  	_ =	shalt  }
0x50: {  	_ =	shalt  }
0x51: {  	_ =	shalt  }
0x52: {  	_ =	shalt  }
0x53: {  	_ =	shalt  }
0x54: {  	_ =	shalt  }
0x55: {  	_ =	shalt  }
0x56: {  	_ =	shalt  }
0x57: {  	_ =	shalt  }
0x58: {  	_ =	shalt  }
0x59: {  	_ =	shalt  }
0x5a: {  	_ =	shalt  }
0x5b: {  	_ =	shalt  }
0x5c: {  	_ =	shalt  }
0x5d: {  	_ =	shalt  }
0x5e: {  	_ =	shalt  }
0x5f: {  	_ =	shalt  }
0x60: {  	_ =	shalt  }
0x61: {  	_ =	shalt  }
0x62: {  	_ =	shalt  }
0x63: {  	_ =	shalt  }
0x64: {  	_ =	shalt  }
0x65: {  	_ =	shalt  }
0x66: {  	_ =	shalt  }
0x67: {  	_ =	shalt  }
0x68: {  	_ =	shalt  }
0x69: {  	_ =	shalt  }
0x6a: {  	_ =	shalt  }
0x6b: {  	_ =	shalt  }
0x6c: {  	_ =	shalt  }
0x6d: {  	_ =	shalt  }
0x6e: {  	_ =	shalt  }
0x6f: {  	_ =	shalt  }
0x70: {  	_ =	shalt  }
0x71: {  	_ =	shalt  }
0x72: {  	_ =	shalt  }
0x73: {  	_ =	shalt  }
0x74: {  	_ =	shalt  }
0x75: {  	_ =	shalt  }
0x76: {  	_ =	shalt  }
0x77: {  	_ =	shalt  }
0x78: {  	_ =	shalt  }
0x79: {  	_ =	shalt  }
0x7a: {  	_ =	shalt  }
0x7b: {  	_ =	shalt  }
0x7c: {  	_ =	shalt  }
0x7d: {  	_ =	shalt  }
0x7e: {  	_ =	shalt  }
0x7f: {  	_ =	shalt  }
0x80: {  	_ =	shalt  }
0x81: {  	_ =	shalt  }
0x82: {  	_ =	shalt  }
0x83: {  	_ =	shalt  }
0x84: {  	_ =	shalt  }
0x85: {  	_ =	shalt  }
0x86: {  	_ =	shalt  }
0x87: {  	_ =	shalt  }
.Lfunc_end0:
.L_simem_size_0:
called_computation_lowered:
.L_overlay_start_0:
0x88: {  	s2 =	sld [smem:$0x3FD9]  }
0x89: {  	s3 =	sld [smem:$0x3FFE];
	_ =	sdelay $0x1  }
0x8a: {  	s1 =	srdreg.scid  }
0x8b: {  	s0 =	sand.u32 $0x1, s1  }
0x8c: {  	s17 =	sshll.u32 s0, $0xA;
	s2 =	sadd.s32 s3, s2  }
0x8d: {  	s2 =	sadd.s32 s2, s17  }
0x8e: {  	[smem:$0x3FC5] =	sst s2  }
0x8f: {  	_ = 	snop  }
0x90: {  	s2 =	sld [smem:$0x3FC9]  }
0x91: {  	s18 =	sld [smem:$0x3FC8]  }
0x92: {  	s4 =	sld [smem:$0x3FC7];
	(tm) =	ssettm $0x1  }
0x93: {  	s5 =	sld [smem:$0x3FFB];
	_ =	sdelay $0x3  }
0x94: {  	_ =	strace s5  }
0x95: {  	s5 =	sld [smem:$0x3FFC];
	_ =	sdelay $0x3  }
0x96: {  	_ =	strace s5  }
0x97: {  	s5 =	sld [smem:$0x3FFD];
	_ =	sdelay $0x3  }
0x98: {  	_ =	strace s5  }
0x99: {  	_ =	strace $0x8FFFFFFF  }
0x9a: {  	s19 =	sld [smem:$0x3FDB];
	_ =	sdelay $0x1  }
0x9b: {  	s6 =	simm.s32 $_scs_section_size  }
0x9c: {  	s7 =	simm.s32 $_size__tile_overlayer_lowered;
	s8 =	simm.s32 $_tile_overlayer_lowered  }
0x9d: {  	s22 =	simm.s32 $0x1BFF;
	s21 =	sshll.u32 s8, $0x1;
	s5 =	sadd.s32 s6, s19  }
0x9e: {  	s9 =	simm.s32 $0x0;
	s20 =	sshll.u32 s7, $0x1;
	s7 =	sadd.s32 s21, s5  }
0x9f: {  	[timem:s9], [sflag:s22] =	dma.local [hbm:s7], s20  }
0xa0: {  	_ =	swait.ge [sflag:s22], s20  }
0xa1: {  	s6 =	ssub.s32 $0x0, s20;
	[sflag:s22] =	ssyncset.done $0x0  }
0xa2: {  	[sflag:s22] =	ssyncadd.s32 s6;
	_ =	sdelay $0x1  }
0xa3: {  	s23 =	simm.s32 $0x1B8B  }
0xa4: {  	_ =	swait.ge [sflag:s23], $0x1  }
0xa5: {  	[sflag:s23] =	ssyncset.done $0x0  }
0xa6: {  	s25 =	simm.s32 $0x1B8E;
	s24 =	sld [smem:$0x3FFE];
	[sflag:s23] =	ssyncadd.s32 $0xFFFFFFFF  }
0xa7: {  	s26 =	simm.s32 $execute0_lowered;
	[smem:$0x3FD2] =	sst s25  }
0xa8: {  	s7 =	sshll.u32 s26, $0x1;
	_ =	strace $0x80000046;
	[dreg:$0x1] =	wrdreg $0xFFFFFFFF  }
0xa9: {  	s28 =	simm.s32 $_size_execute0_lowered;
	s5 =	sadd.s32 s5, s7;
	[dreg:$0x0] =	wrdreg $0x0  }
0xaa: {  	s7 =	sshll.u32 s28, $0x1;
	[dreg:$0x2] =	wrdreg s5  }
0xab: {  	[dreg:$0x3] =	wrdreg s7  }
0xac: {  	[dreg:$0x4] =	wrdreg $0xC0  }
0xad: {  	_ =	task [dreg:s9], $0x5FFFF  }
0xae: {  	[dreg:$0x1] =	wrdreg $0xFFFFFFFF  }
0xaf: {  	[dreg:$0x0] =	wrdreg $0x60  }
0xb0: {  	[dreg:$0x2] =	wrdreg s2  }
0xb1: {  	[dreg:$0x3] =	wrdreg s18  }
0xb2: {  	[dreg:$0x4] =	wrdreg s4  }
0xb3: {  	[dreg:$0x5] =	wrdreg s24  }
0xb4: {  	[dreg:$0x6] =	wrdreg $0x9  }
0xb5: {  	_ =	task.clear_ibuf [dreg:s9], $0x7FFFF;
	_ =	strace $0x90000046  }
0xb6: {  	s29 =	simm.s32 $0x9;
	_ =	strace $0x80000048  }
0xb7: {  	_ =	swait.ge [sflag:s29], $0x1  }
0xb8: {  	[sflag:s29] =	ssyncadd.s32 $0xFFFFFFFF  }
0xb9: {  	_ =	strace $0x90000048  }
0xba: {  	_ =	sfence  }
0xbb: {  	s30 =	sld [smem:$0x0];
	_ =	sdelay $0x2  }
0xbc: {  	s31 =	sshll.u32 s1, $0xD;
	s1 =	sshrl.u32 s1, $0x2  }
0xbd: {  	s3 =	sand.u32 $0x4000, s31;
	s1 =	sadd.s32 s1, s30  }
0xbe: {  	s0 =	sor.u32 s3, s0;
	s1 =	sshll.u32 s1, $0x11  }
0xbf: {  	s0 =	sor.u32 s1, s0  }
0xc0: {  	s0 =	sadd.s32 $0x8F2B, s0  }
0xc1: {  	[sflag:s0] =	ssyncadd.remote.s32 $0x1  }
0xc2: {  	_ =	sfence.sel $0xFFFF  }
0xc3: {  	[dreg:$0x0] =	wrdreg $0xFFFFFFFF;
	(pc) =	sbr.abs _section_cstart, $3  }
0xc4: {  	[dreg:$0x1] =	wrdreg $0xFFFFFFFF  }
0xc5: {  	_ =	task.clear_ibuf [dreg:s9], $0x2FFFF;
	_ =	strace $0x9FFFFFFF  }
0xc6: {  	(tm) =	ssettm $0x7FFFFFFF  }
0xc7: {  	_ =	shalt  }
tec
execute0_lowered:
.L_overlay_start_1:
0x0: {  	(tag) =	ssettag $0x1  }
0x1: {  	s0 =	srdreg.scid;
	s1 =	rddreg [dreg:$0x0]  }
0x2: {  	s7 =	stileid.u32;
	s26 =	rddreg [dreg:$0x3];
	s6 =	simm.s32 $0x0  }
0x3: {  	s14 =	simm.s32 $0x100;
	s23 =	simm.s32 $0x4900;
	s4 =	smul.u32 $0xC00, s7  }
0x4: {  	s17 =	simm.s32 $0xD900;
	s0 =	sand.u32 $0x1, s0;
	s9 =	smul.u32 $0x6, s7  }
0x5: {  	s28 =	simm.s32 $0x1;
	s2 =	sshll.u32 s7, $0x1;
	s5 =	smul.u32 $0x600, s0  }
0x6: {  	s2 =	sor.u32 s0, s2;
	s8 =	ssub.s32 $0x2, s0;
	s0 =	smul.u32 $0x3, s0  }
0x7: {  	s30 =	simm.s32 $0x2;
	[smem:$0x7FF] =	sst s6;
	s3 =	smul.u32 $0x600, s2  }
.Ltmp0:
0x8: {  	s7 =	sadd.s32 $0x400, s26;
	s10 =	sshrl.u32 s8, $0x1;
	(pc) =	sbr.rel .LBB2_1-.Ltmp0, $4  }
0x9: {  	s29 =	ssub.s32 s8, s10;
	s8 =	smul.u32 $0x3, s2;
	s10 =	sadd.s32 s5, s4  }
0xa: {  	s11 =	sadd.s32 s0, s9;
	s0 =	simm.s32 $0x9100;
	s2 =	simm.s32 $0x3  }
0xb: {  	vm0 =	vmmov $0x1;
	vm1 =	vcmask $0x308;
	s4 =	simm.s32 $0x4;
	[dreg:$0x5] =	wrdreg s3;
	s31 =	smax.u32 s29, $0x1  }
0xc: {  	vm2 =	vcmask $0x70C;
	vm3 =	vcmask $0xB10;
	v0 =	vlaneseq.u32;
	s9 =	simm.s32 $0x0;
	_ =	strace $0x80000047;
	[dreg:$0x6] =	wrdreg s31  }
.LBB2_18:
0xd: {  	s3 =	simm.s32 $0x5  }
0xe: {  	_ =	swait.ge [sflag:s3], $0x2000  }
0xf: {  	[sflag:s3] =	ssyncset.done $0x0  }
0x10: {  	s26 =	simm.s32 $0x6;
	[sflag:s3] =	ssyncadd.s32 $0xFFFFE000  }
0x11: {  	_ =	swait.ge [sflag:s26], $0x2000  }
0x12: {  	[sflag:s26] =	ssyncset.done $0x0  }
0x13: {  	s29 =	simm.s32 $0x7;
	[sflag:s26] =	ssyncadd.s32 $0xFFFFE000  }
0x14: {  	_ =	swait.ge [sflag:s29], $0x2000  }
0x15: {  	[sflag:s29] =	ssyncset.done $0x0  }
0x16: {  	s5 =	simm.s32 $0x8;
	[sflag:s29] =	ssyncadd.s32 $0xFFFFE000  }
0x17: {  	_ =	swait.ge [sflag:s5], $0x2000  }
0x18: {  	s9 =	rddreg [dreg:$0x7]  }
0x19: {  	s31 =	rddreg [dreg:$0x6];
	s9 =	sadd.s32 $0x1, s9  }
0x1a: {  	p0 =	sne.s32 s9, s31  }
.Ltmp1:
0x1b: {  	_ = 	snop;
	(pc) =	sbr.rel @!p0 .LBB2_19-.Ltmp1, $3  }
0x1c: {  	_ =	sdelay $0x1  }
0x1d: {  	[sflag:s5] =	ssyncset.done $0x0  }
0x1e: {  	[sflag:s5] =	ssyncadd.s32 $0xFFFFE000  }
.LBB2_1:
0x1f: {  	[dreg:$0x7] =	wrdreg s9  }
0x20: {  	s3 =	rddreg [dreg:$0x1];
	s5 =	simm.s32 $0x9  }
0x21: {  	[tilespmem:s6], [sflag:$0x9] =	stream.linear.gather [hbm4b:s3+s6], $0x80, $0x38;
	[tilespmem:$0x1A100] =	vst v63  }
0x22: {  	_ =	swait.ge [sflag:s5], $0x80  }
0x23: {  	[sflag:s5] =	ssyncset.done $0x0  }
0x24: {  	[sflag:s5] =	ssyncadd.s32 $0xFFFFFF80  }
0x25: {  	s18 =	simm.s32 $0x80;
	s16 =	rddreg [dreg:$0x2]  }
0x26: {  	[tilespmem:s18], [sflag:$0x9] =	stream.linear.gather [hbm4b:s16+s6], $0x80, $0x38;
	[tilespmem:$0x1A100] =	vst v63  }
0x27: {  	_ =	swait.ge [sflag:s5], $0x80  }
0x28: {  	[sflag:s5] =	ssyncset.done $0x0  }
0x29: {  	[sflag:s5] =	ssyncadd.s32 $0xFFFFFF80  }
0x2a: {  	v1 =	vld [tilespmem:$0x0]  }
0x2b: {  	v2 =	vld [tilespmem:$0x80];
	_ =	sdelay $0x3  }
0x2c: {  	v1 =	vnsel vm0, $0x0, v1  }
0x2d: {  	(xrf0) =	vadd.scan.msk.s32 $0xffff, v1;
	v1 =	vnsel vm0, $0x0, v2  }
0x2e: {  	(xrf0) =	vadd.scan.msk.s32 $0xffff, v1;
	_ =	sdelay $0x4  }
0x2f: {  	v1, _, _ =	vpop (xrf0)  }
0x30: {  	(v2sf) =	vpush v1, $0xF;
	v1, _, _ =	vpop (xrf0)  }
0x31: {  	(v2sf) =	vpush v1, $0xF;
	_ =	sdelay $0xd  }
0x32: {  	s3 =	rddreg [dreg:$0x5];
	s19 =	spop (v2sf)  }
0x33: {  	s9 =	spop (v2sf);
	s5 =	sadd.s32 s3, s19  }
0x34: {  	s5 =	sand.u32 $0xFFFFFFF8, s5;
	s12 =	sand.u32 $0xFFFFFF80, s9  }
0x35: {  	p0 =	slt.s32 s5, $0x2FFB8;
	p1 =	slt.s32 s12, $0x100  }
0x36: {  	s5 =	simm.s32 @!p0 $0x2FFB8;
	s12 =	simm.s32 @!p1 $0x100  }
0x37: {  	s15 =	sshll.u32 s5, $0x6;
	s16 =	sadd.s32 s1, s12  }
0x38: {  	s15 =	sadd.s32 s15, s16  }
0x39: {  	[tilespmem:s14], [sflag:$0x1] =	stream.linear.gather [hbm4b:s15+s6], $0x400, $0x38;
	[tilespmem:$0x1A100] =	vst v63  }
0x3a: {  	s13 =	simm.s32 $0x900;
	s16 =	sadd.s32 $0x200, s15  }
0x3b: {  	[tilespmem:s13], [sflag:$0x1] =	stream.linear.gather [hbm4b:s16+s6], $0x400, $0x38;
	[tilespmem:$0x1A100] =	vst v63  }
0x3c: {  	s21 =	simm.s32 $0x1100;
	s24 =	simm.s32 $0x1900;
	s20 =	sadd.s32 $0x400, s15  }
0x3d: {  	[tilespmem:s21], [sflag:$0x1] =	stream.linear.gather [hbm4b:s20+s6], $0x400, $0x38;
	[tilespmem:$0x1A100] =	vst v63  }
0x3e: {  	s26 =	simm.s32 $0x2100;
	s9 =	ssub.s32 s9, s12;
	s22 =	sadd.s32 $0x600, s15  }
0x3f: {  	[tilespmem:s24], [sflag:$0x1] =	stream.linear.gather [hbm4b:s22+s6], $0x400, $0x38;
	[tilespmem:$0x1A100] =	vst v63  }
0x40: {  	s31 =	simm.s32 $0x2900;
	p0 =	slt.s32 s9, $0x41;
	s25 =	sadd.s32 $0x800, s15  }
0x41: {  	[tilespmem:s26], [sflag:$0x1] =	stream.linear.gather [hbm4b:s25+s6], $0x400, $0x38;
	[tilespmem:$0x1A100] =	vst v63  }
0x42: {  	s29 =	sadd.s32 $0xA00, s15;
	s5 =	sshll.u32 @!p0 s5, $0x9;
	s9 =	sshll.u32 @!p0 s12, $0x3  }
0x43: {  	[tilespmem:s31], [sflag:$0x1] =	stream.linear.gather [hbm4b:s29+s6], $0x400, $0x38;
	[tilespmem:$0x1A100] =	vst v63  }
0x44: {  	s18 =	simm.s32 $0x3100;
	s5 =	sadd.s32 @!p0 s5, s9;
	s13 =	sadd.s32 $0xC00, s15  }
0x45: {  	[tilespmem:s18], [sflag:$0x1] =	stream.linear.gather [hbm4b:s13+s6], $0x400, $0x38;
	[tilespmem:$0x1A100] =	vst v63  }
0x46: {  	s19 =	sadd.s32 $0xE00, s15;
	s5 =	sadd.s32 @!p0 $0x400, s5;
	s20 =	simm.s32 $0x3900  }
0x47: {  	[tilespmem:s20], [sflag:$0x1] =	stream.linear.gather [hbm4b:s19+s6], $0x400, $0x38;
	[tilespmem:$0x1A100] =	vst v63  }
0x48: {  	s15 =	sadd.s32 $0x1000, s15;
	s5 =	sshrl.u32 @!p0 s5, $0x3;
	s21 =	simm.s32 $0x4100  }
0x49: {  	[tilespmem:s21], [sflag:$0x1] =	stream.linear.gather [hbm4b:s15+s6], $0x400, $0x38;
	[tilespmem:$0x1A100] =	vst v63  }
0x4a: {  	s12 =	simm.s32 @!p0 $0x500;
	s9 =	simm.s32 @!p0 $0x0;
	s5 =	sadd.s32 @!p0 s1, s5  }
0x4b: {  	[tilespmem:s12], [sflag:$0x1] =	stream.linear.gather @!p0 [hbm4b:s5+s9], $0x400, $0x38;
	[tilespmem:$0x1A100] =	vst v63  }
0x4c: {  	s15 =	simm.s32 @!p0 $0xD00;
	s12 =	sadd.s32 @!p0 $0x200, s5  }
0x4d: {  	[tilespmem:s15], [sflag:$0x1] =	stream.linear.gather @!p0 [hbm4b:s12+s9], $0x400, $0x38;
	[tilespmem:$0x1A100] =	vst v63  }
0x4e: {  	s12 =	sadd.s32 @!p0 $0x400, s5;
	s15 =	simm.s32 @!p0 $0x1500  }
0x4f: {  	[tilespmem:s15], [sflag:$0x1] =	stream.linear.gather @!p0 [hbm4b:s12+s9], $0x400, $0x38;
	[tilespmem:$0x1A100] =	vst v63  }
0x50: {  	s12 =	sadd.s32 @!p0 $0x600, s5;
	s15 =	simm.s32 @!p0 $0x1D00  }
0x51: {  	[tilespmem:s15], [sflag:$0x1] =	stream.linear.gather @!p0 [hbm4b:s12+s9], $0x400, $0x38;
	[tilespmem:$0x1A100] =	vst v63  }
0x52: {  	s12 =	sadd.s32 @!p0 $0x800, s5;
	s15 =	simm.s32 @!p0 $0x2500  }
0x53: {  	[tilespmem:s15], [sflag:$0x1] =	stream.linear.gather @!p0 [hbm4b:s12+s9], $0x400, $0x38;
	[tilespmem:$0x1A100] =	vst v63  }
0x54: {  	s12 =	sadd.s32 @!p0 $0xA00, s5;
	s15 =	simm.s32 @!p0 $0x2D00  }
0x55: {  	[tilespmem:s15], [sflag:$0x1] =	stream.linear.gather @!p0 [hbm4b:s12+s9], $0x400, $0x38;
	[tilespmem:$0x1A100] =	vst v63  }
0x56: {  	s12 =	sadd.s32 @!p0 $0xC00, s5;
	s15 =	simm.s32 @!p0 $0x3500  }
0x57: {  	[tilespmem:s15], [sflag:$0x1] =	stream.linear.gather @!p0 [hbm4b:s12+s9], $0x400, $0x38;
	[tilespmem:$0x1A100] =	vst v63  }
0x58: {  	s12 =	sadd.s32 @!p0 $0xE00, s5;
	s15 =	simm.s32 @!p0 $0x3D00  }
0x59: {  	[tilespmem:s15], [sflag:$0x1] =	stream.linear.gather @!p0 [hbm4b:s12+s9], $0x400, $0x38;
	[tilespmem:$0x1A100] =	vst v63  }
0x5a: {  	s5 =	sadd.s32 @!p0 $0x1000, s5;
	s12 =	simm.s32 @!p0 $0x4500  }
0x5b: {  	[tilespmem:s12], [sflag:$0x1] =	stream.linear.gather @!p0 [hbm4b:s5+s9], $0x400, $0x38;
	[tilespmem:$0x1A100] =	vst v63  }
0x5c: {  	v1 =	vld [tilespmem:$0x0]  }
0x5d: {  	v2 =	vld [tilespmem:$0x80];
	_ =	sdelay $0x3  }
0x5e: {  	v1 =	vsel vm1, $0x0, v1  }
0x5f: {  	(xrf0) =	vadd.scan.msk.s32 $0xffff, v1;
	v1 =	vsel vm1, $0x0, v2  }
0x60: {  	(xrf0) =	vadd.scan.msk.s32 $0xffff, v1;
	_ =	sdelay $0x4  }
0x61: {  	v1, _, _ =	vpop (xrf0)  }
0x62: {  	(v2sf) =	vpush v1, $0xF;
	v1, _, _ =	vpop (xrf0)  }
0x63: {  	(v2sf) =	vpush v1, $0xF;
	_ =	sdelay $0xd  }
0x64: {  	s22 =	spop (v2sf)  }
0x65: {  	s9 =	spop (v2sf);
	s5 =	sadd.s32 s3, s22  }
0x66: {  	s5 =	sand.u32 $0xFFFFFFF8, s5;
	s12 =	sand.u32 $0xFFFFFF80, s9  }
0x67: {  	p0 =	slt.s32 s5, $0x2FFB8;
	p1 =	slt.s32 s12, $0x100  }
0x68: {  	s5 =	simm.s32 @!p0 $0x2FFB8;
	s12 =	simm.s32 @!p1 $0x100  }
0x69: {  	s24 =	sshll.u32 s5, $0x6;
	s25 =	sadd.s32 s1, s12  }
0x6a: {  	s15 =	sadd.s32 s24, s25  }
0x6b: {  	[tilespmem:s23], [sflag:$0x2] =	stream.linear.gather [hbm4b:s15+s6], $0x400, $0x38;
	[tilespmem:$0x1A100] =	vst v63  }
0x6c: {  	s26 =	simm.s32 $0x5100;
	s16 =	sadd.s32 $0x200, s15  }
0x6d: {  	[tilespmem:s26], [sflag:$0x2] =	stream.linear.gather [hbm4b:s16+s6], $0x400, $0x38;
	[tilespmem:$0x1A100] =	vst v63  }
0x6e: {  	s31 =	simm.s32 $0x5900;
	s18 =	simm.s32 $0x6100;
	s29 =	sadd.s32 $0x400, s15  }
0x6f: {  	[tilespmem:s31], [sflag:$0x2] =	stream.linear.gather [hbm4b:s29+s6], $0x400, $0x38;
	[tilespmem:$0x1A100] =	vst v63  }
0x70: {  	s20 =	simm.s32 $0x6900;
	s9 =	ssub.s32 s9, s12;
	s13 =	sadd.s32 $0x600, s15  }
0x71: {  	[tilespmem:s18], [sflag:$0x2] =	stream.linear.gather [hbm4b:s13+s6], $0x400, $0x38;
	[tilespmem:$0x1A100] =	vst v63  }
0x72: {  	s22 =	simm.s32 $0x7100;
	p0 =	slt.s32 s9, $0x41;
	s19 =	sadd.s32 $0x800, s15  }
0x73: {  	[tilespmem:s20], [sflag:$0x2] =	stream.linear.gather [hbm4b:s19+s6], $0x400, $0x38;
	[tilespmem:$0x1A100] =	vst v63  }
0x74: {  	s21 =	sadd.s32 $0xA00, s15;
	s5 =	sshll.u32 @!p0 s5, $0x9;
	s9 =	sshll.u32 @!p0 s12, $0x3  }
0x75: {  	[tilespmem:s22], [sflag:$0x2] =	stream.linear.gather [hbm4b:s21+s6], $0x400, $0x38;
	[tilespmem:$0x1A100] =	vst v63  }
0x76: {  	s25 =	simm.s32 $0x7900;
	s24 =	sadd.s32 $0xC00, s15;
	s5 =	sadd.s32 @!p0 s5, s9  }
0x77: {  	[tilespmem:s25], [sflag:$0x2] =	stream.linear.gather [hbm4b:s24+s6], $0x400, $0x38;
	[tilespmem:$0x1A100] =	vst v63  }
0x78: {  	s26 =	sadd.s32 $0xE00, s15;
	s5 =	sadd.s32 @!p0 $0x400, s5;
	s29 =	simm.s32 $0x8100  }
0x79: {  	[tilespmem:s29], [sflag:$0x2] =	stream.linear.gather [hbm4b:s26+s6], $0x400, $0x38;
	[tilespmem:$0x1A100] =	vst v63  }
0x7a: {  	s15 =	sadd.s32 $0x1000, s15;
	s5 =	sshrl.u32 @!p0 s5, $0x3;
	s31 =	simm.s32 $0x8900  }
0x7b: {  	[tilespmem:s31], [sflag:$0x2] =	stream.linear.gather [hbm4b:s15+s6], $0x400, $0x38;
	[tilespmem:$0x1A100] =	vst v63  }
0x7c: {  	s12 =	simm.s32 @!p0 $0x4D00;
	s9 =	simm.s32 @!p0 $0x0;
	s5 =	sadd.s32 @!p0 s1, s5  }
0x7d: {  	[tilespmem:s12], [sflag:$0x2] =	stream.linear.gather @!p0 [hbm4b:s5+s9], $0x400, $0x38;
	[tilespmem:$0x1A100] =	vst v63  }
0x7e: {  	s15 =	simm.s32 @!p0 $0x5500;
	s12 =	sadd.s32 @!p0 $0x200, s5  }
0x7f: {  	[tilespmem:s15], [sflag:$0x2] =	stream.linear.gather @!p0 [hbm4b:s12+s9], $0x400, $0x38;
	[tilespmem:$0x1A100] =	vst v63  }
0x80: {  	s12 =	sadd.s32 @!p0 $0x400, s5;
	s15 =	simm.s32 @!p0 $0x5D00  }
0x81: {  	[tilespmem:s15], [sflag:$0x2] =	stream.linear.gather @!p0 [hbm4b:s12+s9], $0x400, $0x38;
	[tilespmem:$0x1A100] =	vst v63  }
0x82: {  	s12 =	sadd.s32 @!p0 $0x600, s5;
	s15 =	simm.s32 @!p0 $0x6500  }
0x83: {  	[tilespmem:s15], [sflag:$0x2] =	stream.linear.gather @!p0 [hbm4b:s12+s9], $0x400, $0x38;
	[tilespmem:$0x1A100] =	vst v63  }
0x84: {  	s12 =	sadd.s32 @!p0 $0x800, s5;
	s15 =	simm.s32 @!p0 $0x6D00  }
0x85: {  	[tilespmem:s15], [sflag:$0x2] =	stream.linear.gather @!p0 [hbm4b:s12+s9], $0x400, $0x38;
	[tilespmem:$0x1A100] =	vst v63  }
0x86: {  	s12 =	sadd.s32 @!p0 $0xA00, s5;
	s15 =	simm.s32 @!p0 $0x7500  }
0x87: {  	[tilespmem:s15], [sflag:$0x2] =	stream.linear.gather @!p0 [hbm4b:s12+s9], $0x400, $0x38;
	[tilespmem:$0x1A100] =	vst v63  }
0x88: {  	s12 =	sadd.s32 @!p0 $0xC00, s5;
	s15 =	simm.s32 @!p0 $0x7D00  }
0x89: {  	[tilespmem:s15], [sflag:$0x2] =	stream.linear.gather @!p0 [hbm4b:s12+s9], $0x400, $0x38;
	[tilespmem:$0x1A100] =	vst v63  }
0x8a: {  	s12 =	sadd.s32 @!p0 $0xE00, s5;
	s15 =	simm.s32 @!p0 $0x8500  }
0x8b: {  	[tilespmem:s15], [sflag:$0x2] =	stream.linear.gather @!p0 [hbm4b:s12+s9], $0x400, $0x38;
	[tilespmem:$0x1A100] =	vst v63  }
0x8c: {  	s5 =	sadd.s32 @!p0 $0x1000, s5;
	s12 =	simm.s32 @!p0 $0x8D00  }
0x8d: {  	[tilespmem:s12], [sflag:$0x2] =	stream.linear.gather @!p0 [hbm4b:s5+s9], $0x400, $0x38;
	[tilespmem:$0x1A100] =	vst v63  }
0x8e: {  	v1 =	vld [tilespmem:$0x0]  }
0x8f: {  	v2 =	vld [tilespmem:$0x80];
	_ =	sdelay $0x3  }
0x90: {  	v1 =	vsel vm2, $0x0, v1  }
0x91: {  	(xrf0) =	vadd.scan.msk.s32 $0xffff, v1;
	v1 =	vsel vm2, $0x0, v2  }
0x92: {  	(xrf0) =	vadd.scan.msk.s32 $0xffff, v1;
	_ =	sdelay $0x4  }
0x93: {  	v1, _, _ =	vpop (xrf0)  }
0x94: {  	(v2sf) =	vpush v1, $0xF;
	v1, _, _ =	vpop (xrf0)  }
0x95: {  	(v2sf) =	vpush v1, $0xF;
	_ =	sdelay $0xd  }
0x96: {  	s15 =	spop (v2sf)  }
0x97: {  	s9 =	spop (v2sf);
	s5 =	sadd.s32 s3, s15  }
0x98: {  	s5 =	sand.u32 $0xFFFFFFF8, s5;
	s12 =	sand.u32 $0xFFFFFF80, s9  }
0x99: {  	p0 =	slt.s32 s5, $0x2FFB8;
	p1 =	slt.s32 s12, $0x100  }
0x9a: {  	s5 =	simm.s32 @!p0 $0x2FFB8;
	s12 =	simm.s32 @!p1 $0x100  }
0x9b: {  	s16 =	sshll.u32 s5, $0x6;
	s18 =	sadd.s32 s1, s12  }
0x9c: {  	s15 =	sadd.s32 s16, s18  }
0x9d: {  	[tilespmem:s0], [sflag:$0x3] =	stream.linear.gather [hbm4b:s15+s6], $0x400, $0x38;
	[tilespmem:$0x1A100] =	vst v63  }
0x9e: {  	s19 =	simm.s32 $0x9900;
	s16 =	sadd.s32 $0x200, s15  }
0x9f: {  	[tilespmem:s19], [sflag:$0x3] =	stream.linear.gather [hbm4b:s16+s6], $0x400, $0x38;
	[tilespmem:$0x1A100] =	vst v63  }
0xa0: {  	s21 =	simm.s32 $0xA100;
	s24 =	simm.s32 $0xA900;
	s20 =	sadd.s32 $0x400, s15  }
0xa1: {  	[tilespmem:s21], [sflag:$0x3] =	stream.linear.gather [hbm4b:s20+s6], $0x400, $0x38;
	[tilespmem:$0x1A100] =	vst v63  }
0xa2: {  	s26 =	simm.s32 $0xB100;
	s9 =	ssub.s32 s9, s12;
	s22 =	sadd.s32 $0x600, s15  }
0xa3: {  	[tilespmem:s24], [sflag:$0x3] =	stream.linear.gather [hbm4b:s22+s6], $0x400, $0x38;
	[tilespmem:$0x1A100] =	vst v63  }
0xa4: {  	s31 =	simm.s32 $0xB900;
	p0 =	slt.s32 s9, $0x41;
	s25 =	sadd.s32 $0x800, s15  }
0xa5: {  	[tilespmem:s26], [sflag:$0x3] =	stream.linear.gather [hbm4b:s25+s6], $0x400, $0x38;
	[tilespmem:$0x1A100] =	vst v63  }
0xa6: {  	s29 =	sadd.s32 $0xA00, s15;
	s5 =	sshll.u32 @!p0 s5, $0x9;
	s9 =	sshll.u32 @!p0 s12, $0x3  }
0xa7: {  	[tilespmem:s31], [sflag:$0x3] =	stream.linear.gather [hbm4b:s29+s6], $0x400, $0x38;
	[tilespmem:$0x1A100] =	vst v63  }
0xa8: {  	s18 =	simm.s32 $0xC100;
	s13 =	sadd.s32 $0xC00, s15;
	s5 =	sadd.s32 @!p0 s5, s9  }
0xa9: {  	[tilespmem:s18], [sflag:$0x3] =	stream.linear.gather [hbm4b:s13+s6], $0x400, $0x38;
	[tilespmem:$0x1A100] =	vst v63  }
0xaa: {  	s19 =	sadd.s32 $0xE00, s15;
	s5 =	sadd.s32 @!p0 $0x400, s5;
	s20 =	simm.s32 $0xC900  }
0xab: {  	[tilespmem:s20], [sflag:$0x3] =	stream.linear.gather [hbm4b:s19+s6], $0x400, $0x38;
	[tilespmem:$0x1A100] =	vst v63  }
0xac: {  	s15 =	sadd.s32 $0x1000, s15;
	s5 =	sshrl.u32 @!p0 s5, $0x3;
	s21 =	simm.s32 $0xD100  }
0xad: {  	[tilespmem:s21], [sflag:$0x3] =	stream.linear.gather [hbm4b:s15+s6], $0x400, $0x38;
	[tilespmem:$0x1A100] =	vst v63  }
0xae: {  	s12 =	simm.s32 @!p0 $0x9500;
	s9 =	simm.s32 @!p0 $0x0;
	s5 =	sadd.s32 @!p0 s1, s5  }
0xaf: {  	[tilespmem:s12], [sflag:$0x3] =	stream.linear.gather @!p0 [hbm4b:s5+s9], $0x400, $0x38;
	[tilespmem:$0x1A100] =	vst v63  }
0xb0: {  	s15 =	simm.s32 @!p0 $0x9D00;
	s12 =	sadd.s32 @!p0 $0x200, s5  }
0xb1: {  	[tilespmem:s15], [sflag:$0x3] =	stream.linear.gather @!p0 [hbm4b:s12+s9], $0x400, $0x38;
	[tilespmem:$0x1A100] =	vst v63  }
0xb2: {  	s12 =	sadd.s32 @!p0 $0x400, s5;
	s15 =	simm.s32 @!p0 $0xA500  }
0xb3: {  	[tilespmem:s15], [sflag:$0x3] =	stream.linear.gather @!p0 [hbm4b:s12+s9], $0x400, $0x38;
	[tilespmem:$0x1A100] =	vst v63  }
0xb4: {  	s12 =	sadd.s32 @!p0 $0x600, s5;
	s15 =	simm.s32 @!p0 $0xAD00  }
0xb5: {  	[tilespmem:s15], [sflag:$0x3] =	stream.linear.gather @!p0 [hbm4b:s12+s9], $0x400, $0x38;
	[tilespmem:$0x1A100] =	vst v63  }
0xb6: {  	s12 =	sadd.s32 @!p0 $0x800, s5;
	s15 =	simm.s32 @!p0 $0xB500  }
0xb7: {  	[tilespmem:s15], [sflag:$0x3] =	stream.linear.gather @!p0 [hbm4b:s12+s9], $0x400, $0x38;
	[tilespmem:$0x1A100] =	vst v63  }
0xb8: {  	s12 =	sadd.s32 @!p0 $0xA00, s5;
	s15 =	simm.s32 @!p0 $0xBD00  }
0xb9: {  	[tilespmem:s15], [sflag:$0x3] =	stream.linear.gather @!p0 [hbm4b:s12+s9], $0x400, $0x38;
	[tilespmem:$0x1A100] =	vst v63  }
0xba: {  	s12 =	sadd.s32 @!p0 $0xC00, s5;
	s15 =	simm.s32 @!p0 $0xC500  }
0xbb: {  	[tilespmem:s15], [sflag:$0x3] =	stream.linear.gather @!p0 [hbm4b:s12+s9], $0x400, $0x38;
	[tilespmem:$0x1A100] =	vst v63  }
0xbc: {  	s12 =	sadd.s32 @!p0 $0xE00, s5;
	s15 =	simm.s32 @!p0 $0xCD00  }
0xbd: {  	[tilespmem:s15], [sflag:$0x3] =	stream.linear.gather @!p0 [hbm4b:s12+s9], $0x400, $0x38;
	[tilespmem:$0x1A100] =	vst v63  }
0xbe: {  	s5 =	sadd.s32 @!p0 $0x1000, s5;
	s12 =	simm.s32 @!p0 $0xD500  }
0xbf: {  	[tilespmem:s12], [sflag:$0x3] =	stream.linear.gather @!p0 [hbm4b:s5+s9], $0x400, $0x38;
	[tilespmem:$0x1A100] =	vst v63  }
0xc0: {  	v1 =	vld [tilespmem:$0x0]  }
0xc1: {  	v2 =	vld [tilespmem:$0x80];
	_ =	sdelay $0x3  }
0xc2: {  	v1 =	vsel vm3, $0x0, v1  }
0xc3: {  	(xrf0) =	vadd.scan.msk.s32 $0xffff, v1;
	v1 =	vsel vm3, $0x0, v2  }
0xc4: {  	(xrf0) =	vadd.scan.msk.s32 $0xffff, v1;
	_ =	sdelay $0x4  }
0xc5: {  	v1, _, _ =	vpop (xrf0)  }
0xc6: {  	(v2sf) =	vpush v1, $0xF;
	v1, _, _ =	vpop (xrf0)  }
0xc7: {  	(v2sf) =	vpush v1, $0xF;
	_ =	sdelay $0xd  }
0xc8: {  	s22 =	spop (v2sf)  }
0xc9: {  	s9 =	spop (v2sf);
	s5 =	sadd.s32 s3, s22  }
0xca: {  	s5 =	sand.u32 $0xFFFFFFF8, s5;
	s12 =	sand.u32 $0xFFFFFF80, s9  }
0xcb: {  	p0 =	slt.s32 s5, $0x2FFB8;
	p1 =	slt.s32 s12, $0x100  }
0xcc: {  	s5 =	simm.s32 @!p0 $0x2FFB8;
	s12 =	simm.s32 @!p1 $0x100  }
0xcd: {  	s24 =	sshll.u32 s5, $0x6;
	s25 =	sadd.s32 s1, s12  }
0xce: {  	s15 =	sadd.s32 s24, s25  }
0xcf: {  	[tilespmem:s17], [sflag:$0x4] =	stream.linear.gather [hbm4b:s15+s6], $0x400, $0x38;
	[tilespmem:$0x1A100] =	vst v63  }
0xd0: {  	s26 =	simm.s32 $0xE100;
	s16 =	sadd.s32 $0x200, s15  }
0xd1: {  	[tilespmem:s26], [sflag:$0x4] =	stream.linear.gather [hbm4b:s16+s6], $0x400, $0x38;
	[tilespmem:$0x1A100] =	vst v63  }
0xd2: {  	s31 =	simm.s32 $0xE900;
	s18 =	simm.s32 $0xF100;
	s29 =	sadd.s32 $0x400, s15  }
0xd3: {  	[tilespmem:s31], [sflag:$0x4] =	stream.linear.gather [hbm4b:s29+s6], $0x400, $0x38;
	[tilespmem:$0x1A100] =	vst v63  }
0xd4: {  	s20 =	simm.s32 $0xF900;
	s9 =	ssub.s32 s9, s12;
	s13 =	sadd.s32 $0x600, s15  }
0xd5: {  	[tilespmem:s18], [sflag:$0x4] =	stream.linear.gather [hbm4b:s13+s6], $0x400, $0x38;
	[tilespmem:$0x1A100] =	vst v63  }
0xd6: {  	s22 =	simm.s32 $0x10100;
	p0 =	slt.s32 s9, $0x41;
	s19 =	sadd.s32 $0x800, s15  }
0xd7: {  	[tilespmem:s20], [sflag:$0x4] =	stream.linear.gather [hbm4b:s19+s6], $0x400, $0x38;
	[tilespmem:$0x1A100] =	vst v63  }
0xd8: {  	s21 =	sadd.s32 $0xA00, s15;
	s5 =	sshll.u32 @!p0 s5, $0x9;
	s9 =	sshll.u32 @!p0 s12, $0x3  }
0xd9: {  	[tilespmem:s22], [sflag:$0x4] =	stream.linear.gather [hbm4b:s21+s6], $0x400, $0x38;
	[tilespmem:$0x1A100] =	vst v63  }
0xda: {  	s25 =	simm.s32 $0x10900;
	s24 =	sadd.s32 $0xC00, s15;
	s5 =	sadd.s32 @!p0 s5, s9  }
0xdb: {  	[tilespmem:s25], [sflag:$0x4] =	stream.linear.gather [hbm4b:s24+s6], $0x400, $0x38;
	[tilespmem:$0x1A100] =	vst v63  }
0xdc: {  	s26 =	sadd.s32 $0xE00, s15;
	s5 =	sadd.s32 @!p0 $0x400, s5;
	s29 =	simm.s32 $0x11100  }
0xdd: {  	[tilespmem:s29], [sflag:$0x4] =	stream.linear.gather [hbm4b:s26+s6], $0x400, $0x38;
	[tilespmem:$0x1A100] =	vst v63  }
0xde: {  	s15 =	sadd.s32 $0x1000, s15;
	s5 =	sshrl.u32 @!p0 s5, $0x3;
	s31 =	simm.s32 $0x11900  }
0xdf: {  	[tilespmem:s31], [sflag:$0x4] =	stream.linear.gather [hbm4b:s15+s6], $0x400, $0x38;
	[tilespmem:$0x1A100] =	vst v63  }
0xe0: {  	s12 =	simm.s32 @!p0 $0xDD00;
	s9 =	simm.s32 @!p0 $0x0;
	s5 =	sadd.s32 @!p0 s1, s5  }
0xe1: {  	[tilespmem:s12], [sflag:$0x4] =	stream.linear.gather @!p0 [hbm4b:s5+s9], $0x400, $0x38;
	[tilespmem:$0x1A100] =	vst v63  }
0xe2: {  	s15 =	simm.s32 @!p0 $0xE500;
	s12 =	sadd.s32 @!p0 $0x200, s5  }
0xe3: {  	[tilespmem:s15], [sflag:$0x4] =	stream.linear.gather @!p0 [hbm4b:s12+s9], $0x400, $0x38;
	[tilespmem:$0x1A100] =	vst v63  }
0xe4: {  	s12 =	sadd.s32 @!p0 $0x400, s5;
	s15 =	simm.s32 @!p0 $0xED00  }
0xe5: {  	[tilespmem:s15], [sflag:$0x4] =	stream.linear.gather @!p0 [hbm4b:s12+s9], $0x400, $0x38;
	[tilespmem:$0x1A100] =	vst v63  }
0xe6: {  	s12 =	sadd.s32 @!p0 $0x600, s5;
	s15 =	simm.s32 @!p0 $0xF500  }
0xe7: {  	[tilespmem:s15], [sflag:$0x4] =	stream.linear.gather @!p0 [hbm4b:s12+s9], $0x400, $0x38;
	[tilespmem:$0x1A100] =	vst v63  }
0xe8: {  	s12 =	sadd.s32 @!p0 $0x800, s5;
	s15 =	simm.s32 @!p0 $0xFD00  }
0xe9: {  	[tilespmem:s15], [sflag:$0x4] =	stream.linear.gather @!p0 [hbm4b:s12+s9], $0x400, $0x38;
	[tilespmem:$0x1A100] =	vst v63  }
0xea: {  	s12 =	sadd.s32 @!p0 $0xA00, s5;
	s15 =	simm.s32 @!p0 $0x10500  }
0xeb: {  	[tilespmem:s15], [sflag:$0x4] =	stream.linear.gather @!p0 [hbm4b:s12+s9], $0x400, $0x38;
	[tilespmem:$0x1A100] =	vst v63  }
0xec: {  	s12 =	sadd.s32 @!p0 $0xC00, s5;
	s15 =	simm.s32 @!p0 $0x10D00  }
0xed: {  	[tilespmem:s15], [sflag:$0x4] =	stream.linear.gather @!p0 [hbm4b:s12+s9], $0x400, $0x38;
	[tilespmem:$0x1A100] =	vst v63  }
0xee: {  	s12 =	sadd.s32 @!p0 $0xE00, s5;
	s15 =	simm.s32 @!p0 $0x11500  }
0xef: {  	[tilespmem:s15], [sflag:$0x4] =	stream.linear.gather @!p0 [hbm4b:s12+s9], $0x400, $0x38;
	[tilespmem:$0x1A100] =	vst v63  }
0xf0: {  	s5 =	sadd.s32 @!p0 $0x1000, s5;
	s12 =	simm.s32 @!p0 $0x11D00  }
0xf1: {  	[tilespmem:s12], [sflag:$0x4] =	stream.linear.gather @!p0 [hbm4b:s5+s9], $0x400, $0x38;
	[tilespmem:$0x1A100] =	vst v63  }
0xf2: {  	s9 =	simm.s32 $0x0  }
.LBB2_2:
0xf3: {  	v1 =	vld [tilespmem:$0x0]  }
0xf4: {  	s12 =	sshll.u32 s9, $0x2;
	v2 =	vld [tilespmem:$0x80]  }
0xf5: {  	s18 =	sand.u32 $0xC, s12  }
0xf6: {  	v3 =	vmov s18  }
0xf7: {  	vm4 =	veq.s32 v3, v0  }
0xf8: {  	v1 =	vnsel vm4, $0x0, v1  }
0xf9: {  	(xrf0) =	vadd.scan.msk.s32 $0xffff, v1;
	v1 =	vnsel vm4, $0x0, v2  }
0xfa: {  	(xrf0) =	vadd.scan.msk.s32 $0xffff, v1;
	_ =	sdelay $0x4  }
0xfb: {  	v1, _, _ =	vpop (xrf0)  }
0xfc: {  	(v2sf) =	vpush v1, $0xF;
	v1, _, _ =	vpop (xrf0)  }
0xfd: {  	(v2sf) =	vpush v1, $0xF;
	_ =	sdelay $0xb  }
0xfe: {  	s5 =	sshrl.u32 s9, $0x2  }
0xff: {  	s5 =	sand.u32 $0x3, s5  }
0x100: {  	s20 =	sshrl.u32 s9, $0x4;
	s16 =	smul.u32 $0x60, s5;
	s21 =	spop (v2sf)  }
0x101: {  	s19 =	sadd.s32 s20, s11;
	s15 =	spop (v2sf)  }
0x102: {  	s19 =	sadd.s32 s16, s19;
	s22 =	sand.u32 $0xFFFFFF80, s15  }
0x103: {  	s19 =	sshll.u32 s19, $0x9;
	p0 =	slt.s32 s22, $0x100  }
0x104: {  	s16 =	smul.u32 $0xC000, s5;
	s25 =	sadd.s32 s19, s21;
	s22 =	simm.s32 @!p0 $0x100  }
0x105: {  	s21 =	sadd.s32 s21, s10;
	s25 =	sand.u32 $0xFFFFFFF8, s25;
	s22 =	ssub.s32 s15, s22  }
0x106: {  	s21 =	sadd.s32 s16, s21;
	s24 =	sadd.s32 $0x10, s22;
	s26 =	sadd.s32 $0x20, s22  }
0x107: {  	p0 =	slt.s32 s25, $0x2FFB8;
	s15 =	sshll.u32 s20, $0x9;
	v1 =	vadd.s32 s22, v0;
	s31 =	sadd.s32 $0x30, s22;
	v2 =	vadd.s32 s24, v0;
	v7 =	vadd.s32 s26, v0  }
0x108: {  	s25 =	simm.s32 @!p0 $0x2FFB8;
	s21 =	sadd.s32 s15, s21;
	v8 =	vadd.s32 s31, v0;
	v3 =	vand.u32 $0x7F, v1;
	v1 =	vshll.u32 v1, $0x3  }
0x109: {  	s21 =	ssub.s32 s21, s25;
	v4 =	vand.u32 $0xFFFFFC00, v1;
	v5 =	vand.u32 $0x7F, v2;
	v1 =	vshll.u32 v2, $0x3  }
0x10a: {  	v2 =	vand.u32 $0x7F, v7;
	s24 =	sadd.s32 $0xFFFFFFF8, s21;
	v6 =	vand.u32 $0xFFFFFC00, v1;
	v1 =	vshll.u32 v7, $0x3  }
0x10b: {  	s3 =	sadd.s32 $0x8, s24;
	s13 =	sadd.s32 $0x9, s24;
	s29 =	sadd.s32 $0xA, s24;
	v7 =	vand.u32 $0xFFFFFC00, v1;
	v1 =	vand.u32 $0x7F, v8;
	v8 =	vshll.u32 v8, $0x3  }
0x10c: {  	s31 =	sadd.s32 $0xB, s24;
	v9 =	vmov s3;
	v12 =	vmov s13;
	v14 =	vmov s29  }
0x10d: {  	s3 =	sadd.s32 $0xC, s24;
	v15 =	vmov s31;
	s13 =	sadd.s32 $0xE, s24;
	s29 =	sadd.s32 $0xF, s24;
	v8 =	vand.u32 $0xFFFFFC00, v8;
	v10 =	vshll.u32 v9, $0x7  }
0x10e: {  	s24 =	sadd.s32 $0xD, s24;
	v16 =	vmov s3;
	v17 =	vmov s13;
	v18 =	vmov s29  }
0x10f: {  	v11 =	vshll.u32 v12, $0x8;
	v13 =	vshll.u32 v14, $0x8;
	v19 =	vmov s24  }
0x110: {  	v9 =	vshll.u32 v9, $0x8;
	v29 =	vshll.u32 v15, $0x8;
	v12 =	vshll.u32 v12, $0x7  }
0x111: {  	v15 =	vshll.u32 v15, $0x7;
	v10 =	vand.u32 $0x380, v10;
	v20 =	vand.u32 $0xFFFFF800, v13  }
0x112: {  	v21 =	vand.u32 $0xFFFFF800, v11;
	v13 =	vshll.u32 v18, $0x8;
	v24 =	vshll.u32 v16, $0x8  }
0x113: {  	v16 =	vshll.u32 v16, $0x7;
	v31 =	vand.u32 $0xFFFFF800, v9;
	v36 =	vand.u32 $0x380, v12  }
0x114: {  	v12 =	vshll.u32 v14, $0x7;
	v18 =	vshll.u32 v18, $0x7;
	v41 =	vshll.u32 v19, $0x8  }
0x115: {  	v19 =	vshll.u32 v19, $0x7;
	v60 =	vand.u32 $0x380, v15;
	v22 =	vadd.s32 v4, v20  }
0x116: {  	v23 =	vadd.s32 v8, v20;
	v11 =	vadd.s32 v7, v20;
	v25 =	vand.u32 $0xFFFFF800, v13  }
0x117: {  	v26 =	vadd.s32 v4, v21;
	v13 =	vadd.s32 v8, v21;
	v28 =	vadd.s32 v7, v21  }
0x118: {  	v24 =	vand.u32 $0xFFFFF800, v24;
	v21 =	vadd.s32 v6, v21;
	v32 =	vand.u32 $0x380, v16  }
0x119: {  	v9 =	vadd.s32 v4, v31;
	v20 =	vadd.s32 v6, v20;
	v35 =	vadd.s32 v8, v31  }
0x11a: {  	v40 =	vand.u32 $0x380, v12;
	v12 =	vand.u32 $0xFFFFF800, v29;
	v18 =	vand.u32 $0x380, v18  }
0x11b: {  	v29 =	vadd.s32 v6, v31;
	v41 =	vand.u32 $0xFFFFF800, v41;
	v19 =	vand.u32 $0x380, v19  }
0x11c: {  	v27 =	vadd.s32 v4, v25;
	v30 =	vadd.s32 v4, v24;
	v33 =	vadd.s32 v8, v25  }
0x11d: {  	v9 =	vor.u32 v10, v9;
	v34 =	vadd.s32 v8, v24;
	v39 =	vadd.s32 v6, v25  }
0x11e: {  	v29 =	vor.u32 v10, v29;
	v42 =	vadd.s32 v4, v12;
	v25 =	vadd.s32 v7, v25  }
0x11f: {  	_ =	swait.ge [sflag:s28], $0x2400;
	v43 =	vor.u32 v36, v28;
	v28 =	vadd.s32 v4, v41;
	v46 =	vadd.s32 v7, v41  }
0x120: {  	[sflag:s28] =	ssyncset.done $0x0;
	p1 =	slt.s32 s22, $0x41;
	v26 =	vor.u32 v36, v26;
	v48 =	vadd.s32 v7, v12;
	v22 =	vor.u32 v40, v22  }
0x121: {  	[sflag:s28] =	ssyncadd.s32 $0xFFFFDC00;
	s22 =	simm.s32 @!p1 $0x1;
	v15 =	vor.u32 v36, v21;
	v21 =	vadd.s32 v7, v24;
	v50 =	vadd.s32 v8, v12  }
0x122: {  	_ =	swait.ge @!p1 [sflag:s22], $0x2400;
	v13 =	vor.u32 v36, v13;
	v11 =	vor.u32 v40, v11;
	v16 =	vor.u32 v32, v30  }
0x123: {  	p0 =	seq.s32 s9, $0x0;
	[sflag:s22] =	ssyncset.done @!p1 $0x0;
	v30 =	vshll.u32 v17, $0x8;
	v9 =	vor.u32 v3, v9;
	v27 =	vor.u32 v18, v27  }
0x124: {  	[sflag:s22] =	ssyncadd.s32 @!p1 $0xFFFFDC00;
	s22 =	simm.s32 @!p0 $0x5;
	v17 =	vshll.u32 v17, $0x7;
	v29 =	vor.u32 v5, v29;
	v14 =	vor.u32 v3, v16  }
0x125: {  	_ =	swait.ge @!p0 [sflag:s22], $0x2000;
	v28 =	vor.u32 v19, v28;
	v39 =	vor.u32 v18, v39;
	v25 =	vor.u32 v18, v25  }
0x126: {  	[sflag:s22] =	ssyncset.done @!p0 $0x0;
	v21 =	vor.u32 v32, v21;
	v22 =	vor.u32 v3, v22;
	v27 =	vor.u32 v3, v27  }
0x127: {  	[sflag:s22] =	ssyncadd.s32 @!p0 $0xFFFFE000;
	v63 =	vor.u32 v32, v34;
	v37 =	vand.u32 $0xFFFFF800, v30;
	v28 =	vor.u32 v3, v28  }
0x128: {  	v16 =	vadd.s32 v6, v24;
	v39 =	vor.u32 v5, v39;
	v24 =	vor.u32 v19, v46;
	v44 =	vld.idx.msk [tilespmem:v9+s14+$0x0], $0xffff  }
0x129: {  	v49 =	vor.u32 v2, v25;
	v30 =	vadd.s32 v4, v37;
	v38 =	vadd.s32 v6, v37;
	v14 =	vld.idx.msk [tilespmem:v14+s14+$0x0], $0xffff  }
0x12a: {  	v45 =	vadd.s32 v7, v37;
	v16 =	vor.u32 v32, v16;
	v32 =	vor.u32 v18, v33  }
0x12b: {  	v33 =	vor.u32 v60, v48;
	v9 =	vor.u32 v40, v23;
	v23 =	vand.u32 $0x380, v17;
	v27 =	vld.idx.msk [tilespmem:v27+s14+$0x0], $0xffff  }
0x12c: {  	s22 =	simm.s32 $0x12300;
	v18 =	vadd.s32 v8, v41;
	v59 =	vor.u32 v5, v16;
	v17 =	vor.u32 v23, v30;
	v61 =	vld.idx.msk [tilespmem:v28+s14+$0x0], $0xffff  }
0x12d: {  	v34 =	vld.idx.msk [tilespmem:v22+s14+$0x0], $0xffff;
	v30 =	vadd.s32 v6, v41;
	v47 =	vor.u32 v3, v17;
	[tilespmem:s22+$0xFFFFFE00] =	vst v44  }
0x12e: {  	v30 =	vor.u32 v19, v30;
	v17 =	vor.u32 v23, v38;
	[tilespmem:s22+$0x0] =	vst v14;
	v14 =	vor.u32 v3, v26  }
0x12f: {  	v16 =	vor.u32 v5, v30;
	v17 =	vor.u32 v5, v17;
	v29 =	vld.idx.msk [tilespmem:v29+s14+$0x0], $0xffff;
	v26 =	vadd.s32 v7, v31  }
0x130: {  	[tilespmem:s22+$0x180] =	vst v27;
	v27 =	vor.u32 v23, v45;
	v31 =	vor.u32 v5, v15;
	v15 =	vor.u32 v40, v20  }
0x131: {  	v20 =	vor.u32 v2, v21;
	v21 =	vor.u32 v10, v35;
	[tilespmem:s22+$0x80] =	vst v61;
	v39 =	vld.idx.msk [tilespmem:v39+s14+$0x0], $0xffff  }
0x132: {  	v62 =	vor.u32 v10, v26;
	v47 =	vld.idx.msk [tilespmem:v47+s14+$0x0], $0xffff;
	v28 =	vor.u32 v5, v15;
	v15 =	vadd.s32 v6, v12  }
0x133: {  	v12 =	vor.u32 v2, v24;
	v26 =	vor.u32 v2, v43;
	v15 =	vor.u32 v60, v15;
	v14 =	vld.idx.msk [tilespmem:v14+s14+$0x0], $0xffff  }
0x134: {  	s31 =	sshll.u32 s18, $0x2;
	v30 =	vld.idx.msk [tilespmem:v59+s14+$0x0], $0xffff;
	v10 =	vor.u32 v19, v18;
	v25 =	vor.u32 v5, v15;
	v15 =	vor.u32 v60, v42  }
0x135: {  	s24 =	sor.u32 s5, s31;
	v22 =	vor.u32 v1, v21;
	v19 =	vor.u32 v1, v13;
	v35 =	vor.u32 v3, v15;
	[tilespmem:s22+$0xFFFFFE10] =	vst v29  }
0x136: {  	s24 =	smul.u32 $0x60, s24;
	v18 =	vor.u32 v60, v50;
	v24 =	vor.u32 v2, v62;
	v15 =	vadd.s32 v8, v37;
	[tilespmem:s22+$0x190] =	vst v39  }
0x137: {  	s20 =	sadd.s32 s8, s20;
	v21 =	vor.u32 v2, v11;
	v10 =	vor.u32 v1, v10;
	v15 =	vor.u32 v23, v15;
	[tilespmem:s22+$0x100] =	vst v47  }
0x138: {  	s25 =	simm.s32 $0x0;
	s26 =	simm.s32 $0x12300;
	s24 =	sadd.s32 s20, s24;
	v13 =	vld.idx.msk [tilespmem:v49+s14+$0x0], $0xffff;
	[tilespmem:s22+$0xFFFFFE80] =	vst v14;
	v14 =	vor.u32 v1, v18;
	v18 =	vor.u32 v1, v63  }
.LBB2_3:
0x139: {  	s29 =	sadd.s32 s25, s21;
	s25 =	sadd.s32 $0x8, s25;
	v23 =	vld.idx.msk [tilespmem:v31+s14+$0x0], $0xffff;
	[tilespmem:s22+$0xFFFFFF00] =	vst v34;
	v9 =	vor.u32 v1, v9;
	v31 =	vor.u32 v1, v15;
	s26 =	sadd.s32 $0x400, s26  }
0x13a: {  	v29 =	vor.u32 v2, v33;
	v27 =	vor.u32 v2, v27;
	v32 =	vor.u32 v1, v32;
	s31 =	sadd.s32 $0x8, s29;
	s3 =	sadd.s32 $0x9, s29;
	s13 =	sadd.s32 $0xA, s29;
	v15 =	vld.idx.msk [tilespmem:v35+s14+$0x0], $0xffff  }
0x13b: {  	v33 =	vmov s31;
	v34 =	vmov s3;
	v35 =	vmov s13;
	s3 =	sadd.s32 $0xB, s29;
	s13 =	sadd.s32 $0xC, s29;
	s31 =	sadd.s32 $0xD, s29;
	v24 =	vld.idx.msk [tilespmem:v24+s14+$0x0], $0xffff  }
0x13c: {  	p1 =	slt.u32 s25, $0x38;
	v11 =	vshll.u32 v33, $0x7;
	v36 =	vmov s3;
	v37 =	vmov s13;
	s3 =	sadd.s32 $0xE, s29;
	s13 =	sadd.s32 $0xF, s29;
	[tilespmem:s22+$0x10] =	vst v30;
	v30 =	vld.idx.msk [tilespmem:v16+s14+$0x0], $0xffff  }
0x13d: {  	v11 =	vand.u32 $0x380, v11;
	v38 =	vmov s3;
	v39 =	vmov s13;
	v28 =	vld.idx.msk [tilespmem:v28+s14+$0x0], $0xffff  }
0x13e: {  	v16 =	vshll.u32 v34, $0x8;
	v40 =	vshll.u32 v35, $0x8;
	v41 =	vmov s31;
	v17 =	vld.idx.msk [tilespmem:v17+s14+$0x0], $0xffff;
	[tilespmem:s22+$0x1A0] =	vst v13  }
0x13f: {  	v33 =	vshll.u32 v33, $0x8;
	v42 =	vand.u32 $0xFFFFF800, v16;
	v40 =	vand.u32 $0xFFFFF800, v40;
	[tilespmem:s22+$0xFFFFFE90] =	vst v23;
	v43 =	vld.idx.msk [tilespmem:v20+s14+$0x0], $0xffff  }
0x140: {  	v16 =	vadd.s32 v4, v40;
	v44 =	vadd.s32 v8, v40;
	v20 =	vshll.u32 v39, $0x8;
	v26 =	vld.idx.msk [tilespmem:v26+s14+$0x0], $0xffff;
	[tilespmem:s22+$0xFFFFFF80] =	vst v15  }
0x141: {  	v13 =	vadd.s32 v7, v40;
	v23 =	vshll.u32 v37, $0x8;
	v45 =	vand.u32 $0xFFFFF800, v20;
	[tilespmem:s22+$0xFFFFFE20] =	vst v24;
	v46 =	vld.idx.msk [tilespmem:v25+s14+$0x0], $0xffff  }
0x142: {  	v47 =	vadd.s32 v4, v42;
	v15 =	vadd.s32 v8, v42;
	v48 =	vadd.s32 v4, v45;
	v32 =	vld.idx.msk [tilespmem:v32+s14+$0x0], $0xffff  }
0x143: {  	v49 =	vadd.s32 v7, v42;
	v20 =	vand.u32 $0xFFFFF800, v23;
	v23 =	vshll.u32 v37, $0x7;
	v37 =	vld.idx.msk [tilespmem:v22+s14+$0x0], $0xffff;
	[tilespmem:s22+$0xFFFFFF10] =	vst v28  }
0x144: {  	v24 =	vadd.s32 v4, v20;
	v28 =	vadd.s32 v6, v42;
	v42 =	vshll.u32 v36, $0x8;
	v50 =	vld.idx.msk [tilespmem:v21+s14+$0x0], $0xffff;
	[tilespmem:s22+$0x110] =	vst v17  }
0x145: {  	v33 =	vand.u32 $0xFFFFF800, v33;
	v25 =	vand.u32 $0x380, v23;
	v22 =	vadd.s32 v8, v45;
	[tilespmem:s22+$0x90] =	vst v30;
	v17 =	vld.idx.msk [tilespmem:v27+s14+$0x0], $0xffff  }
0x146: {  	v21 =	vadd.s32 v4, v33;
	v30 =	vadd.s32 v6, v40;
	v27 =	vor.u32 v25, v24;
	v12 =	vld.idx.msk [tilespmem:v12+s14+$0x0], $0xffff  }
0x147: {  	v23 =	vshll.u32 v34, $0x7;
	v34 =	vshll.u32 v38, $0x8;
	v24 =	vadd.s32 v8, v33;
	[tilespmem:s22+$0xFFFFFF90] =	vst v46  }
0x148: {  	v40 =	vor.u32 v11, v21;
	v21 =	vand.u32 $0x380, v23;
	v23 =	vand.u32 $0xFFFFF800, v34;
	[tilespmem:s22+$0xFFFFFEA0] =	vst v26;
	v26 =	vld.idx.msk [tilespmem:v29+s14+$0x0], $0xffff  }
0x149: {  	v34 =	vor.u32 v3, v40;
	v27 =	vor.u32 v3, v27;
	v29 =	vshll.u32 v35, $0x7;
	[tilespmem:s22+$0xFFFFFE30] =	vst v37;
	v19 =	vld.idx.msk [tilespmem:v19+s14+$0x0], $0xffff  }
0x14a: {  	v40 =	vadd.s32 v4, v23;
	v35 =	vadd.s32 v6, v20;
	v37 =	vadd.s32 v8, v20;
	[tilespmem:s22+$0xFFFFFF20] =	vst v50  }
0x14b: {  	v39 =	vshll.u32 v39, $0x7;
	v46 =	vadd.s32 v6, v23;
	v50 =	vadd.s32 v6, v45;
	v9 =	vld.idx.msk [tilespmem:v9+s14+$0x0], $0xffff;
	[tilespmem:s22+$0x120] =	vst v17  }
0x14c: {  	v39 =	vand.u32 $0x380, v39;
	v42 =	vand.u32 $0xFFFFF800, v42;
	v29 =	vand.u32 $0x380, v29;
	[tilespmem:s22+$0x20] =	vst v43;
	v17 =	vld.idx.msk [tilespmem:v31+s14+$0x0], $0xffff  }
0x14d: {  	v36 =	vshll.u32 v36, $0x7;
	v31 =	vadd.s32 v6, v33;
	v43 =	vor.u32 v39, v48;
	v18 =	vld.idx.msk [tilespmem:v18+s14+$0x0], $0xffff;
	[tilespmem:s22+$0xA0] =	vst v12  }
0x14e: {  	v12 =	vor.u32 v11, v31;
	v31 =	vshll.u32 v38, $0x7;
	v38 =	vor.u32 v3, v43;
	[tilespmem:s22+$0xFFFFFFA0] =	vst v26;
	v10 =	vld.idx.msk [tilespmem:v10+s14+$0x0], $0xffff  }
0x14f: {  	v43 =	vadd.s32 v4, v42;
	v26 =	vshll.u32 v41, $0x8;
	v41 =	vshll.u32 v41, $0x7;
	[tilespmem:s22+$0xFFFFFEB0] =	vst v19;
	v14 =	vld.idx.msk [tilespmem:v14+s14+$0x0], $0xffff  }
0x150: {  	v48 =	vand.u32 $0xFFFFF800, v26;
	v41 =	vand.u32 $0x380, v41;
	v26 =	vadd.s32 v7, v45;
	v19 =	vld.idx.msk [tilespmem:v34+s14+$0x0], $0xffff;
	[tilespmem:s22+$0x1B0] =	vst v32  }
0x151: {  	v32 =	vor.u32 v21, v49;
	v34 =	vadd.s32 v4, v48;
	v27 =	vld.idx.msk [tilespmem:v27+s14+$0x0], $0xffff;
	[tilespmem:s22+$0xFFFFFF30] =	vst v9  }
0x152: {  	v12 =	vor.u32 v5, v12;
	v45 =	vor.u32 v39, v50;
	v34 =	vor.u32 v41, v34;
	[tilespmem:s22+$0x130] =	vst v17  }
0x153: {  	v9 =	vor.u32 v29, v44;
	v44 =	vand.u32 $0x380, v31;
	v31 =	vadd.s32 v7, v23;
	v38 =	vld.idx.msk [tilespmem:v38+s14+$0x0], $0xffff;
	[tilespmem:s22+$0x30] =	vst v18  }
0x154: {  	v26 =	vor.u32 v39, v26;
	v17 =	vor.u32 v3, v34;
	v18 =	vor.u32 v44, v40;
	[tilespmem:s22+$0xB0] =	vst v10  }
0x155: {  	v34 =	vadd.s32 v7, v48;
	v40 =	vor.u32 v5, v45;
	v10 =	vadd.s32 v6, v48;
	[tilespmem:s22+$0xFFFFFFB0] =	vst v14;
	s22 =	smov.u32 s26  }
0x156: {  	v18 =	vor.u32 v3, v18;
	v14 =	vor.u32 v21, v47;
	v10 =	vor.u32 v41, v10;
	[tilespmem:s26+$0xFFFFFE00] =	vst v19  }
0x157: {  	v45 =	vadd.s32 v7, v42;
	v19 =	vld.idx.msk [tilespmem:v12+s14+$0x0], $0xffff;
	v12 =	vor.u32 v25, v35;
	v35 =	vor.u32 v44, v46  }
0x158: {  	v46 =	vor.u32 v29, v16;
	v16 =	vor.u32 v5, v10;
	[tilespmem:s26+$0x0] =	vst v27;
	v12 =	vor.u32 v5, v12  }
0x159: {  	v10 =	vor.u32 v3, v14;
	v14 =	vand.u32 $0x380, v36;
	v36 =	vld.idx.msk [tilespmem:v17+s14+$0x0], $0xffff;
	v17 =	vor.u32 v5, v35;
	[tilespmem:s26+$0x180] =	vst v38  }
0x15a: {  	v28 =	vor.u32 v21, v28;
	v20 =	vadd.s32 v7, v20;
	v34 =	vor.u32 v41, v34;
	v35 =	vld.idx.msk [tilespmem:v40+s14+$0x0], $0xffff  }
0x15b: {  	v20 =	vor.u32 v25, v20;
	v33 =	vadd.s32 v7, v33;
	v27 =	vor.u32 v44, v31  }
0x15c: {  	v38 =	vor.u32 v11, v33;
	v33 =	vor.u32 v3, v46;
	v40 =	vor.u32 v2, v26;
	v18 =	vld.idx.msk [tilespmem:v18+s14+$0x0], $0xffff  }
0x15d: {  	v31 =	vor.u32 v5, v28;
	v46 =	vadd.s32 v8, v42;
	v26 =	vor.u32 v29, v30  }
0x15e: {  	v28 =	vor.u32 v5, v26;
	v26 =	vadd.s32 v6, v42;
	v30 =	vld.idx.msk [tilespmem:v12+s14+$0x0], $0xffff;
	v12 =	vor.u32 v2, v34  }
0x15f: {  	v37 =	vor.u32 v25, v37;
	v20 =	vor.u32 v2, v20;
	v42 =	vld.idx.msk [tilespmem:v10+s14+$0x0], $0xffff;
	v10 =	vor.u32 v14, v26  }
0x160: {  	v26 =	vor.u32 v2, v32;
	v32 =	vor.u32 v39, v22;
	v25 =	vor.u32 v5, v10;
	[tilespmem:s26+$0x190] =	vst v35  }
0x161: {  	v22 =	vadd.s32 v8, v48;
	v10 =	vor.u32 v14, v43;
	v34 =	vld.idx.msk [tilespmem:v33+s14+$0x0], $0xffff;
	v33 =	vor.u32 v14, v45  }
.Ltmp2:
0x162: {  	v11 =	vor.u32 v11, v24;
	v35 =	vor.u32 v3, v10;
	v10 =	vor.u32 v41, v22;
	[tilespmem:s26+$0x100] =	vst v18;
	(pc) =	sbr.rel @p1 .LBB2_3-.Ltmp2, $4  }
0x163: {  	v24 =	vor.u32 v2, v38;
	v10 =	vor.u32 v1, v10;
	v18 =	vadd.s32 v8, v23;
	[tilespmem:s26+$0x80] =	vst v36  }
0x164: {  	v22 =	vor.u32 v1, v11;
	v11 =	vor.u32 v21, v15;
	v15 =	vor.u32 v44, v18;
	[tilespmem:s26+$0xFFFFFE10] =	vst v19  }
0x165: {  	v14 =	vor.u32 v14, v46;
	v19 =	vor.u32 v1, v11;
	v11 =	vor.u32 v29, v13;
	v13 =	vld.idx.msk [tilespmem:v40+s14+$0x0], $0xffff  }
0x166: {  	v14 =	vor.u32 v1, v14;
	v18 =	vor.u32 v1, v37;
	v21 =	vor.u32 v2, v11;
	[tilespmem:s26+$0xFFFFFE80] =	vst v42  }
0x167: {  	_ =	sdelay $0x3  }
0x168: {  	v3 =	vld.idx.msk [tilespmem:v35+s14+$0x0], $0xffff  }
0x169: {  	v4 =	vld.idx.msk [tilespmem:v31+s14+$0x0], $0xffff  }
0x16a: {  	[tilespmem:s22+$0xFFFFFF00] =	vst v34;
	v5 =	vld.idx.msk [tilespmem:v24+s14+$0x0], $0xffff;
	v60 =	vor.u32 v1, v32  }
0x16b: {  	[tilespmem:s22+$0x10] =	vst v30;
	v7 =	vld.idx.msk [tilespmem:v17+s14+$0x0], $0xffff  }
0x16c: {  	v11 =	vld.idx.msk [tilespmem:v16+s14+$0x0], $0xffff;
	[tilespmem:s22+$0x1A0] =	vst v13  }
0x16d: {  	v8 =	vor.u32 v2, v27;
	v6 =	vld.idx.msk [tilespmem:v28+s14+$0x0], $0xffff;
	[tilespmem:s22+$0xFFFFFF80] =	vst v3  }
0x16e: {  	v61 =	vld.idx.msk [tilespmem:v20+s14+$0x0], $0xffff;
	[tilespmem:s22+$0xFFFFFE90] =	vst v4  }
0x16f: {  	[tilespmem:s22+$0xFFFFFE20] =	vst v5;
	v62 =	vld.idx.msk [tilespmem:v60+s14+$0x0], $0xffff  }
0x170: {  	[tilespmem:s22+$0x110] =	vst v7;
	v3 =	vld.idx.msk [tilespmem:v25+s14+$0x0], $0xffff  }
0x171: {  	v2 =	vor.u32 v2, v33;
	[tilespmem:s22+$0x90] =	vst v11;
	v4 =	vld.idx.msk [tilespmem:v26+s14+$0x0], $0xffff  }
0x172: {  	[tilespmem:s22+$0xFFFFFF10] =	vst v6;
	v8 =	vld.idx.msk [tilespmem:v8+s14+$0x0], $0xffff  }
0x173: {  	v9 =	vor.u32 v1, v9;
	v1 =	vor.u32 v1, v15;
	[tilespmem:s22+$0x20] =	vst v61;
	v6 =	vld.idx.msk [tilespmem:v21+s14+$0x0], $0xffff  }
0x174: {  	v5 =	vld.idx.msk [tilespmem:v22+s14+$0x0], $0xffff;
	[tilespmem:s22+$0x1B0] =	vst v62  }
0x175: {  	[tilespmem:s22+$0xFFFFFF90] =	vst v3;
	v3 =	vld.idx.msk [tilespmem:v12+s14+$0x0], $0xffff  }
0x176: {  	[tilespmem:s22+$0xFFFFFEA0] =	vst v4;
	v2 =	vld.idx.msk [tilespmem:v2+s14+$0x0], $0xffff  }
0x177: {  	[tilespmem:s22+$0x120] =	vst v8;
	v4 =	vld.idx.msk [tilespmem:v19+s14+$0x0], $0xffff  }
0x178: {  	[tilespmem:s22+$0xFFFFFF20] =	vst v6;
	v1 =	vld.idx.msk [tilespmem:v1+s14+$0x0], $0xffff  }
0x179: {  	[tilespmem:s22+$0xFFFFFE30] =	vst v5;
	v6 =	vld.idx.msk [tilespmem:v9+s14+$0x0], $0xffff  }
0x17a: {  	[tilespmem:s22+$0xA0] =	vst v3;
	v3 =	vld.idx.msk [tilespmem:v18+s14+$0x0], $0xffff  }
0x17b: {  	[tilespmem:s22+$0xFFFFFFA0] =	vst v2;
	v2 =	vld.idx.msk [tilespmem:v10+s14+$0x0], $0xffff  }
0x17c: {  	[tilespmem:s22+$0xFFFFFEB0] =	vst v4;
	v63 =	vld.idx.msk [tilespmem:v14+s14+$0x0], $0xffff  }
0x17d: {  	p1 =	seq.s32 s9, $0x2F;
	[tilespmem:s22+$0x130] =	vst v1  }
.Ltmp3:
0x17e: {  	[tilespmem:s22+$0xFFFFFF30] =	vst v6;
	(pc) =	sbr.rel @p1 .LBB2_6-.Ltmp3, $4  }
0x17f: {  	s3 =	sshll.u32 s24, $0xA;
	[tilespmem:s22+$0x30] =	vst v3  }
0x180: {  	s3 =	sand.u32 $0x1FFFFC00, s3;
	[tilespmem:s22+$0xB0] =	vst v2  }
0x181: {  	s13 =	simm.s32 $0x12100;
	s3 =	sadd.s32 s7, s3;
	[tilespmem:s22+$0xFFFFFFB0] =	vst v63  }
0x182: {  	[hbm4b:s3+s6] =	stream.linear.scatter [tilespmem:s13], [sflag:$0x5], $0x2000, $0x38;
	[tilespmem:$0x1A100] =	vst v63  }
0x183: {  	v1 =	vld [tilespmem:$0x0]  }
0x184: {  	s3 =	sadd.s32 $0x4, s12;
	v2 =	vld [tilespmem:$0x80]  }
0x185: {  	s13 =	sand.u32 $0xC, s3  }
0x186: {  	v3 =	vmov s13  }
0x187: {  	vm4 =	veq.s32 v3, v0  }
0x188: {  	v1 =	vnsel vm4, $0x0, v1  }
0x189: {  	(xrf0) =	vadd.scan.msk.s32 $0xffff, v1;
	v1 =	vnsel vm4, $0x0, v2  }
0x18a: {  	(xrf0) =	vadd.scan.msk.s32 $0xffff, v1;
	_ =	sdelay $0x4  }
0x18b: {  	v1, _, _ =	vpop (xrf0)  }
0x18c: {  	(v2sf) =	vpush v1, $0xF;
	v1, _, _ =	vpop (xrf0)  }
0x18d: {  	(v2sf) =	vpush v1, $0xF;
	_ =	sdelay $0x8  }
0x18e: {  	s25 =	sshrl.u32 s3, $0x4  }
0x18f: {  	s13 =	sand.u32 $0x3, s25  }
0x190: {  	s3 =	sshrl.u32 s3, $0x6;
	s13 =	smul.u32 $0x60, s13  }
0x191: {  	s3 =	sadd.s32 s8, s3  }
0x192: {  	s3 =	sadd.s32 s13, s3  }
0x193: {  	s3 =	sshll.u32 s3, $0x9;
	s26 =	spop (v2sf)  }
0x194: {  	s21 =	spop (v2sf);
	s3 =	sadd.s32 s3, s26  }
0x195: {  	s3 =	sand.u32 $0xFFFFFFF8, s3;
	s13 =	sand.u32 $0xFFFFFF80, s21  }
0x196: {  	p2 =	slt.s32 s3, $0x2FFB8;
	p3 =	slt.s32 s13, $0x100  }
0x197: {  	s3 =	simm.s32 @!p2 $0x2FFB8;
	s13 =	simm.s32 @!p3 $0x100  }
0x198: {  	s22 =	sshll.u32 s3, $0x6;
	s24 =	sadd.s32 s1, s13  }
0x199: {  	s22 =	sadd.s32 s22, s24  }
0x19a: {  	[tilespmem:s14], [sflag:$0x1] =	stream.linear.gather [hbm4b:s22+s6], $0x400, $0x38;
	[tilespmem:$0x1A100] =	vst v63  }
0x19b: {  	s25 =	simm.s32 $0x900;
	s24 =	sadd.s32 $0x200, s22  }
0x19c: {  	[tilespmem:s25], [sflag:$0x1] =	stream.linear.gather [hbm4b:s24+s6], $0x400, $0x38;
	[tilespmem:$0x1A100] =	vst v63  }
0x19d: {  	s31 =	simm.s32 $0x1100;
	s21 =	ssub.s32 s21, s13;
	s29 =	sadd.s32 $0x400, s22  }
0x19e: {  	[tilespmem:s31], [sflag:$0x1] =	stream.linear.gather [hbm4b:s29+s6], $0x400, $0x38;
	[tilespmem:$0x1A100] =	vst v63  }
0x19f: {  	s26 =	simm.s32 $0x1900;
	p2 =	slt.s32 s21, $0x41;
	s25 =	sadd.s32 $0x600, s22  }
0x1a0: {  	[tilespmem:s26], [sflag:$0x1] =	stream.linear.gather [hbm4b:s25+s6], $0x400, $0x38;
	[tilespmem:$0x1A100] =	vst v63  }
0x1a1: {  	s3 =	sshll.u32 @!p2 s3, $0x9;
	s29 =	sadd.s32 $0x800, s22;
	s31 =	simm.s32 $0x2100  }
0x1a2: {  	[tilespmem:s31], [sflag:$0x1] =	stream.linear.gather [hbm4b:s29+s6], $0x400, $0x38;
	[tilespmem:$0x1A100] =	vst v63  }
0x1a3: {  	s13 =	sshll.u32 @!p2 s13, $0x3;
	s25 =	sadd.s32 $0xA00, s22;
	s26 =	simm.s32 $0x2900  }
0x1a4: {  	[tilespmem:s26], [sflag:$0x1] =	stream.linear.gather [hbm4b:s25+s6], $0x400, $0x38;
	[tilespmem:$0x1A100] =	vst v63  }
0x1a5: {  	s3 =	sadd.s32 @!p2 s3, s13;
	s29 =	sadd.s32 $0xC00, s22;
	s31 =	simm.s32 $0x3100  }
0x1a6: {  	[tilespmem:s31], [sflag:$0x1] =	stream.linear.gather [hbm4b:s29+s6], $0x400, $0x38;
	[tilespmem:$0x1A100] =	vst v63  }
0x1a7: {  	s3 =	sadd.s32 @!p2 $0x400, s3;
	s26 =	sadd.s32 $0xE00, s22;
	s29 =	simm.s32 $0x3900  }
0x1a8: {  	[tilespmem:s29], [sflag:$0x1] =	stream.linear.gather [hbm4b:s26+s6], $0x400, $0x38;
	[tilespmem:$0x1A100] =	vst v63  }
0x1a9: {  	s3 =	sshrl.u32 @!p2 s3, $0x3;
	s22 =	sadd.s32 $0x1000, s22;
	s31 =	simm.s32 $0x4100  }
0x1aa: {  	[tilespmem:s31], [sflag:$0x1] =	stream.linear.gather [hbm4b:s22+s6], $0x400, $0x38;
	[tilespmem:$0x1A100] =	vst v63  }
0x1ab: {  	s21 =	simm.s32 @!p2 $0x500;
	s13 =	simm.s32 @!p2 $0x0;
	s3 =	sadd.s32 @!p2 s1, s3  }
0x1ac: {  	[tilespmem:s21], [sflag:$0x1] =	stream.linear.gather @!p2 [hbm4b:s3+s13], $0x400, $0x38;
	[tilespmem:$0x1A100] =	vst v63  }
0x1ad: {  	s22 =	simm.s32 @!p2 $0xD00;
	s21 =	sadd.s32 @!p2 $0x200, s3  }
0x1ae: {  	[tilespmem:s22], [sflag:$0x1] =	stream.linear.gather @!p2 [hbm4b:s21+s13], $0x400, $0x38;
	[tilespmem:$0x1A100] =	vst v63  }
0x1af: {  	s21 =	sadd.s32 @!p2 $0x400, s3;
	s22 =	simm.s32 @!p2 $0x1500  }
0x1b0: {  	[tilespmem:s22], [sflag:$0x1] =	stream.linear.gather @!p2 [hbm4b:s21+s13], $0x400, $0x38;
	[tilespmem:$0x1A100] =	vst v63  }
0x1b1: {  	s21 =	sadd.s32 @!p2 $0x600, s3;
	s22 =	simm.s32 @!p2 $0x1D00  }
0x1b2: {  	[tilespmem:s22], [sflag:$0x1] =	stream.linear.gather @!p2 [hbm4b:s21+s13], $0x400, $0x38;
	[tilespmem:$0x1A100] =	vst v63  }
0x1b3: {  	s21 =	sadd.s32 @!p2 $0x800, s3;
	s22 =	simm.s32 @!p2 $0x2500  }
0x1b4: {  	[tilespmem:s22], [sflag:$0x1] =	stream.linear.gather @!p2 [hbm4b:s21+s13], $0x400, $0x38;
	[tilespmem:$0x1A100] =	vst v63  }
0x1b5: {  	s21 =	sadd.s32 @!p2 $0xA00, s3;
	s22 =	simm.s32 @!p2 $0x2D00  }
0x1b6: {  	[tilespmem:s22], [sflag:$0x1] =	stream.linear.gather @!p2 [hbm4b:s21+s13], $0x400, $0x38;
	[tilespmem:$0x1A100] =	vst v63  }
0x1b7: {  	s21 =	sadd.s32 @!p2 $0xC00, s3;
	s22 =	simm.s32 @!p2 $0x3500  }
0x1b8: {  	[tilespmem:s22], [sflag:$0x1] =	stream.linear.gather @!p2 [hbm4b:s21+s13], $0x400, $0x38;
	[tilespmem:$0x1A100] =	vst v63  }
0x1b9: {  	s21 =	sadd.s32 @!p2 $0xE00, s3;
	s22 =	simm.s32 @!p2 $0x3D00  }
0x1ba: {  	[tilespmem:s22], [sflag:$0x1] =	stream.linear.gather @!p2 [hbm4b:s21+s13], $0x400, $0x38;
	[tilespmem:$0x1A100] =	vst v63  }
0x1bb: {  	s3 =	sadd.s32 @!p2 $0x1000, s3;
	s21 =	simm.s32 @!p2 $0x4500  }
0x1bc: {  	[tilespmem:s21], [sflag:$0x1] =	stream.linear.gather @!p2 [hbm4b:s3+s13], $0x400, $0x38;
	[tilespmem:$0x1A100] =	vst v63  }
.LBB2_6:
0x1bd: {  	v1 =	vld [tilespmem:$0x0]  }
0x1be: {  	v2 =	vld [tilespmem:$0x80]  }
0x1bf: {  	s24 =	sor.u32 $0x1, s18  }
0x1c0: {  	v3 =	vmov s24  }
0x1c1: {  	vm4 =	veq.s32 v3, v0  }
0x1c2: {  	v1 =	vnsel vm4, $0x0, v1  }
0x1c3: {  	(xrf0) =	vadd.scan.msk.s32 $0xffff, v1;
	v1 =	vnsel vm4, $0x0, v2  }
0x1c4: {  	(xrf0) =	vadd.scan.msk.s32 $0xffff, v1;
	_ =	sdelay $0x4  }
0x1c5: {  	v1, _, _ =	vpop (xrf0)  }
0x1c6: {  	(v2sf) =	vpush v1, $0xF;
	v1, _, _ =	vpop (xrf0)  }
0x1c7: {  	(v2sf) =	vpush v1, $0xF;
	_ =	sdelay $0xd  }
0x1c8: {  	s3 =	spop (v2sf)  }
0x1c9: {  	s13 =	spop (v2sf)  }
0x1ca: {  	s21 =	sand.u32 $0xFFFFFF80, s13  }
0x1cb: {  	p2 =	slt.s32 s21, $0x100  }
0x1cc: {  	s21 =	simm.s32 @!p2 $0x100  }
0x1cd: {  	s22 =	ssub.s32 s13, s21  }
0x1ce: {  	s31 =	sadd.s32 s19, s3;
	s13 =	sadd.s32 $0x10, s22;
	s25 =	sadd.s32 $0x20, s22  }
0x1cf: {  	s3 =	sadd.s32 s3, s10;
	s21 =	sand.u32 $0xFFFFFFF8, s31;
	v1 =	vadd.s32 s22, v0;
	s26 =	sadd.s32 $0x30, s22;
	v2 =	vadd.s32 s13, v0;
	v7 =	vadd.s32 s25, v0  }
0x1d0: {  	s3 =	sadd.s32 s16, s3;
	p2 =	slt.s32 s21, $0x2FFB8;
	v8 =	vadd.s32 s26, v0;
	v3 =	vand.u32 $0x7F, v1;
	v1 =	vshll.u32 v1, $0x3  }
0x1d1: {  	s3 =	sadd.s32 s15, s3;
	s21 =	simm.s32 @!p2 $0x2FFB8;
	v4 =	vand.u32 $0xFFFFFC00, v1;
	v5 =	vand.u32 $0x7F, v2;
	v1 =	vshll.u32 v2, $0x3  }
0x1d2: {  	s21 =	ssub.s32 s3, s21;
	v2 =	vand.u32 $0x7F, v7;
	v6 =	vand.u32 $0xFFFFFC00, v1;
	v1 =	vshll.u32 v7, $0x3  }
0x1d3: {  	s3 =	sadd.s32 $0xFFFFFFF8, s21;
	v7 =	vand.u32 $0xFFFFFC00, v1;
	v1 =	vand.u32 $0x7F, v8;
	v8 =	vshll.u32 v8, $0x3  }
0x1d4: {  	s29 =	sadd.s32 $0x8, s3;
	s31 =	sadd.s32 $0x9, s3;
	s26 =	sadd.s32 $0xA, s3;
	v8 =	vand.u32 $0xFFFFFC00, v8  }
0x1d5: {  	v9 =	vmov s29;
	v12 =	vmov s31;
	s29 =	sadd.s32 $0xB, s3;
	v14 =	vmov s26;
	s31 =	sadd.s32 $0xC, s3  }
0x1d6: {  	s26 =	sadd.s32 $0xE, s3;
	v10 =	vshll.u32 v9, $0x7;
	v15 =	vmov s29;
	v16 =	vmov s31  }
0x1d7: {  	v17 =	vmov s26;
	v11 =	vshll.u32 v12, $0x8;
	v13 =	vshll.u32 v14, $0x8  }
0x1d8: {  	s29 =	sadd.s32 $0xF, s3;
	s3 =	sadd.s32 $0xD, s3;
	v9 =	vshll.u32 v9, $0x8;
	v12 =	vshll.u32 v12, $0x7;
	v10 =	vand.u32 $0x380, v10  }
0x1d9: {  	v18 =	vmov s29;
	v19 =	vmov s3;
	v20 =	vand.u32 $0xFFFFF800, v13  }
0x1da: {  	v21 =	vand.u32 $0xFFFFF800, v11;
	v24 =	vshll.u32 v16, $0x8;
	v16 =	vshll.u32 v16, $0x7  }
0x1db: {  	v29 =	vshll.u32 v15, $0x8;
	v31 =	vand.u32 $0xFFFFF800, v9;
	v36 =	vand.u32 $0x380, v12  }
0x1dc: {  	v12 =	vshll.u32 v14, $0x7;
	v15 =	vshll.u32 v15, $0x7;
	v22 =	vadd.s32 v4, v20  }
0x1dd: {  	v23 =	vadd.s32 v8, v20;
	v13 =	vshll.u32 v18, $0x8;
	v11 =	vadd.s32 v7, v20  }
0x1de: {  	v26 =	vadd.s32 v4, v21;
	v28 =	vadd.s32 v7, v21;
	v24 =	vand.u32 $0xFFFFF800, v24  }
0x1df: {  	v32 =	vand.u32 $0x380, v16;
	v9 =	vadd.s32 v4, v31;
	v20 =	vadd.s32 v6, v20  }
0x1e0: {  	v35 =	vadd.s32 v8, v31;
	v18 =	vshll.u32 v18, $0x7;
	v40 =	vand.u32 $0x380, v12  }
0x1e1: {  	v12 =	vand.u32 $0xFFFFF800, v29;
	v29 =	vadd.s32 v6, v31;
	v41 =	vshll.u32 v19, $0x8  }
0x1e2: {  	v19 =	vshll.u32 v19, $0x7;
	v49 =	vand.u32 $0x380, v15;
	v25 =	vand.u32 $0xFFFFF800, v13  }
0x1e3: {  	v13 =	vadd.s32 v8, v21;
	v21 =	vadd.s32 v6, v21;
	v30 =	vadd.s32 v4, v24  }
0x1e4: {  	v9 =	vor.u32 v10, v9;
	v34 =	vadd.s32 v8, v24;
	v18 =	vand.u32 $0x380, v18  }
0x1e5: {  	v29 =	vor.u32 v10, v29;
	v42 =	vadd.s32 v4, v12;
	v41 =	vand.u32 $0xFFFFF800, v41  }
0x1e6: {  	v19 =	vand.u32 $0x380, v19;
	v43 =	vor.u32 v36, v28;
	v26 =	vor.u32 v36, v26  }
0x1e7: {  	v48 =	vadd.s32 v7, v12;
	v22 =	vor.u32 v40, v22;
	v11 =	vor.u32 v40, v11  }
0x1e8: {  	_ =	swait.ge [sflag:s30], $0x2400;
	v27 =	vadd.s32 v4, v25;
	v33 =	vadd.s32 v8, v25;
	v16 =	vor.u32 v32, v30  }
0x1e9: {  	[sflag:s30] =	ssyncset.done $0x0;
	p2 =	slt.s32 s22, $0x41;
	v30 =	vshll.u32 v17, $0x8;
	v9 =	vor.u32 v3, v9;
	v39 =	vadd.s32 v6, v25  }
0x1ea: {  	[sflag:s30] =	ssyncadd.s32 $0xFFFFDC00;
	s3 =	simm.s32 @!p2 $0x2;
	v17 =	vshll.u32 v17, $0x7;
	v25 =	vadd.s32 v7, v25;
	v28 =	vadd.s32 v4, v41  }
0x1eb: {  	_ =	swait.ge @!p2 [sflag:s3], $0x2400;
	v29 =	vor.u32 v5, v29;
	v15 =	vor.u32 v36, v21;
	v21 =	vadd.s32 v7, v24  }
0x1ec: {  	[sflag:s3] =	ssyncset.done @!p2 $0x0;
	v22 =	vor.u32 v3, v22;
	v63 =	vor.u32 v32, v34;
	v13 =	vor.u32 v36, v13  }
0x1ed: {  	[sflag:s3] =	ssyncadd.s32 @!p2 $0xFFFFDC00;
	s3 =	simm.s32 @!p0 $0x6;
	v37 =	vand.u32 $0xFFFFF800, v30;
	v14 =	vor.u32 v3, v16;
	v16 =	vadd.s32 v6, v24  }
0x1ee: {  	v27 =	vor.u32 v18, v27;
	_ =	swait.ge @!p0 [sflag:s3], $0x2000;
	v28 =	vor.u32 v19, v28;
	v39 =	vor.u32 v18, v39  }
0x1ef: {  	v25 =	vor.u32 v18, v25;
	v21 =	vor.u32 v32, v21;
	v30 =	vadd.s32 v4, v37;
	[sflag:s3] =	ssyncset.done @!p0 $0x0  }
0x1f0: {  	v38 =	vadd.s32 v6, v37;
	v27 =	vor.u32 v3, v27;
	v45 =	vadd.s32 v7, v37;
	[sflag:s3] =	ssyncadd.s32 @!p0 $0xFFFFE000  }
0x1f1: {  	v46 =	vor.u32 v3, v28;
	v28 =	vadd.s32 v6, v41;
	v39 =	vor.u32 v5, v39;
	v44 =	vld.idx.msk [tilespmem:v9+s23+$0x0], $0xffff  }
0x1f2: {  	v16 =	vor.u32 v32, v16;
	v9 =	vor.u32 v40, v23;
	v23 =	vand.u32 $0x380, v17;
	v14 =	vld.idx.msk [tilespmem:v14+s23+$0x0], $0xffff  }
0x1f3: {  	v62 =	vor.u32 v2, v25;
	v21 =	vor.u32 v2, v21;
	v17 =	vor.u32 v23, v30  }
0x1f4: {  	v32 =	vor.u32 v18, v33;
	v33 =	vor.u32 v49, v48;
	v47 =	vor.u32 v3, v17  }
0x1f5: {  	s22 =	simm.s32 $0x14300;
	v18 =	vadd.s32 v8, v41;
	v28 =	vor.u32 v19, v28;
	v59 =	vor.u32 v5, v16;
	v27 =	vld.idx.msk [tilespmem:v27+s23+$0x0], $0xffff  }
0x1f6: {  	v16 =	vor.u32 v5, v28;
	v34 =	vld.idx.msk [tilespmem:v22+s23+$0x0], $0xffff;
	v22 =	vor.u32 v10, v35;
	[tilespmem:s22+$0xFFFFFE00] =	vst v44  }
0x1f7: {  	v30 =	vadd.s32 v7, v41;
	v60 =	vld.idx.msk [tilespmem:v46+s23+$0x0], $0xffff;
	[tilespmem:s22+$0x0] =	vst v14;
	v14 =	vor.u32 v3, v26  }
0x1f8: {  	v28 =	vor.u32 v23, v45;
	v22 =	vor.u32 v1, v22;
	v17 =	vor.u32 v23, v38;
	v44 =	vld.idx.msk [tilespmem:v29+s23+$0x0], $0xffff  }
0x1f9: {  	v24 =	vor.u32 v19, v30;
	v17 =	vor.u32 v5, v17;
	v26 =	vadd.s32 v7, v31;
	v47 =	vld.idx.msk [tilespmem:v47+s23+$0x0], $0xffff  }
0x1fa: {  	v31 =	vor.u32 v5, v15;
	v15 =	vor.u32 v40, v20;
	[tilespmem:s22+$0x180] =	vst v27;
	v30 =	vld.idx.msk [tilespmem:v59+s23+$0x0], $0xffff  }
0x1fb: {  	v20 =	vadd.s32 v8, v12;
	v29 =	vor.u32 v5, v15;
	v15 =	vadd.s32 v6, v12;
	v27 =	vld.idx.msk [tilespmem:v39+s23+$0x0], $0xffff  }
0x1fc: {  	v61 =	vor.u32 v10, v26;
	v12 =	vor.u32 v2, v24;
	v15 =	vor.u32 v49, v15;
	v14 =	vld.idx.msk [tilespmem:v14+s23+$0x0], $0xffff  }
0x1fd: {  	s31 =	sshll.u32 s24, $0x2;
	v26 =	vor.u32 v2, v43;
	[tilespmem:s22+$0x80] =	vst v60;
	v25 =	vor.u32 v5, v15;
	v15 =	vor.u32 v49, v42  }
0x1fe: {  	s3 =	sor.u32 s5, s31;
	v10 =	vor.u32 v19, v18;
	v19 =	vor.u32 v1, v13;
	v35 =	vor.u32 v3, v15;
	[tilespmem:s22+$0xFFFFFE10] =	vst v44  }
0x1ff: {  	s3 =	smul.u32 $0x60, s3;
	v18 =	vor.u32 v49, v20;
	v24 =	vor.u32 v2, v61;
	v15 =	vadd.s32 v8, v37;
	[tilespmem:s22+$0x100] =	vst v47  }
0x200: {  	v20 =	vor.u32 v2, v11;
	v10 =	vor.u32 v1, v10;
	v15 =	vor.u32 v23, v15;
	[tilespmem:s22+$0x190] =	vst v27  }
0x201: {  	s25 =	simm.s32 $0x0;
	s26 =	simm.s32 $0x14300;
	s24 =	sadd.s32 s20, s3;
	v13 =	vld.idx.msk [tilespmem:v62+s23+$0x0], $0xffff;
	[tilespmem:s22+$0xFFFFFE80] =	vst v14;
	v14 =	vor.u32 v1, v18;
	v18 =	vor.u32 v1, v63  }
.LBB2_7:
0x202: {  	s3 =	sadd.s32 s25, s21;
	s25 =	sadd.s32 $0x8, s25;
	v23 =	vld.idx.msk [tilespmem:v31+s23+$0x0], $0xffff;
	[tilespmem:s22+$0xFFFFFF00] =	vst v34;
	v9 =	vor.u32 v1, v9;
	v31 =	vor.u32 v1, v15;
	s26 =	sadd.s32 $0x400, s26  }
0x203: {  	v27 =	vor.u32 v2, v33;
	v28 =	vor.u32 v2, v28;
	v32 =	vor.u32 v1, v32;
	s13 =	sadd.s32 $0x8, s3;
	s29 =	sadd.s32 $0x9, s3;
	s31 =	sadd.s32 $0xA, s3;
	v15 =	vld.idx.msk [tilespmem:v35+s23+$0x0], $0xffff  }
0x204: {  	v33 =	vmov s13;
	v34 =	vmov s29;
	v35 =	vmov s31;
	s13 =	sadd.s32 $0xB, s3;
	s29 =	sadd.s32 $0xC, s3;
	s31 =	sadd.s32 $0xD, s3;
	v24 =	vld.idx.msk [tilespmem:v24+s23+$0x0], $0xffff  }
0x205: {  	p2 =	slt.u32 s25, $0x38;
	v11 =	vshll.u32 v33, $0x7;
	v36 =	vmov s13;
	v37 =	vmov s29;
	s13 =	sadd.s32 $0xE, s3;
	s3 =	sadd.s32 $0xF, s3;
	[tilespmem:s22+$0x10] =	vst v30;
	v30 =	vld.idx.msk [tilespmem:v16+s23+$0x0], $0xffff  }
0x206: {  	v11 =	vand.u32 $0x380, v11;
	v38 =	vmov s13;
	v39 =	vmov s3;
	v29 =	vld.idx.msk [tilespmem:v29+s23+$0x0], $0xffff  }
0x207: {  	v16 =	vshll.u32 v34, $0x8;
	v40 =	vshll.u32 v35, $0x8;
	v41 =	vmov s31;
	v17 =	vld.idx.msk [tilespmem:v17+s23+$0x0], $0xffff;
	[tilespmem:s22+$0x1A0] =	vst v13  }
0x208: {  	v33 =	vshll.u32 v33, $0x8;
	v42 =	vand.u32 $0xFFFFF800, v16;
	v40 =	vand.u32 $0xFFFFF800, v40;
	[tilespmem:s22+$0xFFFFFE90] =	vst v23;
	v43 =	vld.idx.msk [tilespmem:v21+s23+$0x0], $0xffff  }
0x209: {  	v16 =	vadd.s32 v4, v40;
	v44 =	vadd.s32 v8, v40;
	v21 =	vshll.u32 v39, $0x8;
	v26 =	vld.idx.msk [tilespmem:v26+s23+$0x0], $0xffff;
	[tilespmem:s22+$0xFFFFFF80] =	vst v15  }
0x20a: {  	v13 =	vadd.s32 v7, v40;
	v23 =	vshll.u32 v37, $0x8;
	v45 =	vand.u32 $0xFFFFF800, v21;
	[tilespmem:s22+$0xFFFFFE20] =	vst v24;
	v46 =	vld.idx.msk [tilespmem:v25+s23+$0x0], $0xffff  }
0x20b: {  	v47 =	vadd.s32 v4, v42;
	v15 =	vadd.s32 v8, v42;
	v48 =	vadd.s32 v4, v45;
	v32 =	vld.idx.msk [tilespmem:v32+s23+$0x0], $0xffff  }
0x20c: {  	v49 =	vadd.s32 v7, v42;
	v21 =	vand.u32 $0xFFFFF800, v23;
	v23 =	vshll.u32 v37, $0x7;
	v37 =	vld.idx.msk [tilespmem:v22+s23+$0x0], $0xffff;
	[tilespmem:s22+$0xFFFFFF10] =	vst v29  }
0x20d: {  	v24 =	vadd.s32 v4, v21;
	v29 =	vadd.s32 v6, v42;
	v42 =	vshll.u32 v36, $0x8;
	v50 =	vld.idx.msk [tilespmem:v20+s23+$0x0], $0xffff;
	[tilespmem:s22+$0x110] =	vst v17  }
0x20e: {  	v33 =	vand.u32 $0xFFFFF800, v33;
	v25 =	vand.u32 $0x380, v23;
	v22 =	vadd.s32 v8, v45;
	[tilespmem:s22+$0x90] =	vst v30;
	v17 =	vld.idx.msk [tilespmem:v28+s23+$0x0], $0xffff  }
0x20f: {  	v20 =	vadd.s32 v4, v33;
	v30 =	vadd.s32 v6, v40;
	v28 =	vor.u32 v25, v24;
	v12 =	vld.idx.msk [tilespmem:v12+s23+$0x0], $0xffff  }
0x210: {  	v23 =	vshll.u32 v34, $0x7;
	v34 =	vshll.u32 v38, $0x8;
	v24 =	vadd.s32 v8, v33;
	[tilespmem:s22+$0xFFFFFF90] =	vst v46  }
0x211: {  	v40 =	vor.u32 v11, v20;
	v20 =	vand.u32 $0x380, v23;
	v23 =	vand.u32 $0xFFFFF800, v34;
	[tilespmem:s22+$0xFFFFFEA0] =	vst v26;
	v26 =	vld.idx.msk [tilespmem:v27+s23+$0x0], $0xffff  }
0x212: {  	v34 =	vor.u32 v3, v40;
	v28 =	vor.u32 v3, v28;
	v27 =	vshll.u32 v35, $0x7;
	[tilespmem:s22+$0xFFFFFE30] =	vst v37;
	v19 =	vld.idx.msk [tilespmem:v19+s23+$0x0], $0xffff  }
0x213: {  	v40 =	vadd.s32 v4, v23;
	v35 =	vadd.s32 v6, v21;
	v37 =	vadd.s32 v8, v21;
	[tilespmem:s22+$0xFFFFFF20] =	vst v50  }
0x214: {  	v39 =	vshll.u32 v39, $0x7;
	v46 =	vadd.s32 v6, v23;
	v50 =	vadd.s32 v6, v45;
	v9 =	vld.idx.msk [tilespmem:v9+s23+$0x0], $0xffff;
	[tilespmem:s22+$0x120] =	vst v17  }
0x215: {  	v39 =	vand.u32 $0x380, v39;
	v42 =	vand.u32 $0xFFFFF800, v42;
	v27 =	vand.u32 $0x380, v27;
	[tilespmem:s22+$0x20] =	vst v43;
	v17 =	vld.idx.msk [tilespmem:v31+s23+$0x0], $0xffff  }
0x216: {  	v36 =	vshll.u32 v36, $0x7;
	v31 =	vadd.s32 v6, v33;
	v43 =	vor.u32 v39, v48;
	v18 =	vld.idx.msk [tilespmem:v18+s23+$0x0], $0xffff;
	[tilespmem:s22+$0xA0] =	vst v12  }
0x217: {  	v12 =	vor.u32 v11, v31;
	v31 =	vshll.u32 v38, $0x7;
	v38 =	vor.u32 v3, v43;
	[tilespmem:s22+$0xFFFFFFA0] =	vst v26;
	v10 =	vld.idx.msk [tilespmem:v10+s23+$0x0], $0xffff  }
0x218: {  	v43 =	vadd.s32 v4, v42;
	v26 =	vshll.u32 v41, $0x8;
	v41 =	vshll.u32 v41, $0x7;
	[tilespmem:s22+$0xFFFFFEB0] =	vst v19;
	v14 =	vld.idx.msk [tilespmem:v14+s23+$0x0], $0xffff  }
0x219: {  	v48 =	vand.u32 $0xFFFFF800, v26;
	v41 =	vand.u32 $0x380, v41;
	v26 =	vadd.s32 v7, v45;
	v19 =	vld.idx.msk [tilespmem:v34+s23+$0x0], $0xffff;
	[tilespmem:s22+$0x1B0] =	vst v32  }
0x21a: {  	v32 =	vor.u32 v20, v49;
	v34 =	vadd.s32 v4, v48;
	v28 =	vld.idx.msk [tilespmem:v28+s23+$0x0], $0xffff;
	[tilespmem:s22+$0xFFFFFF30] =	vst v9  }
0x21b: {  	v12 =	vor.u32 v5, v12;
	v45 =	vor.u32 v39, v50;
	v34 =	vor.u32 v41, v34;
	[tilespmem:s22+$0x130] =	vst v17  }
0x21c: {  	v9 =	vor.u32 v27, v44;
	v44 =	vand.u32 $0x380, v31;
	v31 =	vadd.s32 v7, v23;
	v38 =	vld.idx.msk [tilespmem:v38+s23+$0x0], $0xffff;
	[tilespmem:s22+$0x30] =	vst v18  }
0x21d: {  	v26 =	vor.u32 v39, v26;
	v17 =	vor.u32 v3, v34;
	v18 =	vor.u32 v44, v40;
	[tilespmem:s22+$0xB0] =	vst v10  }
0x21e: {  	v34 =	vadd.s32 v7, v48;
	v40 =	vor.u32 v5, v45;
	v10 =	vadd.s32 v6, v48;
	[tilespmem:s22+$0xFFFFFFB0] =	vst v14;
	s22 =	smov.u32 s26  }
0x21f: {  	v18 =	vor.u32 v3, v18;
	v14 =	vor.u32 v20, v47;
	v10 =	vor.u32 v41, v10;
	[tilespmem:s26+$0xFFFFFE00] =	vst v19  }
0x220: {  	v45 =	vadd.s32 v7, v42;
	v19 =	vld.idx.msk [tilespmem:v12+s23+$0x0], $0xffff;
	v12 =	vor.u32 v25, v35;
	v35 =	vor.u32 v44, v46  }
0x221: {  	v46 =	vor.u32 v27, v16;
	v16 =	vor.u32 v5, v10;
	[tilespmem:s26+$0x0] =	vst v28;
	v12 =	vor.u32 v5, v12  }
0x222: {  	v10 =	vor.u32 v3, v14;
	v14 =	vand.u32 $0x380, v36;
	v36 =	vld.idx.msk [tilespmem:v17+s23+$0x0], $0xffff;
	v17 =	vor.u32 v5, v35;
	[tilespmem:s26+$0x180] =	vst v38  }
0x223: {  	v29 =	vor.u32 v20, v29;
	v21 =	vadd.s32 v7, v21;
	v34 =	vor.u32 v41, v34;
	v35 =	vld.idx.msk [tilespmem:v40+s23+$0x0], $0xffff  }
0x224: {  	v21 =	vor.u32 v25, v21;
	v33 =	vadd.s32 v7, v33;
	v28 =	vor.u32 v44, v31  }
0x225: {  	v38 =	vor.u32 v11, v33;
	v33 =	vor.u32 v3, v46;
	v40 =	vor.u32 v2, v26;
	v18 =	vld.idx.msk [tilespmem:v18+s23+$0x0], $0xffff  }
0x226: {  	v31 =	vor.u32 v5, v29;
	v46 =	vadd.s32 v8, v42;
	v26 =	vor.u32 v27, v30  }
0x227: {  	v29 =	vor.u32 v5, v26;
	v26 =	vadd.s32 v6, v42;
	v30 =	vld.idx.msk [tilespmem:v12+s23+$0x0], $0xffff;
	v12 =	vor.u32 v2, v34  }
0x228: {  	v37 =	vor.u32 v25, v37;
	v21 =	vor.u32 v2, v21;
	v42 =	vld.idx.msk [tilespmem:v10+s23+$0x0], $0xffff;
	v10 =	vor.u32 v14, v26  }
0x229: {  	v26 =	vor.u32 v2, v32;
	v32 =	vor.u32 v39, v22;
	v25 =	vor.u32 v5, v10;
	[tilespmem:s26+$0x190] =	vst v35  }
0x22a: {  	v22 =	vadd.s32 v8, v48;
	v10 =	vor.u32 v14, v43;
	v34 =	vld.idx.msk [tilespmem:v33+s23+$0x0], $0xffff;
	v33 =	vor.u32 v14, v45  }
.Ltmp4:
0x22b: {  	v11 =	vor.u32 v11, v24;
	v35 =	vor.u32 v3, v10;
	v10 =	vor.u32 v41, v22;
	[tilespmem:s26+$0x100] =	vst v18;
	(pc) =	sbr.rel @p2 .LBB2_7-.Ltmp4, $4  }
0x22c: {  	v24 =	vor.u32 v2, v38;
	v10 =	vor.u32 v1, v10;
	v18 =	vadd.s32 v8, v23;
	[tilespmem:s26+$0x80] =	vst v36  }
0x22d: {  	v22 =	vor.u32 v1, v11;
	v11 =	vor.u32 v20, v15;
	v15 =	vor.u32 v44, v18;
	[tilespmem:s26+$0xFFFFFE10] =	vst v19  }
0x22e: {  	v14 =	vor.u32 v14, v46;
	v19 =	vor.u32 v1, v11;
	v11 =	vor.u32 v27, v13;
	v13 =	vld.idx.msk [tilespmem:v40+s23+$0x0], $0xffff  }
0x22f: {  	v14 =	vor.u32 v1, v14;
	v18 =	vor.u32 v1, v37;
	v20 =	vor.u32 v2, v11;
	[tilespmem:s26+$0xFFFFFE80] =	vst v42  }
0x230: {  	_ =	sdelay $0x3  }
0x231: {  	v3 =	vld.idx.msk [tilespmem:v35+s23+$0x0], $0xffff  }
0x232: {  	v4 =	vld.idx.msk [tilespmem:v31+s23+$0x0], $0xffff  }
0x233: {  	[tilespmem:s22+$0xFFFFFF00] =	vst v34;
	v5 =	vld.idx.msk [tilespmem:v24+s23+$0x0], $0xffff;
	v60 =	vor.u32 v1, v32  }
0x234: {  	[tilespmem:s22+$0x10] =	vst v30;
	v7 =	vld.idx.msk [tilespmem:v17+s23+$0x0], $0xffff  }
0x235: {  	v11 =	vld.idx.msk [tilespmem:v16+s23+$0x0], $0xffff;
	[tilespmem:s22+$0x1A0] =	vst v13  }
0x236: {  	v8 =	vor.u32 v2, v28;
	v6 =	vld.idx.msk [tilespmem:v29+s23+$0x0], $0xffff;
	[tilespmem:s22+$0xFFFFFF80] =	vst v3  }
0x237: {  	v61 =	vld.idx.msk [tilespmem:v21+s23+$0x0], $0xffff;
	[tilespmem:s22+$0xFFFFFE90] =	vst v4  }
0x238: {  	[tilespmem:s22+$0xFFFFFE20] =	vst v5;
	v62 =	vld.idx.msk [tilespmem:v60+s23+$0x0], $0xffff  }
0x239: {  	[tilespmem:s22+$0x110] =	vst v7;
	v3 =	vld.idx.msk [tilespmem:v25+s23+$0x0], $0xffff  }
0x23a: {  	v2 =	vor.u32 v2, v33;
	[tilespmem:s22+$0x90] =	vst v11;
	v4 =	vld.idx.msk [tilespmem:v26+s23+$0x0], $0xffff  }
0x23b: {  	[tilespmem:s22+$0xFFFFFF10] =	vst v6;
	v8 =	vld.idx.msk [tilespmem:v8+s23+$0x0], $0xffff  }
0x23c: {  	v9 =	vor.u32 v1, v9;
	v1 =	vor.u32 v1, v15;
	[tilespmem:s22+$0x20] =	vst v61;
	v6 =	vld.idx.msk [tilespmem:v20+s23+$0x0], $0xffff  }
0x23d: {  	v5 =	vld.idx.msk [tilespmem:v22+s23+$0x0], $0xffff;
	[tilespmem:s22+$0x1B0] =	vst v62  }
0x23e: {  	[tilespmem:s22+$0xFFFFFF90] =	vst v3;
	v3 =	vld.idx.msk [tilespmem:v12+s23+$0x0], $0xffff  }
0x23f: {  	[tilespmem:s22+$0xFFFFFEA0] =	vst v4;
	v2 =	vld.idx.msk [tilespmem:v2+s23+$0x0], $0xffff  }
0x240: {  	[tilespmem:s22+$0x120] =	vst v8;
	v4 =	vld.idx.msk [tilespmem:v19+s23+$0x0], $0xffff  }
0x241: {  	[tilespmem:s22+$0xFFFFFF20] =	vst v6;
	v1 =	vld.idx.msk [tilespmem:v1+s23+$0x0], $0xffff  }
0x242: {  	[tilespmem:s22+$0xFFFFFE30] =	vst v5;
	v6 =	vld.idx.msk [tilespmem:v9+s23+$0x0], $0xffff  }
0x243: {  	[tilespmem:s22+$0xA0] =	vst v3;
	v3 =	vld.idx.msk [tilespmem:v18+s23+$0x0], $0xffff  }
0x244: {  	[tilespmem:s22+$0xFFFFFFA0] =	vst v2;
	v2 =	vld.idx.msk [tilespmem:v10+s23+$0x0], $0xffff  }
0x245: {  	[tilespmem:s22+$0xFFFFFEB0] =	vst v4;
	v63 =	vld.idx.msk [tilespmem:v14+s23+$0x0], $0xffff  }
0x246: {  	[tilespmem:s22+$0x130] =	vst v1  }
.Ltmp5:
0x247: {  	[tilespmem:s22+$0xFFFFFF30] =	vst v6;
	(pc) =	sbr.rel @p1 .LBB2_10-.Ltmp5, $4  }
0x248: {  	s3 =	sshll.u32 s24, $0xA;
	[tilespmem:s22+$0x30] =	vst v3  }
0x249: {  	s3 =	sand.u32 $0x1FFFFC00, s3;
	[tilespmem:s22+$0xB0] =	vst v2  }
0x24a: {  	s13 =	simm.s32 $0x14100;
	s3 =	sadd.s32 s7, s3;
	[tilespmem:s22+$0xFFFFFFB0] =	vst v63  }
0x24b: {  	[hbm4b:s3+s6] =	stream.linear.scatter [tilespmem:s13], [sflag:$0x6], $0x2000, $0x38;
	[tilespmem:$0x1A100] =	vst v63  }
0x24c: {  	v1 =	vld [tilespmem:$0x0]  }
0x24d: {  	s3 =	sadd.s32 $0x5, s12;
	v2 =	vld [tilespmem:$0x80]  }
0x24e: {  	s13 =	sand.u32 $0xD, s3  }
0x24f: {  	v3 =	vmov s13  }
0x250: {  	vm4 =	veq.s32 v3, v0  }
0x251: {  	v1 =	vnsel vm4, $0x0, v1  }
0x252: {  	(xrf0) =	vadd.scan.msk.s32 $0xffff, v1;
	v1 =	vnsel vm4, $0x0, v2  }
0x253: {  	(xrf0) =	vadd.scan.msk.s32 $0xffff, v1;
	_ =	sdelay $0x4  }
0x254: {  	v1, _, _ =	vpop (xrf0)  }
0x255: {  	(v2sf) =	vpush v1, $0xF;
	v1, _, _ =	vpop (xrf0)  }
0x256: {  	(v2sf) =	vpush v1, $0xF;
	_ =	sdelay $0x8  }
0x257: {  	s25 =	sshrl.u32 s3, $0x4  }
0x258: {  	s13 =	sand.u32 $0x3, s25  }
0x259: {  	s3 =	sshrl.u32 s3, $0x6;
	s13 =	smul.u32 $0x60, s13  }
0x25a: {  	s3 =	sadd.s32 s8, s3  }
0x25b: {  	s3 =	sadd.s32 s13, s3  }
0x25c: {  	s3 =	sshll.u32 s3, $0x9;
	s26 =	spop (v2sf)  }
0x25d: {  	s21 =	spop (v2sf);
	s3 =	sadd.s32 s3, s26  }
0x25e: {  	s3 =	sand.u32 $0xFFFFFFF8, s3;
	s13 =	sand.u32 $0xFFFFFF80, s21  }
0x25f: {  	p2 =	slt.s32 s3, $0x2FFB8;
	p3 =	slt.s32 s13, $0x100  }
0x260: {  	s3 =	simm.s32 @!p2 $0x2FFB8;
	s13 =	simm.s32 @!p3 $0x100  }
0x261: {  	s22 =	sshll.u32 s3, $0x6;
	s24 =	sadd.s32 s1, s13  }
0x262: {  	s22 =	sadd.s32 s22, s24  }
0x263: {  	[tilespmem:s23], [sflag:$0x2] =	stream.linear.gather [hbm4b:s22+s6], $0x400, $0x38;
	[tilespmem:$0x1A100] =	vst v63  }
0x264: {  	s25 =	simm.s32 $0x5100;
	s24 =	sadd.s32 $0x200, s22  }
0x265: {  	[tilespmem:s25], [sflag:$0x2] =	stream.linear.gather [hbm4b:s24+s6], $0x400, $0x38;
	[tilespmem:$0x1A100] =	vst v63  }
0x266: {  	s31 =	simm.s32 $0x5900;
	s21 =	ssub.s32 s21, s13;
	s29 =	sadd.s32 $0x400, s22  }
0x267: {  	[tilespmem:s31], [sflag:$0x2] =	stream.linear.gather [hbm4b:s29+s6], $0x400, $0x38;
	[tilespmem:$0x1A100] =	vst v63  }
0x268: {  	s26 =	simm.s32 $0x6100;
	p2 =	slt.s32 s21, $0x41;
	s25 =	sadd.s32 $0x600, s22  }
0x269: {  	[tilespmem:s26], [sflag:$0x2] =	stream.linear.gather [hbm4b:s25+s6], $0x400, $0x38;
	[tilespmem:$0x1A100] =	vst v63  }
0x26a: {  	s3 =	sshll.u32 @!p2 s3, $0x9;
	s29 =	sadd.s32 $0x800, s22;
	s31 =	simm.s32 $0x6900  }
0x26b: {  	[tilespmem:s31], [sflag:$0x2] =	stream.linear.gather [hbm4b:s29+s6], $0x400, $0x38;
	[tilespmem:$0x1A100] =	vst v63  }
0x26c: {  	s13 =	sshll.u32 @!p2 s13, $0x3;
	s25 =	sadd.s32 $0xA00, s22;
	s26 =	simm.s32 $0x7100  }
0x26d: {  	[tilespmem:s26], [sflag:$0x2] =	stream.linear.gather [hbm4b:s25+s6], $0x400, $0x38;
	[tilespmem:$0x1A100] =	vst v63  }
0x26e: {  	s3 =	sadd.s32 @!p2 s3, s13;
	s29 =	sadd.s32 $0xC00, s22;
	s31 =	simm.s32 $0x7900  }
0x26f: {  	[tilespmem:s31], [sflag:$0x2] =	stream.linear.gather [hbm4b:s29+s6], $0x400, $0x38;
	[tilespmem:$0x1A100] =	vst v63  }
0x270: {  	s3 =	sadd.s32 @!p2 $0x400, s3;
	s26 =	sadd.s32 $0xE00, s22;
	s29 =	simm.s32 $0x8100  }
0x271: {  	[tilespmem:s29], [sflag:$0x2] =	stream.linear.gather [hbm4b:s26+s6], $0x400, $0x38;
	[tilespmem:$0x1A100] =	vst v63  }
0x272: {  	s3 =	sshrl.u32 @!p2 s3, $0x3;
	s22 =	sadd.s32 $0x1000, s22;
	s31 =	simm.s32 $0x8900  }
0x273: {  	[tilespmem:s31], [sflag:$0x2] =	stream.linear.gather [hbm4b:s22+s6], $0x400, $0x38;
	[tilespmem:$0x1A100] =	vst v63  }
0x274: {  	s21 =	simm.s32 @!p2 $0x4D00;
	s13 =	simm.s32 @!p2 $0x0;
	s3 =	sadd.s32 @!p2 s1, s3  }
0x275: {  	[tilespmem:s21], [sflag:$0x2] =	stream.linear.gather @!p2 [hbm4b:s3+s13], $0x400, $0x38;
	[tilespmem:$0x1A100] =	vst v63  }
0x276: {  	s22 =	simm.s32 @!p2 $0x5500;
	s21 =	sadd.s32 @!p2 $0x200, s3  }
0x277: {  	[tilespmem:s22], [sflag:$0x2] =	stream.linear.gather @!p2 [hbm4b:s21+s13], $0x400, $0x38;
	[tilespmem:$0x1A100] =	vst v63  }
0x278: {  	s21 =	sadd.s32 @!p2 $0x400, s3;
	s22 =	simm.s32 @!p2 $0x5D00  }
0x279: {  	[tilespmem:s22], [sflag:$0x2] =	stream.linear.gather @!p2 [hbm4b:s21+s13], $0x400, $0x38;
	[tilespmem:$0x1A100] =	vst v63  }
0x27a: {  	s21 =	sadd.s32 @!p2 $0x600, s3;
	s22 =	simm.s32 @!p2 $0x6500  }
0x27b: {  	[tilespmem:s22], [sflag:$0x2] =	stream.linear.gather @!p2 [hbm4b:s21+s13], $0x400, $0x38;
	[tilespmem:$0x1A100] =	vst v63  }
0x27c: {  	s21 =	sadd.s32 @!p2 $0x800, s3;
	s22 =	simm.s32 @!p2 $0x6D00  }
0x27d: {  	[tilespmem:s22], [sflag:$0x2] =	stream.linear.gather @!p2 [hbm4b:s21+s13], $0x400, $0x38;
	[tilespmem:$0x1A100] =	vst v63  }
0x27e: {  	s21 =	sadd.s32 @!p2 $0xA00, s3;
	s22 =	simm.s32 @!p2 $0x7500  }
0x27f: {  	[tilespmem:s22], [sflag:$0x2] =	stream.linear.gather @!p2 [hbm4b:s21+s13], $0x400, $0x38;
	[tilespmem:$0x1A100] =	vst v63  }
0x280: {  	s21 =	sadd.s32 @!p2 $0xC00, s3;
	s22 =	simm.s32 @!p2 $0x7D00  }
0x281: {  	[tilespmem:s22], [sflag:$0x2] =	stream.linear.gather @!p2 [hbm4b:s21+s13], $0x400, $0x38;
	[tilespmem:$0x1A100] =	vst v63  }
0x282: {  	s21 =	sadd.s32 @!p2 $0xE00, s3;
	s22 =	simm.s32 @!p2 $0x8500  }
0x283: {  	[tilespmem:s22], [sflag:$0x2] =	stream.linear.gather @!p2 [hbm4b:s21+s13], $0x400, $0x38;
	[tilespmem:$0x1A100] =	vst v63  }
0x284: {  	s3 =	sadd.s32 @!p2 $0x1000, s3;
	s21 =	simm.s32 @!p2 $0x8D00  }
0x285: {  	[tilespmem:s21], [sflag:$0x2] =	stream.linear.gather @!p2 [hbm4b:s3+s13], $0x400, $0x38;
	[tilespmem:$0x1A100] =	vst v63  }
.LBB2_10:
0x286: {  	v1 =	vld [tilespmem:$0x0]  }
0x287: {  	v2 =	vld [tilespmem:$0x80]  }
0x288: {  	s24 =	sor.u32 $0x2, s18  }
0x289: {  	v3 =	vmov s24  }
0x28a: {  	vm4 =	veq.s32 v3, v0  }
0x28b: {  	v1 =	vnsel vm4, $0x0, v1  }
0x28c: {  	(xrf0) =	vadd.scan.msk.s32 $0xffff, v1;
	v1 =	vnsel vm4, $0x0, v2  }
0x28d: {  	(xrf0) =	vadd.scan.msk.s32 $0xffff, v1;
	_ =	sdelay $0x4  }
0x28e: {  	v1, _, _ =	vpop (xrf0)  }
0x28f: {  	(v2sf) =	vpush v1, $0xF;
	v1, _, _ =	vpop (xrf0)  }
0x290: {  	(v2sf) =	vpush v1, $0xF;
	_ =	sdelay $0xd  }
0x291: {  	s3 =	spop (v2sf)  }
0x292: {  	s13 =	spop (v2sf)  }
0x293: {  	s21 =	sand.u32 $0xFFFFFF80, s13  }
0x294: {  	p2 =	slt.s32 s21, $0x100  }
0x295: {  	s21 =	simm.s32 @!p2 $0x100  }
0x296: {  	s22 =	ssub.s32 s13, s21  }
0x297: {  	s31 =	sadd.s32 s19, s3;
	s13 =	sadd.s32 $0x10, s22;
	s25 =	sadd.s32 $0x20, s22  }
0x298: {  	s3 =	sadd.s32 s3, s10;
	s21 =	sand.u32 $0xFFFFFFF8, s31;
	v1 =	vadd.s32 s22, v0;
	s26 =	sadd.s32 $0x30, s22;
	v2 =	vadd.s32 s13, v0;
	v7 =	vadd.s32 s25, v0  }
0x299: {  	s3 =	sadd.s32 s16, s3;
	p2 =	slt.s32 s21, $0x2FFB8;
	v8 =	vadd.s32 s26, v0;
	v3 =	vand.u32 $0x7F, v1;
	v1 =	vshll.u32 v1, $0x3  }
0x29a: {  	s3 =	sadd.s32 s15, s3;
	s21 =	simm.s32 @!p2 $0x2FFB8;
	v4 =	vand.u32 $0xFFFFFC00, v1;
	v5 =	vand.u32 $0x7F, v2;
	v1 =	vshll.u32 v2, $0x3  }
0x29b: {  	s21 =	ssub.s32 s3, s21;
	v2 =	vand.u32 $0x7F, v7;
	v6 =	vand.u32 $0xFFFFFC00, v1;
	v1 =	vshll.u32 v7, $0x3  }
0x29c: {  	s3 =	sadd.s32 $0xFFFFFFF8, s21;
	v7 =	vand.u32 $0xFFFFFC00, v1;
	v1 =	vand.u32 $0x7F, v8;
	v8 =	vshll.u32 v8, $0x3  }
0x29d: {  	s29 =	sadd.s32 $0x8, s3;
	s31 =	sadd.s32 $0x9, s3;
	s26 =	sadd.s32 $0xA, s3;
	v8 =	vand.u32 $0xFFFFFC00, v8  }
0x29e: {  	v9 =	vmov s29;
	v12 =	vmov s31;
	s29 =	sadd.s32 $0xB, s3;
	v14 =	vmov s26;
	s31 =	sadd.s32 $0xC, s3  }
0x29f: {  	s26 =	sadd.s32 $0xE, s3;
	v10 =	vshll.u32 v9, $0x7;
	v15 =	vmov s29;
	v16 =	vmov s31  }
0x2a0: {  	v17 =	vmov s26;
	v11 =	vshll.u32 v12, $0x8;
	v13 =	vshll.u32 v14, $0x8  }
0x2a1: {  	s29 =	sadd.s32 $0xF, s3;
	s3 =	sadd.s32 $0xD, s3;
	v9 =	vshll.u32 v9, $0x8;
	v12 =	vshll.u32 v12, $0x7;
	v10 =	vand.u32 $0x380, v10  }
0x2a2: {  	v18 =	vmov s29;
	v19 =	vmov s3;
	v20 =	vand.u32 $0xFFFFF800, v13  }
0x2a3: {  	v21 =	vand.u32 $0xFFFFF800, v11;
	v24 =	vshll.u32 v16, $0x8;
	v16 =	vshll.u32 v16, $0x7  }
0x2a4: {  	v29 =	vshll.u32 v15, $0x8;
	v31 =	vand.u32 $0xFFFFF800, v9;
	v36 =	vand.u32 $0x380, v12  }
0x2a5: {  	v12 =	vshll.u32 v14, $0x7;
	v15 =	vshll.u32 v15, $0x7;
	v22 =	vadd.s32 v4, v20  }
0x2a6: {  	v23 =	vadd.s32 v8, v20;
	v13 =	vshll.u32 v18, $0x8;
	v11 =	vadd.s32 v7, v20  }
0x2a7: {  	v26 =	vadd.s32 v4, v21;
	v28 =	vadd.s32 v7, v21;
	v24 =	vand.u32 $0xFFFFF800, v24  }
0x2a8: {  	v32 =	vand.u32 $0x380, v16;
	v9 =	vadd.s32 v4, v31;
	v20 =	vadd.s32 v6, v20  }
0x2a9: {  	v35 =	vadd.s32 v8, v31;
	v18 =	vshll.u32 v18, $0x7;
	v40 =	vand.u32 $0x380, v12  }
0x2aa: {  	v12 =	vand.u32 $0xFFFFF800, v29;
	v29 =	vadd.s32 v6, v31;
	v41 =	vshll.u32 v19, $0x8  }
0x2ab: {  	v19 =	vshll.u32 v19, $0x7;
	v49 =	vand.u32 $0x380, v15;
	v25 =	vand.u32 $0xFFFFF800, v13  }
0x2ac: {  	v13 =	vadd.s32 v8, v21;
	v21 =	vadd.s32 v6, v21;
	v30 =	vadd.s32 v4, v24  }
0x2ad: {  	v9 =	vor.u32 v10, v9;
	v34 =	vadd.s32 v8, v24;
	v18 =	vand.u32 $0x380, v18  }
0x2ae: {  	v29 =	vor.u32 v10, v29;
	v42 =	vadd.s32 v4, v12;
	v41 =	vand.u32 $0xFFFFF800, v41  }
0x2af: {  	v19 =	vand.u32 $0x380, v19;
	v43 =	vor.u32 v36, v28;
	v26 =	vor.u32 v36, v26  }
0x2b0: {  	v48 =	vadd.s32 v7, v12;
	v22 =	vor.u32 v40, v22;
	v11 =	vor.u32 v40, v11  }
0x2b1: {  	_ =	swait.ge [sflag:s2], $0x2400;
	v27 =	vadd.s32 v4, v25;
	v33 =	vadd.s32 v8, v25;
	v16 =	vor.u32 v32, v30  }
0x2b2: {  	[sflag:s2] =	ssyncset.done $0x0;
	p2 =	slt.s32 s22, $0x41;
	v30 =	vshll.u32 v17, $0x8;
	v9 =	vor.u32 v3, v9;
	v39 =	vadd.s32 v6, v25  }
0x2b3: {  	[sflag:s2] =	ssyncadd.s32 $0xFFFFDC00;
	s3 =	simm.s32 @!p2 $0x3;
	v17 =	vshll.u32 v17, $0x7;
	v25 =	vadd.s32 v7, v25;
	v28 =	vadd.s32 v4, v41  }
0x2b4: {  	_ =	swait.ge @!p2 [sflag:s3], $0x2400;
	v29 =	vor.u32 v5, v29;
	v15 =	vor.u32 v36, v21;
	v21 =	vadd.s32 v7, v24  }
0x2b5: {  	[sflag:s3] =	ssyncset.done @!p2 $0x0;
	v22 =	vor.u32 v3, v22;
	v63 =	vor.u32 v32, v34;
	v13 =	vor.u32 v36, v13  }
0x2b6: {  	[sflag:s3] =	ssyncadd.s32 @!p2 $0xFFFFDC00;
	s3 =	simm.s32 @!p0 $0x7;
	v37 =	vand.u32 $0xFFFFF800, v30;
	v14 =	vor.u32 v3, v16;
	v16 =	vadd.s32 v6, v24  }
0x2b7: {  	v27 =	vor.u32 v18, v27;
	_ =	swait.ge @!p0 [sflag:s3], $0x2000;
	v28 =	vor.u32 v19, v28;
	v39 =	vor.u32 v18, v39  }
0x2b8: {  	v25 =	vor.u32 v18, v25;
	v21 =	vor.u32 v32, v21;
	v30 =	vadd.s32 v4, v37;
	[sflag:s3] =	ssyncset.done @!p0 $0x0  }
0x2b9: {  	v38 =	vadd.s32 v6, v37;
	v27 =	vor.u32 v3, v27;
	v45 =	vadd.s32 v7, v37;
	[sflag:s3] =	ssyncadd.s32 @!p0 $0xFFFFE000  }
0x2ba: {  	v46 =	vor.u32 v3, v28;
	v28 =	vadd.s32 v6, v41;
	v39 =	vor.u32 v5, v39;
	v44 =	vld.idx.msk [tilespmem:v9+s0+$0x0], $0xffff  }
0x2bb: {  	v16 =	vor.u32 v32, v16;
	v9 =	vor.u32 v40, v23;
	v23 =	vand.u32 $0x380, v17;
	v14 =	vld.idx.msk [tilespmem:v14+s0+$0x0], $0xffff  }
0x2bc: {  	v62 =	vor.u32 v2, v25;
	v21 =	vor.u32 v2, v21;
	v17 =	vor.u32 v23, v30  }
0x2bd: {  	v32 =	vor.u32 v18, v33;
	v33 =	vor.u32 v49, v48;
	v47 =	vor.u32 v3, v17  }
0x2be: {  	s22 =	simm.s32 $0x16300;
	v18 =	vadd.s32 v8, v41;
	v28 =	vor.u32 v19, v28;
	v59 =	vor.u32 v5, v16;
	v27 =	vld.idx.msk [tilespmem:v27+s0+$0x0], $0xffff  }
0x2bf: {  	v16 =	vor.u32 v5, v28;
	v34 =	vld.idx.msk [tilespmem:v22+s0+$0x0], $0xffff;
	v22 =	vor.u32 v10, v35;
	[tilespmem:s22+$0xFFFFFE00] =	vst v44  }
0x2c0: {  	v30 =	vadd.s32 v7, v41;
	v60 =	vld.idx.msk [tilespmem:v46+s0+$0x0], $0xffff;
	[tilespmem:s22+$0x0] =	vst v14;
	v14 =	vor.u32 v3, v26  }
0x2c1: {  	v28 =	vor.u32 v23, v45;
	v22 =	vor.u32 v1, v22;
	v17 =	vor.u32 v23, v38;
	v44 =	vld.idx.msk [tilespmem:v29+s0+$0x0], $0xffff  }
0x2c2: {  	v24 =	vor.u32 v19, v30;
	v17 =	vor.u32 v5, v17;
	v26 =	vadd.s32 v7, v31;
	v47 =	vld.idx.msk [tilespmem:v47+s0+$0x0], $0xffff  }
0x2c3: {  	v31 =	vor.u32 v5, v15;
	v15 =	vor.u32 v40, v20;
	[tilespmem:s22+$0x180] =	vst v27;
	v30 =	vld.idx.msk [tilespmem:v59+s0+$0x0], $0xffff  }
0x2c4: {  	v20 =	vadd.s32 v8, v12;
	v29 =	vor.u32 v5, v15;
	v15 =	vadd.s32 v6, v12;
	v27 =	vld.idx.msk [tilespmem:v39+s0+$0x0], $0xffff  }
0x2c5: {  	v61 =	vor.u32 v10, v26;
	v12 =	vor.u32 v2, v24;
	v15 =	vor.u32 v49, v15;
	v14 =	vld.idx.msk [tilespmem:v14+s0+$0x0], $0xffff  }
0x2c6: {  	s31 =	sshll.u32 s24, $0x2;
	v26 =	vor.u32 v2, v43;
	[tilespmem:s22+$0x80] =	vst v60;
	v25 =	vor.u32 v5, v15;
	v15 =	vor.u32 v49, v42  }
0x2c7: {  	s3 =	sor.u32 s5, s31;
	v10 =	vor.u32 v19, v18;
	v19 =	vor.u32 v1, v13;
	v35 =	vor.u32 v3, v15;
	[tilespmem:s22+$0xFFFFFE10] =	vst v44  }
0x2c8: {  	s3 =	smul.u32 $0x60, s3;
	v18 =	vor.u32 v49, v20;
	v24 =	vor.u32 v2, v61;
	v15 =	vadd.s32 v8, v37;
	[tilespmem:s22+$0x100] =	vst v47  }
0x2c9: {  	v20 =	vor.u32 v2, v11;
	v10 =	vor.u32 v1, v10;
	v15 =	vor.u32 v23, v15;
	[tilespmem:s22+$0x190] =	vst v27  }
0x2ca: {  	s25 =	simm.s32 $0x0;
	s26 =	simm.s32 $0x16300;
	s24 =	sadd.s32 s20, s3;
	v13 =	vld.idx.msk [tilespmem:v62+s0+$0x0], $0xffff;
	[tilespmem:s22+$0xFFFFFE80] =	vst v14;
	v14 =	vor.u32 v1, v18;
	v18 =	vor.u32 v1, v63  }
.LBB2_11:
0x2cb: {  	s3 =	sadd.s32 s25, s21;
	s25 =	sadd.s32 $0x8, s25;
	v23 =	vld.idx.msk [tilespmem:v31+s0+$0x0], $0xffff;
	[tilespmem:s22+$0xFFFFFF00] =	vst v34;
	v9 =	vor.u32 v1, v9;
	v31 =	vor.u32 v1, v15;
	s26 =	sadd.s32 $0x400, s26  }
0x2cc: {  	v27 =	vor.u32 v2, v33;
	v28 =	vor.u32 v2, v28;
	v32 =	vor.u32 v1, v32;
	s13 =	sadd.s32 $0x8, s3;
	s29 =	sadd.s32 $0x9, s3;
	s31 =	sadd.s32 $0xA, s3;
	v15 =	vld.idx.msk [tilespmem:v35+s0+$0x0], $0xffff  }
0x2cd: {  	v33 =	vmov s13;
	v34 =	vmov s29;
	v35 =	vmov s31;
	s13 =	sadd.s32 $0xB, s3;
	s29 =	sadd.s32 $0xC, s3;
	s31 =	sadd.s32 $0xD, s3;
	v24 =	vld.idx.msk [tilespmem:v24+s0+$0x0], $0xffff  }
0x2ce: {  	p2 =	slt.u32 s25, $0x38;
	v11 =	vshll.u32 v33, $0x7;
	v36 =	vmov s13;
	v37 =	vmov s29;
	s13 =	sadd.s32 $0xE, s3;
	s3 =	sadd.s32 $0xF, s3;
	[tilespmem:s22+$0x10] =	vst v30;
	v30 =	vld.idx.msk [tilespmem:v16+s0+$0x0], $0xffff  }
0x2cf: {  	v11 =	vand.u32 $0x380, v11;
	v38 =	vmov s13;
	v39 =	vmov s3;
	v29 =	vld.idx.msk [tilespmem:v29+s0+$0x0], $0xffff  }
0x2d0: {  	v16 =	vshll.u32 v34, $0x8;
	v40 =	vshll.u32 v35, $0x8;
	v41 =	vmov s31;
	v17 =	vld.idx.msk [tilespmem:v17+s0+$0x0], $0xffff;
	[tilespmem:s22+$0x1A0] =	vst v13  }
0x2d1: {  	v33 =	vshll.u32 v33, $0x8;
	v42 =	vand.u32 $0xFFFFF800, v16;
	v40 =	vand.u32 $0xFFFFF800, v40;
	[tilespmem:s22+$0xFFFFFE90] =	vst v23;
	v43 =	vld.idx.msk [tilespmem:v21+s0+$0x0], $0xffff  }
0x2d2: {  	v16 =	vadd.s32 v4, v40;
	v44 =	vadd.s32 v8, v40;
	v21 =	vshll.u32 v39, $0x8;
	v26 =	vld.idx.msk [tilespmem:v26+s0+$0x0], $0xffff;
	[tilespmem:s22+$0xFFFFFF80] =	vst v15  }
0x2d3: {  	v13 =	vadd.s32 v7, v40;
	v23 =	vshll.u32 v37, $0x8;
	v45 =	vand.u32 $0xFFFFF800, v21;
	[tilespmem:s22+$0xFFFFFE20] =	vst v24;
	v46 =	vld.idx.msk [tilespmem:v25+s0+$0x0], $0xffff  }
0x2d4: {  	v47 =	vadd.s32 v4, v42;
	v15 =	vadd.s32 v8, v42;
	v48 =	vadd.s32 v4, v45;
	v32 =	vld.idx.msk [tilespmem:v32+s0+$0x0], $0xffff  }
0x2d5: {  	v49 =	vadd.s32 v7, v42;
	v21 =	vand.u32 $0xFFFFF800, v23;
	v23 =	vshll.u32 v37, $0x7;
	v37 =	vld.idx.msk [tilespmem:v22+s0+$0x0], $0xffff;
	[tilespmem:s22+$0xFFFFFF10] =	vst v29  }
0x2d6: {  	v24 =	vadd.s32 v4, v21;
	v29 =	vadd.s32 v6, v42;
	v42 =	vshll.u32 v36, $0x8;
	v50 =	vld.idx.msk [tilespmem:v20+s0+$0x0], $0xffff;
	[tilespmem:s22+$0x110] =	vst v17  }
0x2d7: {  	v33 =	vand.u32 $0xFFFFF800, v33;
	v25 =	vand.u32 $0x380, v23;
	v22 =	vadd.s32 v8, v45;
	[tilespmem:s22+$0x90] =	vst v30;
	v17 =	vld.idx.msk [tilespmem:v28+s0+$0x0], $0xffff  }
0x2d8: {  	v20 =	vadd.s32 v4, v33;
	v30 =	vadd.s32 v6, v40;
	v28 =	vor.u32 v25, v24;
	v12 =	vld.idx.msk [tilespmem:v12+s0+$0x0], $0xffff  }
0x2d9: {  	v23 =	vshll.u32 v34, $0x7;
	v34 =	vshll.u32 v38, $0x8;
	v24 =	vadd.s32 v8, v33;
	[tilespmem:s22+$0xFFFFFF90] =	vst v46  }
0x2da: {  	v40 =	vor.u32 v11, v20;
	v20 =	vand.u32 $0x380, v23;
	v23 =	vand.u32 $0xFFFFF800, v34;
	[tilespmem:s22+$0xFFFFFEA0] =	vst v26;
	v26 =	vld.idx.msk [tilespmem:v27+s0+$0x0], $0xffff  }
0x2db: {  	v34 =	vor.u32 v3, v40;
	v28 =	vor.u32 v3, v28;
	v27 =	vshll.u32 v35, $0x7;
	[tilespmem:s22+$0xFFFFFE30] =	vst v37;
	v19 =	vld.idx.msk [tilespmem:v19+s0+$0x0], $0xffff  }
0x2dc: {  	v40 =	vadd.s32 v4, v23;
	v35 =	vadd.s32 v6, v21;
	v37 =	vadd.s32 v8, v21;
	[tilespmem:s22+$0xFFFFFF20] =	vst v50  }
0x2dd: {  	v39 =	vshll.u32 v39, $0x7;
	v46 =	vadd.s32 v6, v23;
	v50 =	vadd.s32 v6, v45;
	v9 =	vld.idx.msk [tilespmem:v9+s0+$0x0], $0xffff;
	[tilespmem:s22+$0x120] =	vst v17  }
0x2de: {  	v39 =	vand.u32 $0x380, v39;
	v42 =	vand.u32 $0xFFFFF800, v42;
	v27 =	vand.u32 $0x380, v27;
	[tilespmem:s22+$0x20] =	vst v43;
	v17 =	vld.idx.msk [tilespmem:v31+s0+$0x0], $0xffff  }
0x2df: {  	v36 =	vshll.u32 v36, $0x7;
	v31 =	vadd.s32 v6, v33;
	v43 =	vor.u32 v39, v48;
	v18 =	vld.idx.msk [tilespmem:v18+s0+$0x0], $0xffff;
	[tilespmem:s22+$0xA0] =	vst v12  }
0x2e0: {  	v12 =	vor.u32 v11, v31;
	v31 =	vshll.u32 v38, $0x7;
	v38 =	vor.u32 v3, v43;
	[tilespmem:s22+$0xFFFFFFA0] =	vst v26;
	v10 =	vld.idx.msk [tilespmem:v10+s0+$0x0], $0xffff  }
0x2e1: {  	v43 =	vadd.s32 v4, v42;
	v26 =	vshll.u32 v41, $0x8;
	v41 =	vshll.u32 v41, $0x7;
	[tilespmem:s22+$0xFFFFFEB0] =	vst v19;
	v14 =	vld.idx.msk [tilespmem:v14+s0+$0x0], $0xffff  }
0x2e2: {  	v48 =	vand.u32 $0xFFFFF800, v26;
	v41 =	vand.u32 $0x380, v41;
	v26 =	vadd.s32 v7, v45;
	v19 =	vld.idx.msk [tilespmem:v34+s0+$0x0], $0xffff;
	[tilespmem:s22+$0x1B0] =	vst v32  }
0x2e3: {  	v32 =	vor.u32 v20, v49;
	v34 =	vadd.s32 v4, v48;
	v28 =	vld.idx.msk [tilespmem:v28+s0+$0x0], $0xffff;
	[tilespmem:s22+$0xFFFFFF30] =	vst v9  }
0x2e4: {  	v12 =	vor.u32 v5, v12;
	v45 =	vor.u32 v39, v50;
	v34 =	vor.u32 v41, v34;
	[tilespmem:s22+$0x130] =	vst v17  }
0x2e5: {  	v9 =	vor.u32 v27, v44;
	v44 =	vand.u32 $0x380, v31;
	v31 =	vadd.s32 v7, v23;
	v38 =	vld.idx.msk [tilespmem:v38+s0+$0x0], $0xffff;
	[tilespmem:s22+$0x30] =	vst v18  }
0x2e6: {  	v26 =	vor.u32 v39, v26;
	v17 =	vor.u32 v3, v34;
	v18 =	vor.u32 v44, v40;
	[tilespmem:s22+$0xB0] =	vst v10  }
0x2e7: {  	v34 =	vadd.s32 v7, v48;
	v40 =	vor.u32 v5, v45;
	v10 =	vadd.s32 v6, v48;
	[tilespmem:s22+$0xFFFFFFB0] =	vst v14;
	s22 =	smov.u32 s26  }
0x2e8: {  	v18 =	vor.u32 v3, v18;
	v14 =	vor.u32 v20, v47;
	v10 =	vor.u32 v41, v10;
	[tilespmem:s26+$0xFFFFFE00] =	vst v19  }
0x2e9: {  	v45 =	vadd.s32 v7, v42;
	v19 =	vld.idx.msk [tilespmem:v12+s0+$0x0], $0xffff;
	v12 =	vor.u32 v25, v35;
	v35 =	vor.u32 v44, v46  }
0x2ea: {  	v46 =	vor.u32 v27, v16;
	v16 =	vor.u32 v5, v10;
	[tilespmem:s26+$0x0] =	vst v28;
	v12 =	vor.u32 v5, v12  }
0x2eb: {  	v10 =	vor.u32 v3, v14;
	v14 =	vand.u32 $0x380, v36;
	v36 =	vld.idx.msk [tilespmem:v17+s0+$0x0], $0xffff;
	v17 =	vor.u32 v5, v35;
	[tilespmem:s26+$0x180] =	vst v38  }
0x2ec: {  	v29 =	vor.u32 v20, v29;
	v21 =	vadd.s32 v7, v21;
	v34 =	vor.u32 v41, v34;
	v35 =	vld.idx.msk [tilespmem:v40+s0+$0x0], $0xffff  }
0x2ed: {  	v21 =	vor.u32 v25, v21;
	v33 =	vadd.s32 v7, v33;
	v28 =	vor.u32 v44, v31  }
0x2ee: {  	v38 =	vor.u32 v11, v33;
	v33 =	vor.u32 v3, v46;
	v40 =	vor.u32 v2, v26;
	v18 =	vld.idx.msk [tilespmem:v18+s0+$0x0], $0xffff  }
0x2ef: {  	v31 =	vor.u32 v5, v29;
	v46 =	vadd.s32 v8, v42;
	v26 =	vor.u32 v27, v30  }
0x2f0: {  	v29 =	vor.u32 v5, v26;
	v26 =	vadd.s32 v6, v42;
	v30 =	vld.idx.msk [tilespmem:v12+s0+$0x0], $0xffff;
	v12 =	vor.u32 v2, v34  }
0x2f1: {  	v37 =	vor.u32 v25, v37;
	v21 =	vor.u32 v2, v21;
	v42 =	vld.idx.msk [tilespmem:v10+s0+$0x0], $0xffff;
	v10 =	vor.u32 v14, v26  }
0x2f2: {  	v26 =	vor.u32 v2, v32;
	v32 =	vor.u32 v39, v22;
	v25 =	vor.u32 v5, v10;
	[tilespmem:s26+$0x190] =	vst v35  }
0x2f3: {  	v22 =	vadd.s32 v8, v48;
	v10 =	vor.u32 v14, v43;
	v34 =	vld.idx.msk [tilespmem:v33+s0+$0x0], $0xffff;
	v33 =	vor.u32 v14, v45  }
.Ltmp6:
0x2f4: {  	v11 =	vor.u32 v11, v24;
	v35 =	vor.u32 v3, v10;
	v10 =	vor.u32 v41, v22;
	[tilespmem:s26+$0x100] =	vst v18;
	(pc) =	sbr.rel @p2 .LBB2_11-.Ltmp6, $4  }
0x2f5: {  	v24 =	vor.u32 v2, v38;
	v10 =	vor.u32 v1, v10;
	v18 =	vadd.s32 v8, v23;
	[tilespmem:s26+$0x80] =	vst v36  }
0x2f6: {  	v22 =	vor.u32 v1, v11;
	v11 =	vor.u32 v20, v15;
	v15 =	vor.u32 v44, v18;
	[tilespmem:s26+$0xFFFFFE10] =	vst v19  }
0x2f7: {  	v14 =	vor.u32 v14, v46;
	v19 =	vor.u32 v1, v11;
	v11 =	vor.u32 v27, v13;
	v13 =	vld.idx.msk [tilespmem:v40+s0+$0x0], $0xffff  }
0x2f8: {  	v14 =	vor.u32 v1, v14;
	v18 =	vor.u32 v1, v37;
	v20 =	vor.u32 v2, v11;
	[tilespmem:s26+$0xFFFFFE80] =	vst v42  }
0x2f9: {  	_ =	sdelay $0x3  }
0x2fa: {  	v3 =	vld.idx.msk [tilespmem:v35+s0+$0x0], $0xffff  }
0x2fb: {  	v4 =	vld.idx.msk [tilespmem:v31+s0+$0x0], $0xffff  }
0x2fc: {  	[tilespmem:s22+$0xFFFFFF00] =	vst v34;
	v5 =	vld.idx.msk [tilespmem:v24+s0+$0x0], $0xffff;
	v60 =	vor.u32 v1, v32  }
0x2fd: {  	[tilespmem:s22+$0x10] =	vst v30;
	v7 =	vld.idx.msk [tilespmem:v17+s0+$0x0], $0xffff  }
0x2fe: {  	v11 =	vld.idx.msk [tilespmem:v16+s0+$0x0], $0xffff;
	[tilespmem:s22+$0x1A0] =	vst v13  }
0x2ff: {  	v8 =	vor.u32 v2, v28;
	v6 =	vld.idx.msk [tilespmem:v29+s0+$0x0], $0xffff;
	[tilespmem:s22+$0xFFFFFF80] =	vst v3  }
0x300: {  	v61 =	vld.idx.msk [tilespmem:v21+s0+$0x0], $0xffff;
	[tilespmem:s22+$0xFFFFFE90] =	vst v4  }
0x301: {  	[tilespmem:s22+$0xFFFFFE20] =	vst v5;
	v62 =	vld.idx.msk [tilespmem:v60+s0+$0x0], $0xffff  }
0x302: {  	[tilespmem:s22+$0x110] =	vst v7;
	v3 =	vld.idx.msk [tilespmem:v25+s0+$0x0], $0xffff  }
0x303: {  	v2 =	vor.u32 v2, v33;
	[tilespmem:s22+$0x90] =	vst v11;
	v4 =	vld.idx.msk [tilespmem:v26+s0+$0x0], $0xffff  }
0x304: {  	[tilespmem:s22+$0xFFFFFF10] =	vst v6;
	v8 =	vld.idx.msk [tilespmem:v8+s0+$0x0], $0xffff  }
0x305: {  	v9 =	vor.u32 v1, v9;
	v1 =	vor.u32 v1, v15;
	[tilespmem:s22+$0x20] =	vst v61;
	v6 =	vld.idx.msk [tilespmem:v20+s0+$0x0], $0xffff  }
0x306: {  	v5 =	vld.idx.msk [tilespmem:v22+s0+$0x0], $0xffff;
	[tilespmem:s22+$0x1B0] =	vst v62  }
0x307: {  	[tilespmem:s22+$0xFFFFFF90] =	vst v3;
	v3 =	vld.idx.msk [tilespmem:v12+s0+$0x0], $0xffff  }
0x308: {  	[tilespmem:s22+$0xFFFFFEA0] =	vst v4;
	v2 =	vld.idx.msk [tilespmem:v2+s0+$0x0], $0xffff  }
0x309: {  	[tilespmem:s22+$0x120] =	vst v8;
	v4 =	vld.idx.msk [tilespmem:v19+s0+$0x0], $0xffff  }
0x30a: {  	[tilespmem:s22+$0xFFFFFF20] =	vst v6;
	v1 =	vld.idx.msk [tilespmem:v1+s0+$0x0], $0xffff  }
0x30b: {  	[tilespmem:s22+$0xFFFFFE30] =	vst v5;
	v6 =	vld.idx.msk [tilespmem:v9+s0+$0x0], $0xffff  }
0x30c: {  	[tilespmem:s22+$0xA0] =	vst v3;
	v3 =	vld.idx.msk [tilespmem:v18+s0+$0x0], $0xffff  }
0x30d: {  	[tilespmem:s22+$0xFFFFFFA0] =	vst v2;
	v2 =	vld.idx.msk [tilespmem:v10+s0+$0x0], $0xffff  }
0x30e: {  	[tilespmem:s22+$0xFFFFFEB0] =	vst v4;
	v63 =	vld.idx.msk [tilespmem:v14+s0+$0x0], $0xffff  }
0x30f: {  	[tilespmem:s22+$0x130] =	vst v1  }
.Ltmp7:
0x310: {  	[tilespmem:s22+$0xFFFFFF30] =	vst v6;
	(pc) =	sbr.rel @p1 .LBB2_14-.Ltmp7, $4  }
0x311: {  	s3 =	sshll.u32 s24, $0xA;
	[tilespmem:s22+$0x30] =	vst v3  }
0x312: {  	s3 =	sand.u32 $0x1FFFFC00, s3;
	[tilespmem:s22+$0xB0] =	vst v2  }
0x313: {  	s13 =	simm.s32 $0x16100;
	s3 =	sadd.s32 s7, s3;
	[tilespmem:s22+$0xFFFFFFB0] =	vst v63  }
0x314: {  	[hbm4b:s3+s6] =	stream.linear.scatter [tilespmem:s13], [sflag:$0x7], $0x2000, $0x38;
	[tilespmem:$0x1A100] =	vst v63  }
0x315: {  	v1 =	vld [tilespmem:$0x0]  }
0x316: {  	s3 =	sadd.s32 $0x6, s12;
	v2 =	vld [tilespmem:$0x80]  }
0x317: {  	s13 =	sand.u32 $0xE, s3  }
0x318: {  	v3 =	vmov s13  }
0x319: {  	vm4 =	veq.s32 v3, v0  }
0x31a: {  	v1 =	vnsel vm4, $0x0, v1  }
0x31b: {  	(xrf0) =	vadd.scan.msk.s32 $0xffff, v1;
	v1 =	vnsel vm4, $0x0, v2  }
0x31c: {  	(xrf0) =	vadd.scan.msk.s32 $0xffff, v1;
	_ =	sdelay $0x4  }
0x31d: {  	v1, _, _ =	vpop (xrf0)  }
0x31e: {  	(v2sf) =	vpush v1, $0xF;
	v1, _, _ =	vpop (xrf0)  }
0x31f: {  	(v2sf) =	vpush v1, $0xF;
	_ =	sdelay $0x8  }
0x320: {  	s25 =	sshrl.u32 s3, $0x4  }
0x321: {  	s13 =	sand.u32 $0x3, s25  }
0x322: {  	s3 =	sshrl.u32 s3, $0x6;
	s13 =	smul.u32 $0x60, s13  }
0x323: {  	s3 =	sadd.s32 s8, s3  }
0x324: {  	s3 =	sadd.s32 s13, s3  }
0x325: {  	s3 =	sshll.u32 s3, $0x9;
	s26 =	spop (v2sf)  }
0x326: {  	s21 =	spop (v2sf);
	s3 =	sadd.s32 s3, s26  }
0x327: {  	s3 =	sand.u32 $0xFFFFFFF8, s3;
	s13 =	sand.u32 $0xFFFFFF80, s21  }
0x328: {  	p2 =	slt.s32 s3, $0x2FFB8;
	p3 =	slt.s32 s13, $0x100  }
0x329: {  	s3 =	simm.s32 @!p2 $0x2FFB8;
	s13 =	simm.s32 @!p3 $0x100  }
0x32a: {  	s22 =	sshll.u32 s3, $0x6;
	s24 =	sadd.s32 s1, s13  }
0x32b: {  	s22 =	sadd.s32 s22, s24  }
0x32c: {  	[tilespmem:s0], [sflag:$0x3] =	stream.linear.gather [hbm4b:s22+s6], $0x400, $0x38;
	[tilespmem:$0x1A100] =	vst v63  }
0x32d: {  	s25 =	simm.s32 $0x9900;
	s24 =	sadd.s32 $0x200, s22  }
0x32e: {  	[tilespmem:s25], [sflag:$0x3] =	stream.linear.gather [hbm4b:s24+s6], $0x400, $0x38;
	[tilespmem:$0x1A100] =	vst v63  }
0x32f: {  	s31 =	simm.s32 $0xA100;
	s21 =	ssub.s32 s21, s13;
	s29 =	sadd.s32 $0x400, s22  }
0x330: {  	[tilespmem:s31], [sflag:$0x3] =	stream.linear.gather [hbm4b:s29+s6], $0x400, $0x38;
	[tilespmem:$0x1A100] =	vst v63  }
0x331: {  	s26 =	simm.s32 $0xA900;
	p2 =	slt.s32 s21, $0x41;
	s25 =	sadd.s32 $0x600, s22  }
0x332: {  	[tilespmem:s26], [sflag:$0x3] =	stream.linear.gather [hbm4b:s25+s6], $0x400, $0x38;
	[tilespmem:$0x1A100] =	vst v63  }
0x333: {  	s3 =	sshll.u32 @!p2 s3, $0x9;
	s29 =	sadd.s32 $0x800, s22;
	s31 =	simm.s32 $0xB100  }
0x334: {  	[tilespmem:s31], [sflag:$0x3] =	stream.linear.gather [hbm4b:s29+s6], $0x400, $0x38;
	[tilespmem:$0x1A100] =	vst v63  }
0x335: {  	s13 =	sshll.u32 @!p2 s13, $0x3;
	s25 =	sadd.s32 $0xA00, s22;
	s26 =	simm.s32 $0xB900  }
0x336: {  	[tilespmem:s26], [sflag:$0x3] =	stream.linear.gather [hbm4b:s25+s6], $0x400, $0x38;
	[tilespmem:$0x1A100] =	vst v63  }
0x337: {  	s3 =	sadd.s32 @!p2 s3, s13;
	s29 =	sadd.s32 $0xC00, s22;
	s31 =	simm.s32 $0xC100  }
0x338: {  	[tilespmem:s31], [sflag:$0x3] =	stream.linear.gather [hbm4b:s29+s6], $0x400, $0x38;
	[tilespmem:$0x1A100] =	vst v63  }
0x339: {  	s3 =	sadd.s32 @!p2 $0x400, s3;
	s26 =	sadd.s32 $0xE00, s22;
	s29 =	simm.s32 $0xC900  }
0x33a: {  	[tilespmem:s29], [sflag:$0x3] =	stream.linear.gather [hbm4b:s26+s6], $0x400, $0x38;
	[tilespmem:$0x1A100] =	vst v63  }
0x33b: {  	s3 =	sshrl.u32 @!p2 s3, $0x3;
	s22 =	sadd.s32 $0x1000, s22;
	s31 =	simm.s32 $0xD100  }
0x33c: {  	[tilespmem:s31], [sflag:$0x3] =	stream.linear.gather [hbm4b:s22+s6], $0x400, $0x38;
	[tilespmem:$0x1A100] =	vst v63  }
0x33d: {  	s21 =	simm.s32 @!p2 $0x9500;
	s13 =	simm.s32 @!p2 $0x0;
	s3 =	sadd.s32 @!p2 s1, s3  }
0x33e: {  	[tilespmem:s21], [sflag:$0x3] =	stream.linear.gather @!p2 [hbm4b:s3+s13], $0x400, $0x38;
	[tilespmem:$0x1A100] =	vst v63  }
0x33f: {  	s22 =	simm.s32 @!p2 $0x9D00;
	s21 =	sadd.s32 @!p2 $0x200, s3  }
0x340: {  	[tilespmem:s22], [sflag:$0x3] =	stream.linear.gather @!p2 [hbm4b:s21+s13], $0x400, $0x38;
	[tilespmem:$0x1A100] =	vst v63  }
0x341: {  	s21 =	sadd.s32 @!p2 $0x400, s3;
	s22 =	simm.s32 @!p2 $0xA500  }
0x342: {  	[tilespmem:s22], [sflag:$0x3] =	stream.linear.gather @!p2 [hbm4b:s21+s13], $0x400, $0x38;
	[tilespmem:$0x1A100] =	vst v63  }
0x343: {  	s21 =	sadd.s32 @!p2 $0x600, s3;
	s22 =	simm.s32 @!p2 $0xAD00  }
0x344: {  	[tilespmem:s22], [sflag:$0x3] =	stream.linear.gather @!p2 [hbm4b:s21+s13], $0x400, $0x38;
	[tilespmem:$0x1A100] =	vst v63  }
0x345: {  	s21 =	sadd.s32 @!p2 $0x800, s3;
	s22 =	simm.s32 @!p2 $0xB500  }
0x346: {  	[tilespmem:s22], [sflag:$0x3] =	stream.linear.gather @!p2 [hbm4b:s21+s13], $0x400, $0x38;
	[tilespmem:$0x1A100] =	vst v63  }
0x347: {  	s21 =	sadd.s32 @!p2 $0xA00, s3;
	s22 =	simm.s32 @!p2 $0xBD00  }
0x348: {  	[tilespmem:s22], [sflag:$0x3] =	stream.linear.gather @!p2 [hbm4b:s21+s13], $0x400, $0x38;
	[tilespmem:$0x1A100] =	vst v63  }
0x349: {  	s21 =	sadd.s32 @!p2 $0xC00, s3;
	s22 =	simm.s32 @!p2 $0xC500  }
0x34a: {  	[tilespmem:s22], [sflag:$0x3] =	stream.linear.gather @!p2 [hbm4b:s21+s13], $0x400, $0x38;
	[tilespmem:$0x1A100] =	vst v63  }
0x34b: {  	s21 =	sadd.s32 @!p2 $0xE00, s3;
	s22 =	simm.s32 @!p2 $0xCD00  }
0x34c: {  	[tilespmem:s22], [sflag:$0x3] =	stream.linear.gather @!p2 [hbm4b:s21+s13], $0x400, $0x38;
	[tilespmem:$0x1A100] =	vst v63  }
0x34d: {  	s3 =	sadd.s32 @!p2 $0x1000, s3;
	s21 =	simm.s32 @!p2 $0xD500  }
0x34e: {  	[tilespmem:s21], [sflag:$0x3] =	stream.linear.gather @!p2 [hbm4b:s3+s13], $0x400, $0x38;
	[tilespmem:$0x1A100] =	vst v63  }
.LBB2_14:
0x34f: {  	v1 =	vld [tilespmem:$0x0]  }
0x350: {  	v2 =	vld [tilespmem:$0x80]  }
0x351: {  	s18 =	sor.u32 $0x3, s18  }
0x352: {  	v3 =	vmov s18  }
0x353: {  	vm4 =	veq.s32 v3, v0  }
0x354: {  	v1 =	vnsel vm4, $0x0, v1  }
0x355: {  	(xrf0) =	vadd.scan.msk.s32 $0xffff, v1;
	v1 =	vnsel vm4, $0x0, v2  }
0x356: {  	(xrf0) =	vadd.scan.msk.s32 $0xffff, v1;
	_ =	sdelay $0x4  }
0x357: {  	v1, _, _ =	vpop (xrf0)  }
0x358: {  	(v2sf) =	vpush v1, $0xF;
	v1, _, _ =	vpop (xrf0)  }
0x359: {  	(v2sf) =	vpush v1, $0xF;
	_ =	sdelay $0xd  }
0x35a: {  	s3 =	spop (v2sf)  }
0x35b: {  	s13 =	spop (v2sf)  }
0x35c: {  	s21 =	sand.u32 $0xFFFFFF80, s13  }
0x35d: {  	s19 =	sadd.s32 s19, s3;
	p2 =	slt.s32 s21, $0x100  }
0x35e: {  	s3 =	sadd.s32 s3, s10;
	s19 =	sand.u32 $0xFFFFFFF8, s19;
	s21 =	simm.s32 @!p2 $0x100  }
0x35f: {  	s3 =	sadd.s32 s16, s3;
	p2 =	slt.s32 s19, $0x2FFB8;
	s21 =	ssub.s32 s13, s21  }
0x360: {  	s3 =	sadd.s32 s15, s3;
	s19 =	simm.s32 @!p2 $0x2FFB8;
	s13 =	sadd.s32 $0x10, s21;
	v2 =	vadd.s32 s21, v0  }
0x361: {  	s22 =	sadd.s32 $0x20, s21;
	s31 =	sadd.s32 $0x30, s21;
	s15 =	ssub.s32 s3, s19;
	v1 =	vadd.s32 s13, v0;
	v3 =	vand.u32 $0x7F, v2;
	v2 =	vshll.u32 v2, $0x3  }
0x362: {  	v7 =	vadd.s32 s22, v0;
	v8 =	vadd.s32 s31, v0;
	s3 =	sadd.s32 $0xFFFFFFF8, s15;
	v4 =	vand.u32 $0xFFFFFC00, v2  }
0x363: {  	v5 =	vand.u32 $0x7F, v1;
	v1 =	vshll.u32 v1, $0x3;
	v2 =	vand.u32 $0x7F, v7;
	s16 =	sadd.s32 $0x8, s3  }
0x364: {  	s19 =	sadd.s32 $0x9, s3;
	s22 =	sadd.s32 $0xA, s3;
	s24 =	sadd.s32 $0xB, s3;
	v6 =	vand.u32 $0xFFFFFC00, v1;
	v1 =	vshll.u32 v7, $0x3;
	v9 =	vmov s16  }
0x365: {  	s25 =	sadd.s32 $0xC, s3;
	s26 =	sadd.s32 $0xE, s3;
	s29 =	sadd.s32 $0xF, s3;
	v12 =	vmov s19;
	v14 =	vmov s22;
	v15 =	vmov s24  }
0x366: {  	s3 =	sadd.s32 $0xD, s3;
	v16 =	vmov s25;
	v17 =	vmov s26;
	v18 =	vmov s29  }
0x367: {  	v19 =	vmov s3;
	v7 =	vand.u32 $0xFFFFFC00, v1;
	v1 =	vand.u32 $0x7F, v8  }
0x368: {  	v8 =	vshll.u32 v8, $0x3;
	v10 =	vshll.u32 v9, $0x7;
	v11 =	vshll.u32 v12, $0x8  }
0x369: {  	v13 =	vshll.u32 v14, $0x8;
	v9 =	vshll.u32 v9, $0x8;
	v24 =	vshll.u32 v16, $0x8  }
0x36a: {  	v16 =	vshll.u32 v16, $0x7;
	v29 =	vshll.u32 v15, $0x8;
	v12 =	vshll.u32 v12, $0x7  }
0x36b: {  	v15 =	vshll.u32 v15, $0x7;
	v41 =	vshll.u32 v19, $0x8;
	v19 =	vshll.u32 v19, $0x7  }
0x36c: {  	v8 =	vand.u32 $0xFFFFFC00, v8;
	v10 =	vand.u32 $0x380, v10;
	v20 =	vand.u32 $0xFFFFF800, v13  }
0x36d: {  	v21 =	vand.u32 $0xFFFFF800, v11;
	v13 =	vshll.u32 v18, $0x8;
	v24 =	vand.u32 $0xFFFFF800, v24  }
0x36e: {  	v31 =	vand.u32 $0xFFFFF800, v9;
	v32 =	vand.u32 $0x380, v16;
	v36 =	vand.u32 $0x380, v12  }
0x36f: {  	v12 =	vshll.u32 v14, $0x7;
	v18 =	vshll.u32 v18, $0x7;
	v41 =	vand.u32 $0xFFFFF800, v41  }
0x370: {  	v19 =	vand.u32 $0x380, v19;
	v49 =	vand.u32 $0x380, v15;
	v22 =	vadd.s32 v4, v20  }
0x371: {  	v23 =	vadd.s32 v8, v20;
	v11 =	vadd.s32 v7, v20;
	v25 =	vand.u32 $0xFFFFF800, v13  }
0x372: {  	v26 =	vadd.s32 v4, v21;
	v13 =	vadd.s32 v8, v21;
	v28 =	vadd.s32 v7, v21  }
0x373: {  	v21 =	vadd.s32 v6, v21;
	v30 =	vadd.s32 v4, v24;
	v9 =	vadd.s32 v4, v31  }
0x374: {  	v20 =	vadd.s32 v6, v20;
	v35 =	vadd.s32 v8, v31;
	v34 =	vadd.s32 v8, v24  }
0x375: {  	v40 =	vand.u32 $0x380, v12;
	v12 =	vand.u32 $0xFFFFF800, v29;
	v18 =	vand.u32 $0x380, v18  }
0x376: {  	v29 =	vadd.s32 v6, v31;
	v27 =	vadd.s32 v4, v25;
	v33 =	vadd.s32 v8, v25  }
0x377: {  	v16 =	vor.u32 v32, v30;
	v30 =	vshll.u32 v17, $0x8;
	v9 =	vor.u32 v10, v9  }
0x378: {  	v39 =	vadd.s32 v6, v25;
	v29 =	vor.u32 v10, v29;
	v17 =	vshll.u32 v17, $0x7  }
0x379: {  	_ =	swait.ge [sflag:s4], $0x2400;
	v42 =	vadd.s32 v4, v12;
	v25 =	vadd.s32 v7, v25;
	v43 =	vor.u32 v36, v28  }
0x37a: {  	[sflag:s4] =	ssyncset.done $0x0;
	p2 =	slt.s32 s21, $0x41;
	v28 =	vadd.s32 v4, v41;
	v26 =	vor.u32 v36, v26;
	v48 =	vadd.s32 v7, v12  }
0x37b: {  	[sflag:s4] =	ssyncadd.s32 $0xFFFFDC00;
	s3 =	simm.s32 @!p2 $0x4;
	v22 =	vor.u32 v40, v22;
	v15 =	vor.u32 v36, v21;
	v21 =	vadd.s32 v7, v24  }
0x37c: {  	_ =	swait.ge @!p2 [sflag:s3], $0x2400;
	v63 =	vor.u32 v32, v34;
	v13 =	vor.u32 v36, v13;
	v11 =	vor.u32 v40, v11  }
0x37d: {  	[sflag:s3] =	ssyncset.done @!p2 $0x0;
	v37 =	vand.u32 $0xFFFFF800, v30;
	v9 =	vor.u32 v3, v9;
	v14 =	vor.u32 v3, v16  }
0x37e: {  	[sflag:s3] =	ssyncadd.s32 @!p2 $0xFFFFDC00;
	s3 =	simm.s32 @!p0 $0x8;
	v16 =	vadd.s32 v6, v24;
	v27 =	vor.u32 v18, v27;
	v29 =	vor.u32 v5, v29  }
0x37f: {  	_ =	swait.ge @!p0 [sflag:s3], $0x2000;
	v28 =	vor.u32 v19, v28;
	v39 =	vor.u32 v18, v39;
	v25 =	vor.u32 v18, v25  }
0x380: {  	[sflag:s3] =	ssyncset.done @!p0 $0x0;
	v21 =	vor.u32 v32, v21;
	v22 =	vor.u32 v3, v22;
	v27 =	vor.u32 v3, v27  }
0x381: {  	v30 =	vadd.s32 v4, v37;
	v38 =	vadd.s32 v6, v37;
	[sflag:s3] =	ssyncadd.s32 @!p0 $0xFFFFE000;
	v45 =	vadd.s32 v7, v37  }
0x382: {  	v46 =	vor.u32 v3, v28;
	v28 =	vadd.s32 v6, v41;
	v39 =	vor.u32 v5, v39;
	v44 =	vld.idx.msk [tilespmem:v9+s17+$0x0], $0xffff  }
0x383: {  	v16 =	vor.u32 v32, v16;
	v62 =	vor.u32 v2, v25;
	v21 =	vor.u32 v2, v21;
	v14 =	vld.idx.msk [tilespmem:v14+s17+$0x0], $0xffff  }
0x384: {  	v32 =	vor.u32 v18, v33;
	v33 =	vor.u32 v49, v48;
	v28 =	vor.u32 v19, v28  }
0x385: {  	v59 =	vor.u32 v5, v16;
	v9 =	vor.u32 v40, v23;
	v23 =	vand.u32 $0x380, v17;
	v27 =	vld.idx.msk [tilespmem:v27+s17+$0x0], $0xffff  }
0x386: {  	s16 =	simm.s32 $0x18300;
	v18 =	vadd.s32 v8, v41;
	v16 =	vor.u32 v5, v28;
	v17 =	vor.u32 v23, v30  }
0x387: {  	v34 =	vld.idx.msk [tilespmem:v22+s17+$0x0], $0xffff;
	v22 =	vor.u32 v10, v35;
	v47 =	vor.u32 v3, v17;
	[tilespmem:s16+$0xFFFFFE00] =	vst v44  }
0x388: {  	v30 =	vadd.s32 v7, v41;
	v60 =	vld.idx.msk [tilespmem:v46+s17+$0x0], $0xffff;
	[tilespmem:s16+$0x0] =	vst v14;
	v14 =	vor.u32 v3, v26  }
0x389: {  	v28 =	vor.u32 v23, v45;
	v22 =	vor.u32 v1, v22;
	v17 =	vor.u32 v23, v38;
	v44 =	vld.idx.msk [tilespmem:v29+s17+$0x0], $0xffff  }
0x38a: {  	v24 =	vor.u32 v19, v30;
	v17 =	vor.u32 v5, v17;
	[tilespmem:s16+$0x180] =	vst v27;
	v30 =	vld.idx.msk [tilespmem:v59+s17+$0x0], $0xffff  }
0x38b: {  	v26 =	vadd.s32 v7, v31;
	v31 =	vor.u32 v5, v15;
	v15 =	vor.u32 v40, v20;
	v27 =	vld.idx.msk [tilespmem:v39+s17+$0x0], $0xffff  }
0x38c: {  	v20 =	vadd.s32 v8, v12;
	v29 =	vor.u32 v5, v15;
	v15 =	vadd.s32 v6, v12;
	v47 =	vld.idx.msk [tilespmem:v47+s17+$0x0], $0xffff  }
0x38d: {  	v61 =	vor.u32 v10, v26;
	v12 =	vor.u32 v2, v24;
	v15 =	vor.u32 v49, v15;
	v14 =	vld.idx.msk [tilespmem:v14+s17+$0x0], $0xffff  }
0x38e: {  	s31 =	sshll.u32 s18, $0x2;
	v26 =	vor.u32 v2, v43;
	[tilespmem:s16+$0x80] =	vst v60;
	v25 =	vor.u32 v5, v15;
	v15 =	vor.u32 v49, v42  }
0x38f: {  	s3 =	sor.u32 s5, s31;
	v10 =	vor.u32 v19, v18;
	v19 =	vor.u32 v1, v13;
	v35 =	vor.u32 v3, v15;
	[tilespmem:s16+$0xFFFFFE10] =	vst v44  }
0x390: {  	s3 =	smul.u32 $0x60, s3;
	v18 =	vor.u32 v49, v20;
	v24 =	vor.u32 v2, v61;
	v15 =	vadd.s32 v8, v37;
	[tilespmem:s16+$0x190] =	vst v27  }
0x391: {  	v20 =	vor.u32 v2, v11;
	v10 =	vor.u32 v1, v10;
	v15 =	vor.u32 v23, v15;
	[tilespmem:s16+$0x100] =	vst v47  }
0x392: {  	s18 =	simm.s32 $0x0;
	s19 =	simm.s32 $0x18300;
	s5 =	sadd.s32 s20, s3;
	v13 =	vld.idx.msk [tilespmem:v62+s17+$0x0], $0xffff;
	[tilespmem:s16+$0xFFFFFE80] =	vst v14;
	v14 =	vor.u32 v1, v18;
	v18 =	vor.u32 v1, v63  }
.LBB2_15:
0x393: {  	s3 =	sadd.s32 s18, s15;
	s18 =	sadd.s32 $0x8, s18;
	v23 =	vld.idx.msk [tilespmem:v31+s17+$0x0], $0xffff;
	[tilespmem:s16+$0xFFFFFF00] =	vst v34;
	v9 =	vor.u32 v1, v9;
	v31 =	vor.u32 v1, v15;
	s19 =	sadd.s32 $0x400, s19  }
0x394: {  	v27 =	vor.u32 v2, v33;
	v28 =	vor.u32 v2, v28;
	v32 =	vor.u32 v1, v32;
	s13 =	sadd.s32 $0x8, s3;
	s20 =	sadd.s32 $0x9, s3;
	s21 =	sadd.s32 $0xA, s3;
	v15 =	vld.idx.msk [tilespmem:v35+s17+$0x0], $0xffff  }
0x395: {  	v33 =	vmov s13;
	v34 =	vmov s20;
	v35 =	vmov s21;
	s13 =	sadd.s32 $0xB, s3;
	s20 =	sadd.s32 $0xC, s3;
	s21 =	sadd.s32 $0xD, s3;
	v24 =	vld.idx.msk [tilespmem:v24+s17+$0x0], $0xffff  }
0x396: {  	p0 =	slt.u32 s18, $0x38;
	v11 =	vshll.u32 v33, $0x7;
	v36 =	vmov s13;
	v37 =	vmov s20;
	s13 =	sadd.s32 $0xE, s3;
	s3 =	sadd.s32 $0xF, s3;
	[tilespmem:s16+$0x10] =	vst v30;
	v30 =	vld.idx.msk [tilespmem:v16+s17+$0x0], $0xffff  }
0x397: {  	v11 =	vand.u32 $0x380, v11;
	v38 =	vmov s13;
	v39 =	vmov s3;
	v29 =	vld.idx.msk [tilespmem:v29+s17+$0x0], $0xffff  }
0x398: {  	v16 =	vshll.u32 v34, $0x8;
	v40 =	vshll.u32 v35, $0x8;
	v41 =	vmov s21;
	v17 =	vld.idx.msk [tilespmem:v17+s17+$0x0], $0xffff;
	[tilespmem:s16+$0x1A0] =	vst v13  }
0x399: {  	v33 =	vshll.u32 v33, $0x8;
	v42 =	vand.u32 $0xFFFFF800, v16;
	v40 =	vand.u32 $0xFFFFF800, v40;
	[tilespmem:s16+$0xFFFFFE90] =	vst v23;
	v43 =	vld.idx.msk [tilespmem:v21+s17+$0x0], $0xffff  }
0x39a: {  	v16 =	vadd.s32 v4, v40;
	v44 =	vadd.s32 v8, v40;
	v21 =	vshll.u32 v39, $0x8;
	v26 =	vld.idx.msk [tilespmem:v26+s17+$0x0], $0xffff;
	[tilespmem:s16+$0xFFFFFF80] =	vst v15  }
0x39b: {  	v13 =	vadd.s32 v7, v40;
	v23 =	vshll.u32 v37, $0x8;
	v45 =	vand.u32 $0xFFFFF800, v21;
	[tilespmem:s16+$0xFFFFFE20] =	vst v24;
	v46 =	vld.idx.msk [tilespmem:v25+s17+$0x0], $0xffff  }
0x39c: {  	v47 =	vadd.s32 v4, v42;
	v15 =	vadd.s32 v8, v42;
	v48 =	vadd.s32 v4, v45;
	v32 =	vld.idx.msk [tilespmem:v32+s17+$0x0], $0xffff  }
0x39d: {  	v49 =	vadd.s32 v7, v42;
	v21 =	vand.u32 $0xFFFFF800, v23;
	v23 =	vshll.u32 v37, $0x7;
	v37 =	vld.idx.msk [tilespmem:v22+s17+$0x0], $0xffff;
	[tilespmem:s16+$0xFFFFFF10] =	vst v29  }
0x39e: {  	v24 =	vadd.s32 v4, v21;
	v29 =	vadd.s32 v6, v42;
	v42 =	vshll.u32 v36, $0x8;
	v50 =	vld.idx.msk [tilespmem:v20+s17+$0x0], $0xffff;
	[tilespmem:s16+$0x110] =	vst v17  }
0x39f: {  	v33 =	vand.u32 $0xFFFFF800, v33;
	v25 =	vand.u32 $0x380, v23;
	v22 =	vadd.s32 v8, v45;
	[tilespmem:s16+$0x90] =	vst v30;
	v17 =	vld.idx.msk [tilespmem:v28+s17+$0x0], $0xffff  }
0x3a0: {  	v20 =	vadd.s32 v4, v33;
	v30 =	vadd.s32 v6, v40;
	v28 =	vor.u32 v25, v24;
	v12 =	vld.idx.msk [tilespmem:v12+s17+$0x0], $0xffff  }
0x3a1: {  	v23 =	vshll.u32 v34, $0x7;
	v34 =	vshll.u32 v38, $0x8;
	v24 =	vadd.s32 v8, v33;
	[tilespmem:s16+$0xFFFFFF90] =	vst v46  }
0x3a2: {  	v40 =	vor.u32 v11, v20;
	v20 =	vand.u32 $0x380, v23;
	v23 =	vand.u32 $0xFFFFF800, v34;
	[tilespmem:s16+$0xFFFFFEA0] =	vst v26;
	v26 =	vld.idx.msk [tilespmem:v27+s17+$0x0], $0xffff  }
0x3a3: {  	v34 =	vor.u32 v3, v40;
	v28 =	vor.u32 v3, v28;
	v27 =	vshll.u32 v35, $0x7;
	[tilespmem:s16+$0xFFFFFE30] =	vst v37;
	v19 =	vld.idx.msk [tilespmem:v19+s17+$0x0], $0xffff  }
0x3a4: {  	v40 =	vadd.s32 v4, v23;
	v35 =	vadd.s32 v6, v21;
	v37 =	vadd.s32 v8, v21;
	[tilespmem:s16+$0xFFFFFF20] =	vst v50  }
0x3a5: {  	v39 =	vshll.u32 v39, $0x7;
	v46 =	vadd.s32 v6, v23;
	v50 =	vadd.s32 v6, v45;
	v9 =	vld.idx.msk [tilespmem:v9+s17+$0x0], $0xffff;
	[tilespmem:s16+$0x120] =	vst v17  }
0x3a6: {  	v39 =	vand.u32 $0x380, v39;
	v42 =	vand.u32 $0xFFFFF800, v42;
	v27 =	vand.u32 $0x380, v27;
	[tilespmem:s16+$0x20] =	vst v43;
	v17 =	vld.idx.msk [tilespmem:v31+s17+$0x0], $0xffff  }
0x3a7: {  	v36 =	vshll.u32 v36, $0x7;
	v31 =	vadd.s32 v6, v33;
	v43 =	vor.u32 v39, v48;
	v18 =	vld.idx.msk [tilespmem:v18+s17+$0x0], $0xffff;
	[tilespmem:s16+$0xA0] =	vst v12  }
0x3a8: {  	v12 =	vor.u32 v11, v31;
	v31 =	vshll.u32 v38, $0x7;
	v38 =	vor.u32 v3, v43;
	[tilespmem:s16+$0xFFFFFFA0] =	vst v26;
	v10 =	vld.idx.msk [tilespmem:v10+s17+$0x0], $0xffff  }
0x3a9: {  	v43 =	vadd.s32 v4, v42;
	v26 =	vshll.u32 v41, $0x8;
	v41 =	vshll.u32 v41, $0x7;
	[tilespmem:s16+$0xFFFFFEB0] =	vst v19;
	v14 =	vld.idx.msk [tilespmem:v14+s17+$0x0], $0xffff  }
0x3aa: {  	v48 =	vand.u32 $0xFFFFF800, v26;
	v41 =	vand.u32 $0x380, v41;
	v26 =	vadd.s32 v7, v45;
	v19 =	vld.idx.msk [tilespmem:v34+s17+$0x0], $0xffff;
	[tilespmem:s16+$0x1B0] =	vst v32  }
0x3ab: {  	v32 =	vor.u32 v20, v49;
	v34 =	vadd.s32 v4, v48;
	v28 =	vld.idx.msk [tilespmem:v28+s17+$0x0], $0xffff;
	[tilespmem:s16+$0xFFFFFF30] =	vst v9  }
0x3ac: {  	v12 =	vor.u32 v5, v12;
	v45 =	vor.u32 v39, v50;
	v34 =	vor.u32 v41, v34;
	[tilespmem:s16+$0x130] =	vst v17  }
0x3ad: {  	v9 =	vor.u32 v27, v44;
	v44 =	vand.u32 $0x380, v31;
	v31 =	vadd.s32 v7, v23;
	v38 =	vld.idx.msk [tilespmem:v38+s17+$0x0], $0xffff;
	[tilespmem:s16+$0x30] =	vst v18  }
0x3ae: {  	v26 =	vor.u32 v39, v26;
	v17 =	vor.u32 v3, v34;
	v18 =	vor.u32 v44, v40;
	[tilespmem:s16+$0xB0] =	vst v10  }
0x3af: {  	v34 =	vadd.s32 v7, v48;
	v40 =	vor.u32 v5, v45;
	v10 =	vadd.s32 v6, v48;
	[tilespmem:s16+$0xFFFFFFB0] =	vst v14;
	s16 =	smov.u32 s19  }
0x3b0: {  	v18 =	vor.u32 v3, v18;
	v14 =	vor.u32 v20, v47;
	v10 =	vor.u32 v41, v10;
	[tilespmem:s19+$0xFFFFFE00] =	vst v19  }
0x3b1: {  	v45 =	vadd.s32 v7, v42;
	v19 =	vld.idx.msk [tilespmem:v12+s17+$0x0], $0xffff;
	v12 =	vor.u32 v25, v35;
	v35 =	vor.u32 v44, v46  }
0x3b2: {  	v46 =	vor.u32 v27, v16;
	v16 =	vor.u32 v5, v10;
	[tilespmem:s19+$0x0] =	vst v28;
	v12 =	vor.u32 v5, v12  }
0x3b3: {  	v10 =	vor.u32 v3, v14;
	v14 =	vand.u32 $0x380, v36;
	v36 =	vld.idx.msk [tilespmem:v17+s17+$0x0], $0xffff;
	v17 =	vor.u32 v5, v35;
	[tilespmem:s19+$0x180] =	vst v38  }
0x3b4: {  	v29 =	vor.u32 v20, v29;
	v21 =	vadd.s32 v7, v21;
	v34 =	vor.u32 v41, v34;
	v35 =	vld.idx.msk [tilespmem:v40+s17+$0x0], $0xffff  }
0x3b5: {  	v21 =	vor.u32 v25, v21;
	v33 =	vadd.s32 v7, v33;
	v28 =	vor.u32 v44, v31  }
0x3b6: {  	v38 =	vor.u32 v11, v33;
	v33 =	vor.u32 v3, v46;
	v40 =	vor.u32 v2, v26;
	v18 =	vld.idx.msk [tilespmem:v18+s17+$0x0], $0xffff  }
0x3b7: {  	v31 =	vor.u32 v5, v29;
	v46 =	vadd.s32 v8, v42;
	v26 =	vor.u32 v27, v30  }
0x3b8: {  	v29 =	vor.u32 v5, v26;
	v26 =	vadd.s32 v6, v42;
	v30 =	vld.idx.msk [tilespmem:v12+s17+$0x0], $0xffff;
	v12 =	vor.u32 v2, v34  }
0x3b9: {  	v37 =	vor.u32 v25, v37;
	v21 =	vor.u32 v2, v21;
	v42 =	vld.idx.msk [tilespmem:v10+s17+$0x0], $0xffff;
	v10 =	vor.u32 v14, v26  }
0x3ba: {  	v26 =	vor.u32 v2, v32;
	v32 =	vor.u32 v39, v22;
	v25 =	vor.u32 v5, v10;
	[tilespmem:s19+$0x190] =	vst v35  }
0x3bb: {  	v22 =	vadd.s32 v8, v48;
	v10 =	vor.u32 v14, v43;
	v34 =	vld.idx.msk [tilespmem:v33+s17+$0x0], $0xffff;
	v33 =	vor.u32 v14, v45  }
.Ltmp8:
0x3bc: {  	v11 =	vor.u32 v11, v24;
	v35 =	vor.u32 v3, v10;
	v10 =	vor.u32 v41, v22;
	[tilespmem:s19+$0x100] =	vst v18;
	(pc) =	sbr.rel @p0 .LBB2_15-.Ltmp8, $4  }
0x3bd: {  	v24 =	vor.u32 v2, v38;
	v10 =	vor.u32 v1, v10;
	v18 =	vadd.s32 v8, v23;
	[tilespmem:s19+$0x80] =	vst v36  }
0x3be: {  	v22 =	vor.u32 v1, v11;
	v11 =	vor.u32 v20, v15;
	v15 =	vor.u32 v44, v18;
	[tilespmem:s19+$0xFFFFFE10] =	vst v19  }
0x3bf: {  	v14 =	vor.u32 v14, v46;
	v19 =	vor.u32 v1, v11;
	v11 =	vor.u32 v27, v13;
	v13 =	vld.idx.msk [tilespmem:v40+s17+$0x0], $0xffff  }
0x3c0: {  	v14 =	vor.u32 v1, v14;
	v18 =	vor.u32 v1, v37;
	v20 =	vor.u32 v2, v11;
	[tilespmem:s19+$0xFFFFFE80] =	vst v42  }
0x3c1: {  	_ =	sdelay $0x3  }
0x3c2: {  	v3 =	vld.idx.msk [tilespmem:v35+s17+$0x0], $0xffff  }
0x3c3: {  	v4 =	vld.idx.msk [tilespmem:v31+s17+$0x0], $0xffff  }
0x3c4: {  	[tilespmem:s16+$0xFFFFFF00] =	vst v34;
	v5 =	vld.idx.msk [tilespmem:v24+s17+$0x0], $0xffff;
	v60 =	vor.u32 v1, v32  }
0x3c5: {  	[tilespmem:s16+$0x10] =	vst v30;
	v7 =	vld.idx.msk [tilespmem:v17+s17+$0x0], $0xffff  }
0x3c6: {  	v11 =	vld.idx.msk [tilespmem:v16+s17+$0x0], $0xffff;
	[tilespmem:s16+$0x1A0] =	vst v13  }
0x3c7: {  	v8 =	vor.u32 v2, v28;
	v6 =	vld.idx.msk [tilespmem:v29+s17+$0x0], $0xffff;
	[tilespmem:s16+$0xFFFFFF80] =	vst v3  }
0x3c8: {  	v61 =	vld.idx.msk [tilespmem:v21+s17+$0x0], $0xffff;
	[tilespmem:s16+$0xFFFFFE90] =	vst v4  }
0x3c9: {  	[tilespmem:s16+$0xFFFFFE20] =	vst v5;
	v62 =	vld.idx.msk [tilespmem:v60+s17+$0x0], $0xffff  }
0x3ca: {  	[tilespmem:s16+$0x110] =	vst v7;
	v3 =	vld.idx.msk [tilespmem:v25+s17+$0x0], $0xffff  }
0x3cb: {  	v2 =	vor.u32 v2, v33;
	[tilespmem:s16+$0x90] =	vst v11;
	v4 =	vld.idx.msk [tilespmem:v26+s17+$0x0], $0xffff  }
0x3cc: {  	[tilespmem:s16+$0xFFFFFF10] =	vst v6;
	v8 =	vld.idx.msk [tilespmem:v8+s17+$0x0], $0xffff  }
0x3cd: {  	v9 =	vor.u32 v1, v9;
	v1 =	vor.u32 v1, v15;
	[tilespmem:s16+$0x20] =	vst v61;
	v6 =	vld.idx.msk [tilespmem:v20+s17+$0x0], $0xffff  }
0x3ce: {  	v5 =	vld.idx.msk [tilespmem:v22+s17+$0x0], $0xffff;
	[tilespmem:s16+$0x1B0] =	vst v62  }
0x3cf: {  	[tilespmem:s16+$0xFFFFFF90] =	vst v3;
	v3 =	vld.idx.msk [tilespmem:v12+s17+$0x0], $0xffff  }
0x3d0: {  	[tilespmem:s16+$0xFFFFFEA0] =	vst v4;
	v2 =	vld.idx.msk [tilespmem:v2+s17+$0x0], $0xffff  }
0x3d1: {  	[tilespmem:s16+$0x120] =	vst v8;
	v4 =	vld.idx.msk [tilespmem:v19+s17+$0x0], $0xffff  }
0x3d2: {  	[tilespmem:s16+$0xFFFFFF20] =	vst v6;
	v1 =	vld.idx.msk [tilespmem:v1+s17+$0x0], $0xffff  }
0x3d3: {  	[tilespmem:s16+$0xFFFFFE30] =	vst v5;
	v6 =	vld.idx.msk [tilespmem:v9+s17+$0x0], $0xffff  }
0x3d4: {  	[tilespmem:s16+$0xA0] =	vst v3;
	v3 =	vld.idx.msk [tilespmem:v18+s17+$0x0], $0xffff  }
0x3d5: {  	[tilespmem:s16+$0xFFFFFFA0] =	vst v2;
	v2 =	vld.idx.msk [tilespmem:v10+s17+$0x0], $0xffff  }
0x3d6: {  	[tilespmem:s16+$0xFFFFFEB0] =	vst v4;
	v63 =	vld.idx.msk [tilespmem:v14+s17+$0x0], $0xffff  }
0x3d7: {  	[tilespmem:s16+$0x130] =	vst v1  }
.Ltmp9:
0x3d8: {  	[tilespmem:s16+$0xFFFFFF30] =	vst v6;
	(pc) =	sbr.rel @p1 .LBB2_18-.Ltmp9, $4  }
0x3d9: {  	s3 =	sshll.u32 s5, $0xA;
	[tilespmem:s16+$0x30] =	vst v3  }
0x3da: {  	s3 =	sand.u32 $0x1FFFFC00, s3;
	[tilespmem:s16+$0xB0] =	vst v2  }
0x3db: {  	s31 =	simm.s32 $0x18100;
	s3 =	sadd.s32 s7, s3;
	[tilespmem:s16+$0xFFFFFFB0] =	vst v63  }
0x3dc: {  	[hbm4b:s3+s6] =	stream.linear.scatter [tilespmem:s31], [sflag:$0x8], $0x2000, $0x38;
	[tilespmem:$0x1A100] =	vst v63  }
0x3dd: {  	v1 =	vld [tilespmem:$0x0]  }
0x3de: {  	s3 =	sadd.s32 $0x7, s12;
	v2 =	vld [tilespmem:$0x80]  }
0x3df: {  	s5 =	sand.u32 $0xF, s3  }
0x3e0: {  	v3 =	vmov s5  }
0x3e1: {  	vm4 =	veq.s32 v3, v0  }
0x3e2: {  	v1 =	vnsel vm4, $0x0, v1  }
0x3e3: {  	(xrf0) =	vadd.scan.msk.s32 $0xffff, v1;
	v1 =	vnsel vm4, $0x0, v2  }
0x3e4: {  	(xrf0) =	vadd.scan.msk.s32 $0xffff, v1;
	_ =	sdelay $0x4  }
0x3e5: {  	v1, _, _ =	vpop (xrf0)  }
0x3e6: {  	(v2sf) =	vpush v1, $0xF;
	v1, _, _ =	vpop (xrf0)  }
0x3e7: {  	(v2sf) =	vpush v1, $0xF;
	_ =	sdelay $0x8  }
0x3e8: {  	s25 =	sshrl.u32 s3, $0x4  }
0x3e9: {  	s5 =	sand.u32 $0x3, s25  }
0x3ea: {  	s3 =	sshrl.u32 s3, $0x6;
	s5 =	smul.u32 $0x60, s5  }
0x3eb: {  	s3 =	sadd.s32 s8, s3  }
0x3ec: {  	s3 =	sadd.s32 s5, s3  }
0x3ed: {  	s3 =	sshll.u32 s3, $0x9;
	s26 =	spop (v2sf)  }
0x3ee: {  	s12 =	spop (v2sf);
	s3 =	sadd.s32 s3, s26  }
0x3ef: {  	s3 =	sand.u32 $0xFFFFFFF8, s3;
	s5 =	sand.u32 $0xFFFFFF80, s12  }
0x3f0: {  	p0 =	slt.s32 s3, $0x2FFB8;
	p1 =	slt.s32 s5, $0x100  }
0x3f1: {  	s3 =	simm.s32 @!p0 $0x2FFB8;
	s5 =	simm.s32 @!p1 $0x100  }
0x3f2: {  	s13 =	sshll.u32 s3, $0x6;
	s15 =	sadd.s32 s1, s5  }
0x3f3: {  	s13 =	sadd.s32 s13, s15  }
0x3f4: {  	[tilespmem:s17], [sflag:$0x4] =	stream.linear.gather [hbm4b:s13+s6], $0x400, $0x38;
	[tilespmem:$0x1A100] =	vst v63  }
0x3f5: {  	s16 =	simm.s32 $0xE100;
	s15 =	sadd.s32 $0x200, s13  }
0x3f6: {  	[tilespmem:s16], [sflag:$0x4] =	stream.linear.gather [hbm4b:s15+s6], $0x400, $0x38;
	[tilespmem:$0x1A100] =	vst v63  }
0x3f7: {  	s31 =	simm.s32 $0xE900;
	s18 =	simm.s32 $0xF100;
	s29 =	sadd.s32 $0x400, s13  }
0x3f8: {  	[tilespmem:s31], [sflag:$0x4] =	stream.linear.gather [hbm4b:s29+s6], $0x400, $0x38;
	[tilespmem:$0x1A100] =	vst v63  }
0x3f9: {  	s20 =	simm.s32 $0xF900;
	s12 =	ssub.s32 s12, s5;
	s16 =	sadd.s32 $0x600, s13  }
0x3fa: {  	[tilespmem:s18], [sflag:$0x4] =	stream.linear.gather [hbm4b:s16+s6], $0x400, $0x38;
	[tilespmem:$0x1A100] =	vst v63  }
0x3fb: {  	s22 =	simm.s32 $0x10100;
	p0 =	slt.s32 s12, $0x41;
	s19 =	sadd.s32 $0x800, s13  }
0x3fc: {  	[tilespmem:s20], [sflag:$0x4] =	stream.linear.gather [hbm4b:s19+s6], $0x400, $0x38;
	[tilespmem:$0x1A100] =	vst v63  }
0x3fd: {  	s21 =	sadd.s32 $0xA00, s13;
	s3 =	sshll.u32 @!p0 s3, $0x9;
	s5 =	sshll.u32 @!p0 s5, $0x3  }
0x3fe: {  	[tilespmem:s22], [sflag:$0x4] =	stream.linear.gather [hbm4b:s21+s6], $0x400, $0x38;
	[tilespmem:$0x1A100] =	vst v63  }
0x3ff: {  	s25 =	simm.s32 $0x10900;
	s24 =	sadd.s32 $0xC00, s13;
	s3 =	sadd.s32 @!p0 s3, s5  }
0x400: {  	[tilespmem:s25], [sflag:$0x4] =	stream.linear.gather [hbm4b:s24+s6], $0x400, $0x38;
	[tilespmem:$0x1A100] =	vst v63  }
0x401: {  	s26 =	sadd.s32 $0xE00, s13;
	s3 =	sadd.s32 @!p0 $0x400, s3;
	s29 =	simm.s32 $0x11100  }
0x402: {  	[tilespmem:s29], [sflag:$0x4] =	stream.linear.gather [hbm4b:s26+s6], $0x400, $0x38;
	[tilespmem:$0x1A100] =	vst v63  }
0x403: {  	s13 =	sadd.s32 $0x1000, s13;
	s3 =	sshrl.u32 @!p0 s3, $0x3;
	s31 =	simm.s32 $0x11900  }
0x404: {  	[tilespmem:s31], [sflag:$0x4] =	stream.linear.gather [hbm4b:s13+s6], $0x400, $0x38;
	[tilespmem:$0x1A100] =	vst v63  }
0x405: {  	s12 =	simm.s32 @!p0 $0xDD00;
	s5 =	simm.s32 @!p0 $0x0;
	s3 =	sadd.s32 @!p0 s1, s3  }
0x406: {  	[tilespmem:s12], [sflag:$0x4] =	stream.linear.gather @!p0 [hbm4b:s3+s5], $0x400, $0x38;
	[tilespmem:$0x1A100] =	vst v63  }
0x407: {  	s13 =	simm.s32 @!p0 $0xE500;
	s12 =	sadd.s32 @!p0 $0x200, s3  }
0x408: {  	[tilespmem:s13], [sflag:$0x4] =	stream.linear.gather @!p0 [hbm4b:s12+s5], $0x400, $0x38;
	[tilespmem:$0x1A100] =	vst v63  }
0x409: {  	s12 =	sadd.s32 @!p0 $0x400, s3;
	s13 =	simm.s32 @!p0 $0xED00  }
0x40a: {  	[tilespmem:s13], [sflag:$0x4] =	stream.linear.gather @!p0 [hbm4b:s12+s5], $0x400, $0x38;
	[tilespmem:$0x1A100] =	vst v63  }
0x40b: {  	s12 =	sadd.s32 @!p0 $0x600, s3;
	s13 =	simm.s32 @!p0 $0xF500  }
0x40c: {  	[tilespmem:s13], [sflag:$0x4] =	stream.linear.gather @!p0 [hbm4b:s12+s5], $0x400, $0x38;
	[tilespmem:$0x1A100] =	vst v63  }
0x40d: {  	s12 =	sadd.s32 @!p0 $0x800, s3;
	s13 =	simm.s32 @!p0 $0xFD00  }
0x40e: {  	[tilespmem:s13], [sflag:$0x4] =	stream.linear.gather @!p0 [hbm4b:s12+s5], $0x400, $0x38;
	[tilespmem:$0x1A100] =	vst v63  }
0x40f: {  	s12 =	sadd.s32 @!p0 $0xA00, s3;
	s13 =	simm.s32 @!p0 $0x10500  }
0x410: {  	[tilespmem:s13], [sflag:$0x4] =	stream.linear.gather @!p0 [hbm4b:s12+s5], $0x400, $0x38;
	[tilespmem:$0x1A100] =	vst v63  }
0x411: {  	s12 =	sadd.s32 @!p0 $0xC00, s3;
	s13 =	simm.s32 @!p0 $0x10D00  }
0x412: {  	[tilespmem:s13], [sflag:$0x4] =	stream.linear.gather @!p0 [hbm4b:s12+s5], $0x400, $0x38;
	[tilespmem:$0x1A100] =	vst v63  }
.Ltmp10:
0x413: {  	_ = 	snop;
	(pc) =	sbr.rel .LBB2_2-.Ltmp10, $4  }
0x414: {  	s12 =	sadd.s32 @!p0 $0xE00, s3;
	s13 =	simm.s32 @!p0 $0x11500  }
0x415: {  	[tilespmem:s13], [sflag:$0x4] =	stream.linear.gather @!p0 [hbm4b:s12+s5], $0x400, $0x38;
	[tilespmem:$0x1A100] =	vst v63  }
0x416: {  	s9 =	sadd.s32 $0x1, s9;
	s3 =	sadd.s32 @!p0 $0x1000, s3;
	s12 =	simm.s32 @!p0 $0x11D00  }
0x417: {  	[tilespmem:s12], [sflag:$0x4] =	stream.linear.gather @!p0 [hbm4b:s3+s5], $0x400, $0x38;
	[tilespmem:$0x1A100] =	vst v63  }
.LBB2_19:
0x418: {  	_ =	sfence.sel $0x180000  }
0x419: {  	[bflag:$0x0] =	sbarrier.arrive $0xFFFF  }
0x41a: {  	_ =	strace $0x90000047  }
0x41b: {  	s0 =	stileid.u32;
	[bflag:$0x2] =	sbarrier.arrive $0xFFFF  }
0x41c: {  	p0 =	sne.s32 s0, $0x0;
	s0 =	rddreg [dreg:$0x4]  }
0x41d: {  	s0 =	sadd.s32 @!p0 $0x100000, s0  }
0x41e: {  	[sflag:s0] =	ssyncadd.tile.s32 @!p0 $0x1;
	_ =	shalt  }
.Lfunc_end2:
_tile_overlayer_lowered:
.L_overlay_start_2:
0x41f: {  	(tag) =	ssettag $0x2  }
0x420: {  	s0 =	rddreg [dreg:$0x0];
	s2 =	stileid.u32  }
0x421: {  	s1 =	rddreg [dreg:$0x1];
	p0 =	sne.s32 s2, $0x0  }
0x422: {  	s3 =	rddreg [dreg:$0x2];
	[bflag:$0x3] =	sbarrier.arrive $0xFFFF;
	s2 =	simm.s32 @!p0 $0x1C09  }
0x423: {  	[timem:s3], [sflag:s2] =	dma.local @!p0 [hbm:s0], s1  }
0x424: {  	s0 =	simm.s32 @!p0 $0x9  }
0x425: {  	_ =	swait.ge @!p0 [sflag:s0], s1  }
0x426: {  	s1 =	ssub.s32 @!p0 $0x0, s1;
	[sflag:s0] =	ssyncset.done @!p0 $0x0  }
0x427: {  	[sflag:s0] =	ssyncadd.s32 @!p0 s1  }
0x428: {  	[bflag:$0x3] =	sbarrier.arrive $0xFFFF  }
0x429: {  	_ =	shalt  }

</sc_bundles>
